<compile_context>
chip_gen: v7x
topology: tpu7x:2x2x1
jax: 0.10.2.dev20260603
libtpu: 0.0.44.dev20260713+nightly
codegen_flags: <defaults>
</compile_context>

<pallas_src>
import functools

import jax
import jax.numpy as jnp
from jax import lax
from jax.experimental import pallas as pl
from jax.experimental.pallas import tpu as pltpu
from jax.experimental.pallas import tpu_sc as plsc

N = 320000
D = 128
NUM_SEG = 10000

NC = 2
NS = 16
NW = NC * NS

CHUNK = 128
NCHUNKS = N // CHUNK
NOCT = NCHUNKS // 8
OCT_LO = NOCT // NW
OCT_HI_WORKERS = NOCT - OCT_LO * NW
TAIL_BASE = NOCT * 8
TAIL_N = NCHUNKS - TAIL_BASE
STRIPE = 624
STRIPE_LAST = NUM_SEG - (NS - 1) * STRIPE


def _sc_segment_partials(x, batch2d, zeros_stripe):
    mesh = plsc.VectorSubcoreMesh(core_axis_name="c", subcore_axis_name="s")

    @functools.partial(
        pl.kernel,
        mesh=mesh,
        out_type=jax.ShapeDtypeStruct((NC, NUM_SEG, D), jnp.float32),
        scratch_types=[
            pltpu.VMEM((CHUNK, D), jnp.float32),
            pltpu.VMEM((CHUNK, D), jnp.float32),
            pltpu.VMEM((8, CHUNK), jnp.int32),
            pltpu.VMEM((8, CHUNK), jnp.int32),
            pltpu.VMEM_SHARED((NUM_SEG, D), jnp.float32),
            pltpu.SemaphoreType.DMA,
            pltpu.SemaphoreType.DMA,
            pltpu.SemaphoreType.DMA,
            pltpu.SemaphoreType.DMA,
        ],
    )
    def k(x_hbm, b_hbm, z_hbm, out_hbm, rows0, rows1, idx0, idx1, acc,
          sem0, sem1, sem_i, sem_sc):
        cid = lax.axis_index("c")
        sid = lax.axis_index("s")
        wid = sid * NC + cid

        base_oct = wid * OCT_LO + jnp.minimum(wid, OCT_HI_WORKERS)
        n_oct = OCT_LO + (wid < OCT_HI_WORKERS).astype(jnp.int32)
        base = base_oct * 8
        count = n_oct * 8
        rows = (rows0, rows1)
        rsem = (sem0, sem1)
        idxb = (idx0, idx1)

        def fill(b, c):
            pltpu.async_copy(x_hbm.at[pl.ds(c * CHUNK, CHUNK)], rows[b],
                             rsem[b])

        def wait_fill(b, c):
            pltpu.make_async_copy(x_hbm.at[pl.ds(c * CHUNK, CHUNK)], rows[b],
                                  rsem[b]).wait()

        fill(0, base)
        fill(1, base + 1)
        pltpu.async_copy(b_hbm.at[pl.ds(base_oct * 8, 8)], idx0, sem_i)
        pltpu.async_copy(b_hbm.at[pl.ds((base_oct + 1) * 8, 8)], idx1, sem_i)

        @pl.when(sid < NS - 1)
        def _():
            pltpu.sync_copy(z_hbm.at[pl.ds(0, STRIPE)],
                            acc.at[pl.ds(sid * STRIPE, STRIPE)])

        @pl.when(sid == NS - 1)
        def _():
            pltpu.sync_copy(z_hbm,
                            acc.at[pl.ds((NS - 1) * STRIPE, STRIPE_LAST)])

        plsc.subcore_barrier()

        def octad(o, carry):
            ob = idxb[0], idxb[1]
            for ib_static in (0, 1):
                @pl.when(o % 2 == ib_static)
                def _():
                    ib = ob[ib_static]
                    pltpu.make_async_copy(
                        b_hbm.at[pl.ds((base_oct + o) * 8, 8)], ib,
                        sem_i).wait()

                    for kk in range(8):
                        c = base + o * 8 + kk
                        b = kk % 2
                        wait_fill(b, c)
                        pltpu.async_copy(rows[b], acc.at[ib.at[kk]], sem_sc,
                                         add=True).wait()

                        @pl.when(c + 2 < base + count)
                        def _():
                            fill(b, c + 2)

                    @pl.when(o + 2 < n_oct)
                    def _():
                        pltpu.async_copy(
                            b_hbm.at[pl.ds((base_oct + o + 2) * 8, 8)], ib,
                            sem_i)

            return carry

        lax.fori_loop(0, n_oct, octad, 0)

        @pl.when(wid == NW - 1)
        def _():
            pltpu.sync_copy(b_hbm.at[pl.ds(TAIL_BASE, TAIL_N)],
                            idx0.at[pl.ds(0, TAIL_N)])
            for kk in range(TAIL_N):
                pltpu.sync_copy(
                    x_hbm.at[pl.ds((TAIL_BASE + kk) * CHUNK, CHUNK)], rows0)
                pltpu.sync_copy(rows0, acc.at[idx0.at[kk]], add=True)

        plsc.subcore_barrier()

        @pl.when(sid < NS - 1)
        def _():
            pltpu.sync_copy(
                acc.at[pl.ds(sid * STRIPE, STRIPE)],
                out_hbm.at[cid].at[pl.ds(sid * STRIPE, STRIPE)],
            )

        @pl.when(sid == NS - 1)
        def _():
            pltpu.sync_copy(
                acc.at[pl.ds((NS - 1) * STRIPE, STRIPE_LAST)],
                out_hbm.at[cid].at[pl.ds((NS - 1) * STRIPE, STRIPE_LAST)],
            )

    return k(x, batch2d, zeros_stripe)


def _add_partials(partials):
    def body(a_ref, b_ref, o_ref):
        o_ref[...] = a_ref[0] + b_ref[0]

    blk = 2000
    return pl.pallas_call(
        body,
        grid=(NUM_SEG // blk,),
        in_specs=[
            pl.BlockSpec((1, blk, D), lambda i: (0, i, 0)),
            pl.BlockSpec((1, blk, D), lambda i: (1, i, 0)),
        ],
        out_specs=pl.BlockSpec((blk, D), lambda i: (i, 0)),
        out_shape=jax.ShapeDtypeStruct((NUM_SEG, D), jnp.float32),
    )(partials, partials)


@jax.jit
def kernel(x, batch):
    batch2d = batch.astype(jnp.int32).reshape(NCHUNKS, CHUNK)
    zeros_stripe = jnp.zeros((STRIPE_LAST, D), jnp.float32)
    partials = _sc_segment_partials(x, batch2d, zeros_stripe)
    return _add_partials(partials)

# --- scband reference (transcript-rebuilt; emitter-appended) ---
"""Pipeline reference for scband-output-model-61254823575938 (READ-ONLY COPY).

The authoritative reference and input builder live on the scoring server;
editing this copy changes nothing except your own understanding.
"""

import jax, jax.numpy as jnp
import numpy as np

N = 320000
D = 128
NUM_SEG = 10000

def setup_inputs(seed: int = 0) -> dict:
    key = jax.random.key(seed)
    k1, k2 = jax.random.split(key)
    x = jax.random.normal(k1, (N, D), dtype=jnp.float32)
    batch = jnp.sort(jax.random.randint(k2, (N,), 0, NUM_SEG)).astype(jnp.int64)
    # ensure dim_size == NUM_SEG (mirrors batch.max()+1 in the torch module)
    batch = batch.at[-1].set(NUM_SEG - 1)
    return {"x": x, "batch": batch}

def reference(x, batch):
    # OutputModel.reduce: dim_size = int(batch.max().item() + 1);
    # scatter(x, batch, dim=0, dim_size=dim_size, reduce='sum')
    # setup_inputs guarantees batch.max() == NUM_SEG - 1 on every seed,
    # so dim_size is the static constant NUM_SEG; batch stays consumed below.
    dim_size = NUM_SEG
    out = jax.ops.segment_sum(x, batch, num_segments=dim_size)
    # post_reduce is identity in the base class
    return out

if __name__ == "__main__":
    import jax
    _d = setup_inputs()
    print(jax.jit(kernel)(*tuple(_d.values())))

</pallas_src>

<mosaic_0001>
#map = affine_map<(d0, d1) -> (0, 0)>
#map1 = affine_map<(d0, d1) -> (0, 0, 0)>
module attributes {stable_mosaic.version = 14 : i64} {
  func.func @k(%arg0: i32, %arg1: i32, %arg2: memref<320000x128xf32, #tpu.memory_space<hbm>>, %arg3: memref<2500x128xi32, #tpu.memory_space<hbm>>, %arg4: memref<640x128xf32, #tpu.memory_space<hbm>>, %arg5: memref<2x10000x128xf32, #tpu.memory_space<hbm>>, %arg6: memref<128x128xf32, #tpu.memory_space<vmem>>, %arg7: memref<128x128xf32, #tpu.memory_space<vmem>>, %arg8: memref<8x128xi32, #tpu.memory_space<vmem>>, %arg9: memref<8x128xi32, #tpu.memory_space<vmem>>, %arg10: memref<10000x128xf32, #tpu.memory_space<vmem_shared>>, %arg11: memref<!tpu.dma_semaphore, #tpu.memory_space<semaphore_mem>>, %arg12: memref<!tpu.dma_semaphore, #tpu.memory_space<semaphore_mem>>, %arg13: memref<!tpu.dma_semaphore, #tpu.memory_space<semaphore_mem>>, %arg14: memref<!tpu.dma_semaphore, #tpu.memory_space<semaphore_mem>>) attributes {dimension_semantics = [#tpu.dimension_semantics<core_parallel>, #tpu.dimension_semantics<subcore_parallel>], iteration_bounds = array<i64: 2, 16>, scalar_prefetch = 0 : i64, scratch_operands = 9 : i64, tpu.core_type = #tpu.core_type<sc_vector_subcore>, window_params = [{transform_indices = #map}, {transform_indices = #map}, {transform_indices = #map}, {transform_indices = #map1}]} {
    %mul3A = arith.constant 2 : i32
    %mul3A_0 = arith.muli %arg1, %mul3A : i32
    %add3A = arith.addi %mul3A_0, %arg0 : i32
    %mul3A_1 = arith.constant 9 : i32
    %mul3A_2 = arith.muli %add3A, %mul3A_1 : i32
    %min3A = arith.constant 24 : i32
    %min3A_3 = arith.minsi %add3A, %min3A : i32
    %add3A_4 = arith.addi %mul3A_2, %min3A_3 : i32
    %lt3A = arith.constant 24 : i32
    %lt3A_5 = arith.cmpi slt, %add3A, %lt3A : i32
    %convert_element_type3A = arith.extui %lt3A_5 : i1 to i32
    %add3A_6 = arith.constant 9 : i32
    %add3A_7 = arith.addi %add3A_6, %convert_element_type3A : i32
    %mul3A_8 = arith.constant 8 : i32
    %mul3A_9 = arith.muli %add3A_4, %mul3A_8 : i32
    %mul3A_10 = arith.constant 8 : i32
    %mul3A_11 = arith.muli %add3A_7, %mul3A_10 : i32
    %mul3A_12 = arith.constant 128 : i32
    %mul3A_13 = arith.muli %mul3A_9, %mul3A_12 : i32
    %dma_start3A = arith.constant 0 : i32
    %dma_start3A_14 = tpu.memref_slice %arg2[%mul3A_13, %dma_start3A] : memref<320000x128xf32, #tpu.memory_space<hbm>> -> memref<128x128xf32, #tpu.memory_space<hbm>>
    %dma_start3A_15 = arith.constant 0 : i32
    %dma_start3A_16 = tpu.memref_slice %arg2[%mul3A_13, %dma_start3A_15] : memref<320000x128xf32, #tpu.memory_space<hbm>> -> memref<128x128xf32, #tpu.memory_space<hbm>>
    tpu.enqueue_dma source(%dma_start3A_16 : memref<128x128xf32, #tpu.memory_space<hbm>>) target(%arg6 : memref<128x128xf32, #tpu.memory_space<vmem>>) target_semaphore(%arg11 : memref<!tpu.dma_semaphore, #tpu.memory_space<semaphore_mem>>)
    %add3A_17 = arith.constant 1 : i32
    %add3A_18 = arith.addi %mul3A_9, %add3A_17 : i32
    %mul3A_19 = arith.constant 128 : i32
    %mul3A_20 = arith.muli %add3A_18, %mul3A_19 : i32
    %dma_start3A_21 = arith.constant 0 : i32
    %dma_start3A_22 = tpu.memref_slice %arg2[%mul3A_20, %dma_start3A_21] : memref<320000x128xf32, #tpu.memory_space<hbm>> -> memref<128x128xf32, #tpu.memory_space<hbm>>
    %dma_start3A_23 = arith.constant 0 : i32
    %dma_start3A_24 = tpu.memref_slice %arg2[%mul3A_20, %dma_start3A_23] : memref<320000x128xf32, #tpu.memory_space<hbm>> -> memref<128x128xf32, #tpu.memory_space<hbm>>
    tpu.enqueue_dma source(%dma_start3A_24 : memref<128x128xf32, #tpu.memory_space<hbm>>) target(%arg7 : memref<128x128xf32, #tpu.memory_space<vmem>>) target_semaphore(%arg12 : memref<!tpu.dma_semaphore, #tpu.memory_space<semaphore_mem>>)
    %mul3A_25 = arith.constant 8 : i32
    %mul3A_26 = arith.muli %add3A_4, %mul3A_25 : i32
    %dma_start3A_27 = arith.constant 0 : i32
    %dma_start3A_28 = tpu.memref_slice %arg3[%mul3A_26, %dma_start3A_27] : memref<2500x128xi32, #tpu.memory_space<hbm>> -> memref<8x128xi32, #tpu.memory_space<hbm>>
    %dma_start3A_29 = arith.constant 0 : i32
    %dma_start3A_30 = tpu.memref_slice %arg3[%mul3A_26, %dma_start3A_29] : memref<2500x128xi32, #tpu.memory_space<hbm>> -> memref<8x128xi32, #tpu.memory_space<hbm>>
    tpu.enqueue_dma source(%dma_start3A_30 : memref<8x128xi32, #tpu.memory_space<hbm>>) target(%arg8 : memref<8x128xi32, #tpu.memory_space<vmem>>) target_semaphore(%arg13 : memref<!tpu.dma_semaphore, #tpu.memory_space<semaphore_mem>>)
    %add3A_31 = arith.constant 1 : i32
    %add3A_32 = arith.addi %add3A_4, %add3A_31 : i32
    %mul3A_33 = arith.constant 8 : i32
    %mul3A_34 = arith.muli %add3A_32, %mul3A_33 : i32
    %dma_start3A_35 = arith.constant 0 : i32
    %dma_start3A_36 = tpu.memref_slice %arg3[%mul3A_34, %dma_start3A_35] : memref<2500x128xi32, #tpu.memory_space<hbm>> -> memref<8x128xi32, #tpu.memory_space<hbm>>
    %dma_start3A_37 = arith.constant 0 : i32
    %dma_start3A_38 = tpu.memref_slice %arg3[%mul3A_34, %dma_start3A_37] : memref<2500x128xi32, #tpu.memory_space<hbm>> -> memref<8x128xi32, #tpu.memory_space<hbm>>
    tpu.enqueue_dma source(%dma_start3A_38 : memref<8x128xi32, #tpu.memory_space<hbm>>) target(%arg9 : memref<8x128xi32, #tpu.memory_space<vmem>>) target_semaphore(%arg13 : memref<!tpu.dma_semaphore, #tpu.memory_space<semaphore_mem>>)
    %lt3A_39 = arith.constant 15 : i32
    %lt3A_40 = arith.cmpi slt, %arg1, %lt3A_39 : i32
    %convert_element_type3A_41 = arith.extui %lt3A_40 : i1 to i32
    %cond3A = arith.constant 0 : i32
    %cond3A_42 = arith.cmpi ne, %convert_element_type3A_41, %cond3A : i32
    scf.if %cond3A_42 {
      %mul3A_72 = arith.constant 624 : i32
      %mul3A_73 = arith.muli %arg1, %mul3A_72 : i32
      "tpu.region"() ({
        %run_scoped3A = tpu.sem_alloc : memref<!tpu.dma_semaphore, #tpu.memory_space<semaphore_mem>>
        %dma_start3A_74 = arith.constant 0 : i32
        %dma_start3A_75 = tpu.memref_slice %arg10[%mul3A_73, %dma_start3A_74] : memref<10000x128xf32, #tpu.memory_space<vmem_shared>> -> memref<624x128xf32, #tpu.memory_space<vmem_shared>>
        %dma_start3A_76 = arith.constant 0 : i32
        %dma_start3A_77 = arith.constant 0 : i32
        %dma_start3A_78 = tpu.memref_slice %arg4[%dma_start3A_76, %dma_start3A_77] : memref<640x128xf32, #tpu.memory_space<hbm>> -> memref<624x128xf32, #tpu.memory_space<hbm>>
        tpu.enqueue_dma source(%dma_start3A_78 : memref<624x128xf32, #tpu.memory_space<hbm>>) target(%dma_start3A_75 : memref<624x128xf32, #tpu.memory_space<vmem_shared>>) target_semaphore(%run_scoped3A : memref<!tpu.dma_semaphore, #tpu.memory_space<semaphore_mem>>)
        %dma_wait3A = arith.constant 0 : i32
        %dma_wait3A_79 = tpu.memref_slice %arg10[%mul3A_73, %dma_wait3A] : memref<10000x128xf32, #tpu.memory_space<vmem_shared>> -> memref<624x128xf32, #tpu.memory_space<vmem_shared>>
        %dma_wait3A_80 = arith.constant 0 : i32
        %dma_wait3A_81 = arith.constant 0 : i32
        %dma_wait3A_82 = tpu.memref_slice %arg4[%dma_wait3A_80, %dma_wait3A_81] : memref<640x128xf32, #tpu.memory_space<hbm>> -> memref<624x128xf32, #tpu.memory_space<hbm>>
        tpu.wait_dma2 semaphore(%run_scoped3A : memref<!tpu.dma_semaphore, #tpu.memory_space<semaphore_mem>>) src(%dma_wait3A_82 : memref<624x128xf32, #tpu.memory_space<hbm>>) dst(%dma_wait3A_79 : memref<624x128xf32, #tpu.memory_space<vmem_shared>>)
        tpu.yield
      }) : () -> ()
    } else {
    }
    %eq3A = arith.constant 15 : i32
    %eq3A_43 = arith.cmpi eq, %arg1, %eq3A : i32
    %convert_element_type3A_44 = arith.extui %eq3A_43 : i1 to i32
    %cond3A_45 = arith.constant 0 : i32
    %cond3A_46 = arith.cmpi ne, %convert_element_type3A_44, %cond3A_45 : i32
    scf.if %cond3A_46 {
      "tpu.region"() ({
        %run_scoped3A = tpu.sem_alloc : memref<!tpu.dma_semaphore, #tpu.memory_space<semaphore_mem>>
        %dma_start3A_72 = arith.constant 9360 : i32
        %dma_start3A_73 = arith.constant 0 : i32
        %dma_start3A_74 = tpu.memref_slice %arg10[%dma_start3A_72, %dma_start3A_73] : memref<10000x128xf32, #tpu.memory_space<vmem_shared>> -> memref<640x128xf32, #tpu.memory_space<vmem_shared>>
        tpu.enqueue_dma source(%arg4 : memref<640x128xf32, #tpu.memory_space<hbm>>) target(%dma_start3A_74 : memref<640x128xf32, #tpu.memory_space<vmem_shared>>) target_semaphore(%run_scoped3A : memref<!tpu.dma_semaphore, #tpu.memory_space<semaphore_mem>>)
        %dma_wait3A = arith.constant 9360 : i32
        %dma_wait3A_75 = arith.constant 0 : i32
        %dma_wait3A_76 = tpu.memref_slice %arg10[%dma_wait3A, %dma_wait3A_75] : memref<10000x128xf32, #tpu.memory_space<vmem_shared>> -> memref<640x128xf32, #tpu.memory_space<vmem_shared>>
        tpu.wait_dma2 semaphore(%run_scoped3A : memref<!tpu.dma_semaphore, #tpu.memory_space<semaphore_mem>>) src(%arg4 : memref<640x128xf32, #tpu.memory_space<hbm>>) dst(%dma_wait3A_76 : memref<640x128xf32, #tpu.memory_space<vmem_shared>>)
        tpu.yield
      }) : () -> ()
    } else {
    }
    %barrier3A = arith.constant 0 : index
    tpu.barrier barrier_id(%barrier3A)
    %while3A = arith.constant 0 : i32
    %while3A_47 = arith.constant 0 : i32
    %while3A_48 = arith.subi %add3A_7, %while3A_47 : i32
    %while3A_49 = arith.addi %while3A_47, %while3A_48 : i32
    %while3A_50 = arith.constant 1 : i32
    %while3A_51 = arith.divsi %while3A_48, %while3A_50 : i32
    %while3A_52 = arith.muli %while3A_51, %while3A_50 : i32
    %while3A_53 = arith.addi %while3A_47, %while3A_52 : i32
    %while3A_54 = arith.constant 1 : i32
    scf.for %while3A_72 = %while3A_47 to %while3A_53 step %while3A_54  : i32 {
      %jit3A = arith.constant 2 : i32
      %eq3A_73 = arith.constant 0 : i32
      %eq3A_74 = arith.cmpi eq, %jit3A, %eq3A_73 : i32
      %jit3A_75 = arith.constant 1 : i32
      %select_n3A = arith.select %eq3A_74, %jit3A_75, %jit3A : i32
      %rem3A = arith.remsi %while3A_72, %select_n3A : i32
      %ne3A = arith.constant 0 : i32
      %ne3A_76 = arith.cmpi ne, %rem3A, %ne3A : i32
      %lt3A_77 = arith.constant 0 : i32
      %lt3A_78 = arith.cmpi slt, %rem3A, %lt3A_77 : i32
      %lt3A_79 = arith.constant 0 : i32
      %lt3A_80 = arith.cmpi slt, %select_n3A, %lt3A_79 : i32
      %ne3A_81 = arith.xori %lt3A_78, %lt3A_80 : i1
      %and3A = arith.andi %ne3A_81, %ne3A_76 : i1
      %add3A_82 = arith.addi %rem3A, %select_n3A : i32
      %select_n3A_83 = arith.select %and3A, %add3A_82, %rem3A : i32
      %eq3A_84 = arith.constant 0 : i32
      %eq3A_85 = arith.cmpi eq, %select_n3A_83, %eq3A_84 : i32
      %convert_element_type3A_86 = arith.extui %eq3A_85 : i1 to i32
      %cond3A_87 = arith.constant 0 : i32
      %cond3A_88 = arith.cmpi ne, %convert_element_type3A_86, %cond3A_87 : i32
      scf.if %cond3A_88 {
        %add3A_110 = arith.addi %add3A_4, %while3A_72 : i32
        %mul3A_111 = arith.constant 8 : i32
        %mul3A_112 = arith.muli %add3A_110, %mul3A_111 : i32
        %dma_wait3A = arith.constant 0 : i32
        %dma_wait3A_113 = tpu.memref_slice %arg3[%mul3A_112, %dma_wait3A] : memref<2500x128xi32, #tpu.memory_space<hbm>> -> memref<8x128xi32, #tpu.memory_space<hbm>>
        %dma_wait3A_114 = arith.constant 0 : i32
        %dma_wait3A_115 = tpu.memref_slice %arg3[%mul3A_112, %dma_wait3A_114] : memref<2500x128xi32, #tpu.memory_space<hbm>> -> memref<8x128xi32, #tpu.memory_space<hbm>>
        tpu.wait_dma2 semaphore(%arg13 : memref<!tpu.dma_semaphore, #tpu.memory_space<semaphore_mem>>) src(%dma_wait3A_115 : memref<8x128xi32, #tpu.memory_space<hbm>>) dst(%arg8 : memref<8x128xi32, #tpu.memory_space<vmem>>)
        %mul3A_116 = arith.constant 8 : i32
        %mul3A_117 = arith.muli %while3A_72, %mul3A_116 : i32
        %add3A_118 = arith.addi %mul3A_9, %mul3A_117 : i32
        %add3A_119 = arith.constant 0 : i32
        %add3A_120 = arith.addi %add3A_118, %add3A_119 : i32
        %mul3A_121 = arith.constant 128 : i32
        %mul3A_122 = arith.muli %add3A_120, %mul3A_121 : i32
        %dma_wait3A_123 = arith.constant 0 : i32
        %dma_wait3A_124 = tpu.memref_slice %arg2[%mul3A_122, %dma_wait3A_123] : memref<320000x128xf32, #tpu.memory_space<hbm>> -> memref<128x128xf32, #tpu.memory_space<hbm>>
        %dma_wait3A_125 = arith.constant 0 : i32
        %dma_wait3A_126 = tpu.memref_slice %arg2[%mul3A_122, %dma_wait3A_125] : memref<320000x128xf32, #tpu.memory_space<hbm>> -> memref<128x128xf32, #tpu.memory_space<hbm>>
        tpu.wait_dma2 semaphore(%arg11 : memref<!tpu.dma_semaphore, #tpu.memory_space<semaphore_mem>>) src(%dma_wait3A_126 : memref<128x128xf32, #tpu.memory_space<hbm>>) dst(%arg6 : memref<128x128xf32, #tpu.memory_space<vmem>>)
        %dma_start3A_127 = arith.constant 0 : i32
        %dma_start3A_128 = arith.constant 0 : i32
        %dma_start3A_129 = tpu.memref_slice %arg8[%dma_start3A_127, %dma_start3A_128] : memref<8x128xi32, #tpu.memory_space<vmem>> -> memref<1x128xi32, #tpu.memory_space<vmem>>
        %dma_start3A_130 = tpu.memref_squeeze %dma_start3A_129 : memref<1x128xi32, #tpu.memory_space<vmem>> -> memref<128xi32, #tpu.memory_space<vmem>>
        %dma_start3A_131 = arith.constant 0 : i32
        %dma_start3A_132 = arith.constant 0 : i32
        %dma_start3A_133 = tpu.memref_slice %arg10[%dma_start3A_131, %dma_start3A_132] : memref<10000x128xf32, #tpu.memory_space<vmem_shared>> -> memref<10000x128xf32, #tpu.memory_space<vmem_shared>>
        tpu.enqueue_indirect_dma source(%arg6 : memref<128x128xf32, #tpu.memory_space<vmem>>) target(%dma_start3A_133 : memref<10000x128xf32, #tpu.memory_space<vmem_shared>>) offsets(%dma_start3A_130 : memref<128xi32, #tpu.memory_space<vmem>>) semaphore(%arg14 : memref<!tpu.dma_semaphore, #tpu.memory_space<semaphore_mem>>) {add = true}
        %dma_wait3A_134 = arith.constant 0 : i32
        %dma_wait3A_135 = arith.constant 0 : i32
        %dma_wait3A_136 = tpu.memref_slice %arg8[%dma_wait3A_134, %dma_wait3A_135] : memref<8x128xi32, #tpu.memory_space<vmem>> -> memref<1x128xi32, #tpu.memory_space<vmem>>
        %dma_wait3A_137 = tpu.memref_squeeze %dma_wait3A_136 : memref<1x128xi32, #tpu.memory_space<vmem>> -> memref<128xi32, #tpu.memory_space<vmem>>
        %dma_wait3A_138 = arith.constant 0 : i32
        %dma_wait3A_139 = arith.constant 0 : i32
        %dma_wait3A_140 = tpu.memref_slice %arg10[%dma_wait3A_138, %dma_wait3A_139] : memref<10000x128xf32, #tpu.memory_space<vmem_shared>> -> memref<10000x128xf32, #tpu.memory_space<vmem_shared>>
        tpu.wait_indirect_dma semaphore(%arg14 : memref<!tpu.dma_semaphore, #tpu.memory_space<semaphore_mem>>) src(%arg6 : memref<128x128xf32, #tpu.memory_space<vmem>>) dst(%dma_wait3A_140 : memref<10000x128xf32, #tpu.memory_space<vmem_shared>>)
        %add3A_141 = arith.constant 2 : i32
        %add3A_142 = arith.addi %add3A_120, %add3A_141 : i32
        %add3A_143 = arith.addi %mul3A_9, %mul3A_11 : i32
        %lt3A_144 = arith.cmpi slt, %add3A_142, %add3A_143 : i32
        %convert_element_type3A_145 = arith.extui %lt3A_144 : i1 to i32
        %cond3A_146 = arith.constant 0 : i32
        %cond3A_147 = arith.cmpi ne, %convert_element_type3A_145, %cond3A_146 : i32
        scf.if %cond3A_147 {
          %add3A_378 = arith.constant 2 : i32
          %add3A_379 = arith.addi %add3A_120, %add3A_378 : i32
          %mul3A_380 = arith.constant 128 : i32
          %mul3A_381 = arith.muli %add3A_379, %mul3A_380 : i32
          %dma_start3A_382 = arith.constant 0 : i32
          %dma_start3A_383 = tpu.memref_slice %arg2[%mul3A_381, %dma_start3A_382] : memref<320000x128xf32, #tpu.memory_space<hbm>> -> memref<128x128xf32, #tpu.memory_space<hbm>>
          %dma_start3A_384 = arith.constant 0 : i32
          %dma_start3A_385 = tpu.memref_slice %arg2[%mul3A_381, %dma_start3A_384] : memref<320000x128xf32, #tpu.memory_space<hbm>> -> memref<128x128xf32, #tpu.memory_space<hbm>>
          tpu.enqueue_dma source(%dma_start3A_385 : memref<128x128xf32, #tpu.memory_space<hbm>>) target(%arg6 : memref<128x128xf32, #tpu.memory_space<vmem>>) target_semaphore(%arg11 : memref<!tpu.dma_semaphore, #tpu.memory_space<semaphore_mem>>)
        } else {
        }
        %mul3A_148 = arith.constant 8 : i32
        %mul3A_149 = arith.muli %while3A_72, %mul3A_148 : i32
        %add3A_150 = arith.addi %mul3A_9, %mul3A_149 : i32
        %add3A_151 = arith.constant 1 : i32
        %add3A_152 = arith.addi %add3A_150, %add3A_151 : i32
        %mul3A_153 = arith.constant 128 : i32
        %mul3A_154 = arith.muli %add3A_152, %mul3A_153 : i32
        %dma_wait3A_155 = arith.constant 0 : i32
        %dma_wait3A_156 = tpu.memref_slice %arg2[%mul3A_154, %dma_wait3A_155] : memref<320000x128xf32, #tpu.memory_space<hbm>> -> memref<128x128xf32, #tpu.memory_space<hbm>>
        %dma_wait3A_157 = arith.constant 0 : i32
        %dma_wait3A_158 = tpu.memref_slice %arg2[%mul3A_154, %dma_wait3A_157] : memref<320000x128xf32, #tpu.memory_space<hbm>> -> memref<128x128xf32, #tpu.memory_space<hbm>>
        tpu.wait_dma2 semaphore(%arg12 : memref<!tpu.dma_semaphore, #tpu.memory_space<semaphore_mem>>) src(%dma_wait3A_158 : memref<128x128xf32, #tpu.memory_space<hbm>>) dst(%arg7 : memref<128x128xf32, #tpu.memory_space<vmem>>)
        %dma_start3A_159 = arith.constant 1 : i32
        %dma_start3A_160 = arith.constant 0 : i32
        %dma_start3A_161 = tpu.memref_slice %arg8[%dma_start3A_159, %dma_start3A_160] : memref<8x128xi32, #tpu.memory_space<vmem>> -> memref<1x128xi32, #tpu.memory_space<vmem>>
        %dma_start3A_162 = tpu.memref_squeeze %dma_start3A_161 : memref<1x128xi32, #tpu.memory_space<vmem>> -> memref<128xi32, #tpu.memory_space<vmem>>
        %dma_start3A_163 = arith.constant 0 : i32
        %dma_start3A_164 = arith.constant 0 : i32
        %dma_start3A_165 = tpu.memref_slice %arg10[%dma_start3A_163, %dma_start3A_164] : memref<10000x128xf32, #tpu.memory_space<vmem_shared>> -> memref<10000x128xf32, #tpu.memory_space<vmem_shared>>
        tpu.enqueue_indirect_dma source(%arg7 : memref<128x128xf32, #tpu.memory_space<vmem>>) target(%dma_start3A_165 : memref<10000x128xf32, #tpu.memory_space<vmem_shared>>) offsets(%dma_start3A_162 : memref<128xi32, #tpu.memory_space<vmem>>) semaphore(%arg14 : memref<!tpu.dma_semaphore, #tpu.memory_space<semaphore_mem>>) {add = true}
        %dma_wait3A_166 = arith.constant 1 : i32
        %dma_wait3A_167 = arith.constant 0 : i32
        %dma_wait3A_168 = tpu.memref_slice %arg8[%dma_wait3A_166, %dma_wait3A_167] : memref<8x128xi32, #tpu.memory_space<vmem>> -> memref<1x128xi32, #tpu.memory_space<vmem>>
        %dma_wait3A_169 = tpu.memref_squeeze %dma_wait3A_168 : memref<1x128xi32, #tpu.memory_space<vmem>> -> memref<128xi32, #tpu.memory_space<vmem>>
        %dma_wait3A_170 = arith.constant 0 : i32
        %dma_wait3A_171 = arith.constant 0 : i32
        %dma_wait3A_172 = tpu.memref_slice %arg10[%dma_wait3A_170, %dma_wait3A_171] : memref<10000x128xf32, #tpu.memory_space<vmem_shared>> -> memref<10000x128xf32, #tpu.memory_space<vmem_shared>>
        tpu.wait_indirect_dma semaphore(%arg14 : memref<!tpu.dma_semaphore, #tpu.memory_space<semaphore_mem>>) src(%arg7 : memref<128x128xf32, #tpu.memory_space<vmem>>) dst(%dma_wait3A_172 : memref<10000x128xf32, #tpu.memory_space<vmem_shared>>)
        %add3A_173 = arith.constant 2 : i32
        %add3A_174 = arith.addi %add3A_152, %add3A_173 : i32
        %add3A_175 = arith.addi %mul3A_9, %mul3A_11 : i32
        %lt3A_176 = arith.cmpi slt, %add3A_174, %add3A_175 : i32
        %convert_element_type3A_177 = arith.extui %lt3A_176 : i1 to i32
        %cond3A_178 = arith.constant 0 : i32
        %cond3A_179 = arith.cmpi ne, %convert_element_type3A_177, %cond3A_178 : i32
        scf.if %cond3A_179 {
          %add3A_378 = arith.constant 2 : i32
          %add3A_379 = arith.addi %add3A_152, %add3A_378 : i32
          %mul3A_380 = arith.constant 128 : i32
          %mul3A_381 = arith.muli %add3A_379, %mul3A_380 : i32
          %dma_start3A_382 = arith.constant 0 : i32
          %dma_start3A_383 = tpu.memref_slice %arg2[%mul3A_381, %dma_start3A_382] : memref<320000x128xf32, #tpu.memory_space<hbm>> -> memref<128x128xf32, #tpu.memory_space<hbm>>
          %dma_start3A_384 = arith.constant 0 : i32
          %dma_start3A_385 = tpu.memref_slice %arg2[%mul3A_381, %dma_start3A_384] : memref<320000x128xf32, #tpu.memory_space<hbm>> -> memref<128x128xf32, #tpu.memory_space<hbm>>
          tpu.enqueue_dma source(%dma_start3A_385 : memref<128x128xf32, #tpu.memory_space<hbm>>) target(%arg7 : memref<128x128xf32, #tpu.memory_space<vmem>>) target_semaphore(%arg12 : memref<!tpu.dma_semaphore, #tpu.memory_space<semaphore_mem>>)
        } else {
        }
        %mul3A_180 = arith.constant 8 : i32
        %mul3A_181 = arith.muli %while3A_72, %mul3A_180 : i32
        %add3A_182 = arith.addi %mul3A_9, %mul3A_181 : i32
        %add3A_183 = arith.constant 2 : i32
        %add3A_184 = arith.addi %add3A_182, %add3A_183 : i32
        %mul3A_185 = arith.constant 128 : i32
        %mul3A_186 = arith.muli %add3A_184, %mul3A_185 : i32
        %dma_wait3A_187 = arith.constant 0 : i32
        %dma_wait3A_188 = tpu.memref_slice %arg2[%mul3A_186, %dma_wait3A_187] : memref<320000x128xf32, #tpu.memory_space<hbm>> -> memref<128x128xf32, #tpu.memory_space<hbm>>
        %dma_wait3A_189 = arith.constant 0 : i32
        %dma_wait3A_190 = tpu.memref_slice %arg2[%mul3A_186, %dma_wait3A_189] : memref<320000x128xf32, #tpu.memory_space<hbm>> -> memref<128x128xf32, #tpu.memory_space<hbm>>
        tpu.wait_dma2 semaphore(%arg11 : memref<!tpu.dma_semaphore, #tpu.memory_space<semaphore_mem>>) src(%dma_wait3A_190 : memref<128x128xf32, #tpu.memory_space<hbm>>) dst(%arg6 : memref<128x128xf32, #tpu.memory_space<vmem>>)
        %dma_start3A_191 = arith.constant 2 : i32
        %dma_start3A_192 = arith.constant 0 : i32
        %dma_start3A_193 = tpu.memref_slice %arg8[%dma_start3A_191, %dma_start3A_192] : memref<8x128xi32, #tpu.memory_space<vmem>> -> memref<1x128xi32, #tpu.memory_space<vmem>>
        %dma_start3A_194 = tpu.memref_squeeze %dma_start3A_193 : memref<1x128xi32, #tpu.memory_space<vmem>> -> memref<128xi32, #tpu.memory_space<vmem>>
        %dma_start3A_195 = arith.constant 0 : i32
        %dma_start3A_196 = arith.constant 0 : i32
        %dma_start3A_197 = tpu.memref_slice %arg10[%dma_start3A_195, %dma_start3A_196] : memref<10000x128xf32, #tpu.memory_space<vmem_shared>> -> memref<10000x128xf32, #tpu.memory_space<vmem_shared>>
        tpu.enqueue_indirect_dma source(%arg6 : memref<128x128xf32, #tpu.memory_space<vmem>>) target(%dma_start3A_197 : memref<10000x128xf32, #tpu.memory_space<vmem_shared>>) offsets(%dma_start3A_194 : memref<128xi32, #tpu.memory_space<vmem>>) semaphore(%arg14 : memref<!tpu.dma_semaphore, #tpu.memory_space<semaphore_mem>>) {add = true}
        %dma_wait3A_198 = arith.constant 2 : i32
        %dma_wait3A_199 = arith.constant 0 : i32
        %dma_wait3A_200 = tpu.memref_slice %arg8[%dma_wait3A_198, %dma_wait3A_199] : memref<8x128xi32, #tpu.memory_space<vmem>> -> memref<1x128xi32, #tpu.memory_space<vmem>>
        %dma_wait3A_201 = tpu.memref_squeeze %dma_wait3A_200 : memref<1x128xi32, #tpu.memory_space<vmem>> -> memref<128xi32, #tpu.memory_space<vmem>>
        %dma_wait3A_202 = arith.constant 0 : i32
        %dma_wait3A_203 = arith.constant 0 : i32
        %dma_wait3A_204 = tpu.memref_slice %arg10[%dma_wait3A_202, %dma_wait3A_203] : memref<10000x128xf32, #tpu.memory_space<vmem_shared>> -> memref<10000x128xf32, #tpu.memory_space<vmem_shared>>
        tpu.wait_indirect_dma semaphore(%arg14 : memref<!tpu.dma_semaphore, #tpu.memory_space<semaphore_mem>>) src(%arg6 : memref<128x128xf32, #tpu.memory_space<vmem>>) dst(%dma_wait3A_204 : memref<10000x128xf32, #tpu.memory_space<vmem_shared>>)
        %add3A_205 = arith.constant 2 : i32
        %add3A_206 = arith.addi %add3A_184, %add3A_205 : i32
        %add3A_207 = arith.addi %mul3A_9, %mul3A_11 : i32
        %lt3A_208 = arith.cmpi slt, %add3A_206, %add3A_207 : i32
        %convert_element_type3A_209 = arith.extui %lt3A_208 : i1 to i32
        %cond3A_210 = arith.constant 0 : i32
        %cond3A_211 = arith.cmpi ne, %convert_element_type3A_209, %cond3A_210 : i32
        scf.if %cond3A_211 {
          %add3A_378 = arith.constant 2 : i32
          %add3A_379 = arith.addi %add3A_184, %add3A_378 : i32
          %mul3A_380 = arith.constant 128 : i32
          %mul3A_381 = arith.muli %add3A_379, %mul3A_380 : i32
          %dma_start3A_382 = arith.constant 0 : i32
          %dma_start3A_383 = tpu.memref_slice %arg2[%mul3A_381, %dma_start3A_382] : memref<320000x128xf32, #tpu.memory_space<hbm>> -> memref<128x128xf32, #tpu.memory_space<hbm>>
          %dma_start3A_384 = arith.constant 0 : i32
          %dma_start3A_385 = tpu.memref_slice %arg2[%mul3A_381, %dma_start3A_384] : memref<320000x128xf32, #tpu.memory_space<hbm>> -> memref<128x128xf32, #tpu.memory_space<hbm>>
          tpu.enqueue_dma source(%dma_start3A_385 : memref<128x128xf32, #tpu.memory_space<hbm>>) target(%arg6 : memref<128x128xf32, #tpu.memory_space<vmem>>) target_semaphore(%arg11 : memref<!tpu.dma_semaphore, #tpu.memory_space<semaphore_mem>>)
        } else {
        }
        %mul3A_212 = arith.constant 8 : i32
        %mul3A_213 = arith.muli %while3A_72, %mul3A_212 : i32
        %add3A_214 = arith.addi %mul3A_9, %mul3A_213 : i32
        %add3A_215 = arith.constant 3 : i32
        %add3A_216 = arith.addi %add3A_214, %add3A_215 : i32
        %mul3A_217 = arith.constant 128 : i32
        %mul3A_218 = arith.muli %add3A_216, %mul3A_217 : i32
        %dma_wait3A_219 = arith.constant 0 : i32
        %dma_wait3A_220 = tpu.memref_slice %arg2[%mul3A_218, %dma_wait3A_219] : memref<320000x128xf32, #tpu.memory_space<hbm>> -> memref<128x128xf32, #tpu.memory_space<hbm>>
        %dma_wait3A_221 = arith.constant 0 : i32
        %dma_wait3A_222 = tpu.memref_slice %arg2[%mul3A_218, %dma_wait3A_221] : memref<320000x128xf32, #tpu.memory_space<hbm>> -> memref<128x128xf32, #tpu.memory_space<hbm>>
        tpu.wait_dma2 semaphore(%arg12 : memref<!tpu.dma_semaphore, #tpu.memory_space<semaphore_mem>>) src(%dma_wait3A_222 : memref<128x128xf32, #tpu.memory_space<hbm>>) dst(%arg7 : memref<128x128xf32, #tpu.memory_space<vmem>>)
        %dma_start3A_223 = arith.constant 3 : i32
        %dma_start3A_224 = arith.constant 0 : i32
        %dma_start3A_225 = tpu.memref_slice %arg8[%dma_start3A_223, %dma_start3A_224] : memref<8x128xi32, #tpu.memory_space<vmem>> -> memref<1x128xi32, #tpu.memory_space<vmem>>
        %dma_start3A_226 = tpu.memref_squeeze %dma_start3A_225 : memref<1x128xi32, #tpu.memory_space<vmem>> -> memref<128xi32, #tpu.memory_space<vmem>>
        %dma_start3A_227 = arith.constant 0 : i32
        %dma_start3A_228 = arith.constant 0 : i32
        %dma_start3A_229 = tpu.memref_slice %arg10[%dma_start3A_227, %dma_start3A_228] : memref<10000x128xf32, #tpu.memory_space<vmem_shared>> -> memref<10000x128xf32, #tpu.memory_space<vmem_shared>>
        tpu.enqueue_indirect_dma source(%arg7 : memref<128x128xf32, #tpu.memory_space<vmem>>) target(%dma_start3A_229 : memref<10000x128xf32, #tpu.memory_space<vmem_shared>>) offsets(%dma_start3A_226 : memref<128xi32, #tpu.memory_space<vmem>>) semaphore(%arg14 : memref<!tpu.dma_semaphore, #tpu.memory_space<semaphore_mem>>) {add = true}
        %dma_wait3A_230 = arith.constant 3 : i32
        %dma_wait3A_231 = arith.constant 0 : i32
        %dma_wait3A_232 = tpu.memref_slice %arg8[%dma_wait3A_230, %dma_wait3A_231] : memref<8x128xi32, #tpu.memory_space<vmem>> -> memref<1x128xi32, #tpu.memory_space<vmem>>
        %dma_wait3A_233 = tpu.memref_squeeze %dma_wait3A_232 : memref<1x128xi32, #tpu.memory_space<vmem>> -> memref<128xi32, #tpu.memory_space<vmem>>
        %dma_wait3A_234 = arith.constant 0 : i32
        %dma_wait3A_235 = arith.constant 0 : i32
        %dma_wait3A_236 = tpu.memref_slice %arg10[%dma_wait3A_234, %dma_wait3A_235] : memref<10000x128xf32, #tpu.memory_space<vmem_shared>> -> memref<10000x128xf32, #tpu.memory_space<vmem_shared>>
        tpu.wait_indirect_dma semaphore(%arg14 : memref<!tpu.dma_semaphore, #tpu.memory_space<semaphore_mem>>) src(%arg7 : memref<128x128xf32, #tpu.memory_space<vmem>>) dst(%dma_wait3A_236 : memref<10000x128xf32, #tpu.memory_space<vmem_shared>>)
        %add3A_237 = arith.constant 2 : i32
        %add3A_238 = arith.addi %add3A_216, %add3A_237 : i32
        %add3A_239 = arith.addi %mul3A_9, %mul3A_11 : i32
        %lt3A_240 = arith.cmpi slt, %add3A_238, %add3A_239 : i32
        %convert_element_type3A_241 = arith.extui %lt3A_240 : i1 to i32
        %cond3A_242 = arith.constant 0 : i32
        %cond3A_243 = arith.cmpi ne, %convert_element_type3A_241, %cond3A_242 : i32
        scf.if %cond3A_243 {
          %add3A_378 = arith.constant 2 : i32
          %add3A_379 = arith.addi %add3A_216, %add3A_378 : i32
          %mul3A_380 = arith.constant 128 : i32
          %mul3A_381 = arith.muli %add3A_379, %mul3A_380 : i32
          %dma_start3A_382 = arith.constant 0 : i32
          %dma_start3A_383 = tpu.memref_slice %arg2[%mul3A_381, %dma_start3A_382] : memref<320000x128xf32, #tpu.memory_space<hbm>> -> memref<128x128xf32, #tpu.memory_space<hbm>>
          %dma_start3A_384 = arith.constant 0 : i32
          %dma_start3A_385 = tpu.memref_slice %arg2[%mul3A_381, %dma_start3A_384] : memref<320000x128xf32, #tpu.memory_space<hbm>> -> memref<128x128xf32, #tpu.memory_space<hbm>>
          tpu.enqueue_dma source(%dma_start3A_385 : memref<128x128xf32, #tpu.memory_space<hbm>>) target(%arg7 : memref<128x128xf32, #tpu.memory_space<vmem>>) target_semaphore(%arg12 : memref<!tpu.dma_semaphore, #tpu.memory_space<semaphore_mem>>)
        } else {
        }
        %mul3A_244 = arith.constant 8 : i32
        %mul3A_245 = arith.muli %while3A_72, %mul3A_244 : i32
        %add3A_246 = arith.addi %mul3A_9, %mul3A_245 : i32
        %add3A_247 = arith.constant 4 : i32
        %add3A_248 = arith.addi %add3A_246, %add3A_247 : i32
        %mul3A_249 = arith.constant 128 : i32
        %mul3A_250 = arith.muli %add3A_248, %mul3A_249 : i32
        %dma_wait3A_251 = arith.constant 0 : i32
        %dma_wait3A_252 = tpu.memref_slice %arg2[%mul3A_250, %dma_wait3A_251] : memref<320000x128xf32, #tpu.memory_space<hbm>> -> memref<128x128xf32, #tpu.memory_space<hbm>>
        %dma_wait3A_253 = arith.constant 0 : i32
        %dma_wait3A_254 = tpu.memref_slice %arg2[%mul3A_250, %dma_wait3A_253] : memref<320000x128xf32, #tpu.memory_space<hbm>> -> memref<128x128xf32, #tpu.memory_space<hbm>>
        tpu.wait_dma2 semaphore(%arg11 : memref<!tpu.dma_semaphore, #tpu.memory_space<semaphore_mem>>) src(%dma_wait3A_254 : memref<128x128xf32, #tpu.memory_space<hbm>>) dst(%arg6 : memref<128x128xf32, #tpu.memory_space<vmem>>)
        %dma_start3A_255 = arith.constant 4 : i32
        %dma_start3A_256 = arith.constant 0 : i32
        %dma_start3A_257 = tpu.memref_slice %arg8[%dma_start3A_255, %dma_start3A_256] : memref<8x128xi32, #tpu.memory_space<vmem>> -> memref<1x128xi32, #tpu.memory_space<vmem>>
        %dma_start3A_258 = tpu.memref_squeeze %dma_start3A_257 : memref<1x128xi32, #tpu.memory_space<vmem>> -> memref<128xi32, #tpu.memory_space<vmem>>
        %dma_start3A_259 = arith.constant 0 : i32
        %dma_start3A_260 = arith.constant 0 : i32
        %dma_start3A_261 = tpu.memref_slice %arg10[%dma_start3A_259, %dma_start3A_260] : memref<10000x128xf32, #tpu.memory_space<vmem_shared>> -> memref<10000x128xf32, #tpu.memory_space<vmem_shared>>
        tpu.enqueue_indirect_dma source(%arg6 : memref<128x128xf32, #tpu.memory_space<vmem>>) target(%dma_start3A_261 : memref<10000x128xf32, #tpu.memory_space<vmem_shared>>) offsets(%dma_start3A_258 : memref<128xi32, #tpu.memory_space<vmem>>) semaphore(%arg14 : memref<!tpu.dma_semaphore, #tpu.memory_space<semaphore_mem>>) {add = true}
        %dma_wait3A_262 = arith.constant 4 : i32
        %dma_wait3A_263 = arith.constant 0 : i32
        %dma_wait3A_264 = tpu.memref_slice %arg8[%dma_wait3A_262, %dma_wait3A_263] : memref<8x128xi32, #tpu.memory_space<vmem>> -> memref<1x128xi32, #tpu.memory_space<vmem>>
        %dma_wait3A_265 = tpu.memref_squeeze %dma_wait3A_264 : memref<1x128xi32, #tpu.memory_space<vmem>> -> memref<128xi32, #tpu.memory_space<vmem>>
        %dma_wait3A_266 = arith.constant 0 : i32
        %dma_wait3A_267 = arith.constant 0 : i32
        %dma_wait3A_268 = tpu.memref_slice %arg10[%dma_wait3A_266, %dma_wait3A_267] : memref<10000x128xf32, #tpu.memory_space<vmem_shared>> -> memref<10000x128xf32, #tpu.memory_space<vmem_shared>>
        tpu.wait_indirect_dma semaphore(%arg14 : memref<!tpu.dma_semaphore, #tpu.memory_space<semaphore_mem>>) src(%arg6 : memref<128x128xf32, #tpu.memory_space<vmem>>) dst(%dma_wait3A_268 : memref<10000x128xf32, #tpu.memory_space<vmem_shared>>)
        %add3A_269 = arith.constant 2 : i32
        %add3A_270 = arith.addi %add3A_248, %add3A_269 : i32
        %add3A_271 = arith.addi %mul3A_9, %mul3A_11 : i32
        %lt3A_272 = arith.cmpi slt, %add3A_270, %add3A_271 : i32
        %convert_element_type3A_273 = arith.extui %lt3A_272 : i1 to i32
        %cond3A_274 = arith.constant 0 : i32
        %cond3A_275 = arith.cmpi ne, %convert_element_type3A_273, %cond3A_274 : i32
        scf.if %cond3A_275 {
          %add3A_378 = arith.constant 2 : i32
          %add3A_379 = arith.addi %add3A_248, %add3A_378 : i32
          %mul3A_380 = arith.constant 128 : i32
          %mul3A_381 = arith.muli %add3A_379, %mul3A_380 : i32
          %dma_start3A_382 = arith.constant 0 : i32
          %dma_start3A_383 = tpu.memref_slice %arg2[%mul3A_381, %dma_start3A_382] : memref<320000x128xf32, #tpu.memory_space<hbm>> -> memref<128x128xf32, #tpu.memory_space<hbm>>
          %dma_start3A_384 = arith.constant 0 : i32
          %dma_start3A_385 = tpu.memref_slice %arg2[%mul3A_381, %dma_start3A_384] : memref<320000x128xf32, #tpu.memory_space<hbm>> -> memref<128x128xf32, #tpu.memory_space<hbm>>
          tpu.enqueue_dma source(%dma_start3A_385 : memref<128x128xf32, #tpu.memory_space<hbm>>) target(%arg6 : memref<128x128xf32, #tpu.memory_space<vmem>>) target_semaphore(%arg11 : memref<!tpu.dma_semaphore, #tpu.memory_space<semaphore_mem>>)
        } else {
        }
        %mul3A_276 = arith.constant 8 : i32
        %mul3A_277 = arith.muli %while3A_72, %mul3A_276 : i32
        %add3A_278 = arith.addi %mul3A_9, %mul3A_277 : i32
        %add3A_279 = arith.constant 5 : i32
        %add3A_280 = arith.addi %add3A_278, %add3A_279 : i32
        %mul3A_281 = arith.constant 128 : i32
        %mul3A_282 = arith.muli %add3A_280, %mul3A_281 : i32
        %dma_wait3A_283 = arith.constant 0 : i32
        %dma_wait3A_284 = tpu.memref_slice %arg2[%mul3A_282, %dma_wait3A_283] : memref<320000x128xf32, #tpu.memory_space<hbm>> -> memref<128x128xf32, #tpu.memory_space<hbm>>
        %dma_wait3A_285 = arith.constant 0 : i32
        %dma_wait3A_286 = tpu.memref_slice %arg2[%mul3A_282, %dma_wait3A_285] : memref<320000x128xf32, #tpu.memory_space<hbm>> -> memref<128x128xf32, #tpu.memory_space<hbm>>
        tpu.wait_dma2 semaphore(%arg12 : memref<!tpu.dma_semaphore, #tpu.memory_space<semaphore_mem>>) src(%dma_wait3A_286 : memref<128x128xf32, #tpu.memory_space<hbm>>) dst(%arg7 : memref<128x128xf32, #tpu.memory_space<vmem>>)
        %dma_start3A_287 = arith.constant 5 : i32
        %dma_start3A_288 = arith.constant 0 : i32
        %dma_start3A_289 = tpu.memref_slice %arg8[%dma_start3A_287, %dma_start3A_288] : memref<8x128xi32, #tpu.memory_space<vmem>> -> memref<1x128xi32, #tpu.memory_space<vmem>>
        %dma_start3A_290 = tpu.memref_squeeze %dma_start3A_289 : memref<1x128xi32, #tpu.memory_space<vmem>> -> memref<128xi32, #tpu.memory_space<vmem>>
        %dma_start3A_291 = arith.constant 0 : i32
        %dma_start3A_292 = arith.constant 0 : i32
        %dma_start3A_293 = tpu.memref_slice %arg10[%dma_start3A_291, %dma_start3A_292] : memref<10000x128xf32, #tpu.memory_space<vmem_shared>> -> memref<10000x128xf32, #tpu.memory_space<vmem_shared>>
        tpu.enqueue_indirect_dma source(%arg7 : memref<128x128xf32, #tpu.memory_space<vmem>>) target(%dma_start3A_293 : memref<10000x128xf32, #tpu.memory_space<vmem_shared>>) offsets(%dma_start3A_290 : memref<128xi32, #tpu.memory_space<vmem>>) semaphore(%arg14 : memref<!tpu.dma_semaphore, #tpu.memory_space<semaphore_mem>>) {add = true}
        %dma_wait3A_294 = arith.constant 5 : i32
        %dma_wait3A_295 = arith.constant 0 : i32
        %dma_wait3A_296 = tpu.memref_slice %arg8[%dma_wait3A_294, %dma_wait3A_295] : memref<8x128xi32, #tpu.memory_space<vmem>> -> memref<1x128xi32, #tpu.memory_space<vmem>>
        %dma_wait3A_297 = tpu.memref_squeeze %dma_wait3A_296 : memref<1x128xi32, #tpu.memory_space<vmem>> -> memref<128xi32, #tpu.memory_space<vmem>>
        %dma_wait3A_298 = arith.constant 0 : i32
        %dma_wait3A_299 = arith.constant 0 : i32
        %dma_wait3A_300 = tpu.memref_slice %arg10[%dma_wait3A_298, %dma_wait3A_299] : memref<10000x128xf32, #tpu.memory_space<vmem_shared>> -> memref<10000x128xf32, #tpu.memory_space<vmem_shared>>
        tpu.wait_indirect_dma semaphore(%arg14 : memref<!tpu.dma_semaphore, #tpu.memory_space<semaphore_mem>>) src(%arg7 : memref<128x128xf32, #tpu.memory_space<vmem>>) dst(%dma_wait3A_300 : memref<10000x128xf32, #tpu.memory_space<vmem_shared>>)
        %add3A_301 = arith.constant 2 : i32
        %add3A_302 = arith.addi %add3A_280, %add3A_301 : i32
        %add3A_303 = arith.addi %mul3A_9, %mul3A_11 : i32
        %lt3A_304 = arith.cmpi slt, %add3A_302, %add3A_303 : i32
        %convert_element_type3A_305 = arith.extui %lt3A_304 : i1 to i32
        %cond3A_306 = arith.constant 0 : i32
        %cond3A_307 = arith.cmpi ne, %convert_element_type3A_305, %cond3A_306 : i32
        scf.if %cond3A_307 {
          %add3A_378 = arith.constant 2 : i32
          %add3A_379 = arith.addi %add3A_280, %add3A_378 : i32
          %mul3A_380 = arith.constant 128 : i32
          %mul3A_381 = arith.muli %add3A_379, %mul3A_380 : i32
          %dma_start3A_382 = arith.constant 0 : i32
          %dma_start3A_383 = tpu.memref_slice %arg2[%mul3A_381, %dma_start3A_382] : memref<320000x128xf32, #tpu.memory_space<hbm>> -> memref<128x128xf32, #tpu.memory_space<hbm>>
          %dma_start3A_384 = arith.constant 0 : i32
          %dma_start3A_385 = tpu.memref_slice %arg2[%mul3A_381, %dma_start3A_384] : memref<320000x128xf32, #tpu.memory_space<hbm>> -> memref<128x128xf32, #tpu.memory_space<hbm>>
          tpu.enqueue_dma source(%dma_start3A_385 : memref<128x128xf32, #tpu.memory_space<hbm>>) target(%arg7 : memref<128x128xf32, #tpu.memory_space<vmem>>) target_semaphore(%arg12 : memref<!tpu.dma_semaphore, #tpu.memory_space<semaphore_mem>>)
        } else {
        }
        %mul3A_308 = arith.constant 8 : i32
        %mul3A_309 = arith.muli %while3A_72, %mul3A_308 : i32
        %add3A_310 = arith.addi %mul3A_9, %mul3A_309 : i32
        %add3A_311 = arith.constant 6 : i32
        %add3A_312 = arith.addi %add3A_310, %add3A_311 : i32
        %mul3A_313 = arith.constant 128 : i32
        %mul3A_314 = arith.muli %add3A_312, %mul3A_313 : i32
        %dma_wait3A_315 = arith.constant 0 : i32
        %dma_wait3A_316 = tpu.memref_slice %arg2[%mul3A_314, %dma_wait3A_315] : memref<320000x128xf32, #tpu.memory_space<hbm>> -> memref<128x128xf32, #tpu.memory_space<hbm>>
        %dma_wait3A_317 = arith.constant 0 : i32
        %dma_wait3A_318 = tpu.memref_slice %arg2[%mul3A_314, %dma_wait3A_317] : memref<320000x128xf32, #tpu.memory_space<hbm>> -> memref<128x128xf32, #tpu.memory_space<hbm>>
        tpu.wait_dma2 semaphore(%arg11 : memref<!tpu.dma_semaphore, #tpu.memory_space<semaphore_mem>>) src(%dma_wait3A_318 : memref<128x128xf32, #tpu.memory_space<hbm>>) dst(%arg6 : memref<128x128xf32, #tpu.memory_space<vmem>>)
        %dma_start3A_319 = arith.constant 6 : i32
        %dma_start3A_320 = arith.constant 0 : i32
        %dma_start3A_321 = tpu.memref_slice %arg8[%dma_start3A_319, %dma_start3A_320] : memref<8x128xi32, #tpu.memory_space<vmem>> -> memref<1x128xi32, #tpu.memory_space<vmem>>
        %dma_start3A_322 = tpu.memref_squeeze %dma_start3A_321 : memref<1x128xi32, #tpu.memory_space<vmem>> -> memref<128xi32, #tpu.memory_space<vmem>>
        %dma_start3A_323 = arith.constant 0 : i32
        %dma_start3A_324 = arith.constant 0 : i32
        %dma_start3A_325 = tpu.memref_slice %arg10[%dma_start3A_323, %dma_start3A_324] : memref<10000x128xf32, #tpu.memory_space<vmem_shared>> -> memref<10000x128xf32, #tpu.memory_space<vmem_shared>>
        tpu.enqueue_indirect_dma source(%arg6 : memref<128x128xf32, #tpu.memory_space<vmem>>) target(%dma_start3A_325 : memref<10000x128xf32, #tpu.memory_space<vmem_shared>>) offsets(%dma_start3A_322 : memref<128xi32, #tpu.memory_space<vmem>>) semaphore(%arg14 : memref<!tpu.dma_semaphore, #tpu.memory_space<semaphore_mem>>) {add = true}
        %dma_wait3A_326 = arith.constant 6 : i32
        %dma_wait3A_327 = arith.constant 0 : i32
        %dma_wait3A_328 = tpu.memref_slice %arg8[%dma_wait3A_326, %dma_wait3A_327] : memref<8x128xi32, #tpu.memory_space<vmem>> -> memref<1x128xi32, #tpu.memory_space<vmem>>
        %dma_wait3A_329 = tpu.memref_squeeze %dma_wait3A_328 : memref<1x128xi32, #tpu.memory_space<vmem>> -> memref<128xi32, #tpu.memory_space<vmem>>
        %dma_wait3A_330 = arith.constant 0 : i32
        %dma_wait3A_331 = arith.constant 0 : i32
        %dma_wait3A_332 = tpu.memref_slice %arg10[%dma_wait3A_330, %dma_wait3A_331] : memref<10000x128xf32, #tpu.memory_space<vmem_shared>> -> memref<10000x128xf32, #tpu.memory_space<vmem_shared>>
        tpu.wait_indirect_dma semaphore(%arg14 : memref<!tpu.dma_semaphore, #tpu.memory_space<semaphore_mem>>) src(%arg6 : memref<128x128xf32, #tpu.memory_space<vmem>>) dst(%dma_wait3A_332 : memref<10000x128xf32, #tpu.memory_space<vmem_shared>>)
        %add3A_333 = arith.constant 2 : i32
        %add3A_334 = arith.addi %add3A_312, %add3A_333 : i32
        %add3A_335 = arith.addi %mul3A_9, %mul3A_11 : i32
        %lt3A_336 = arith.cmpi slt, %add3A_334, %add3A_335 : i32
        %convert_element_type3A_337 = arith.extui %lt3A_336 : i1 to i32
        %cond3A_338 = arith.constant 0 : i32
        %cond3A_339 = arith.cmpi ne, %convert_element_type3A_337, %cond3A_338 : i32
        scf.if %cond3A_339 {
          %add3A_378 = arith.constant 2 : i32
          %add3A_379 = arith.addi %add3A_312, %add3A_378 : i32
          %mul3A_380 = arith.constant 128 : i32
          %mul3A_381 = arith.muli %add3A_379, %mul3A_380 : i32
          %dma_start3A_382 = arith.constant 0 : i32
          %dma_start3A_383 = tpu.memref_slice %arg2[%mul3A_381, %dma_start3A_382] : memref<320000x128xf32, #tpu.memory_space<hbm>> -> memref<128x128xf32, #tpu.memory_space<hbm>>
          %dma_start3A_384 = arith.constant 0 : i32
          %dma_start3A_385 = tpu.memref_slice %arg2[%mul3A_381, %dma_start3A_384] : memref<320000x128xf32, #tpu.memory_space<hbm>> -> memref<128x128xf32, #tpu.memory_space<hbm>>
          tpu.enqueue_dma source(%dma_start3A_385 : memref<128x128xf32, #tpu.memory_space<hbm>>) target(%arg6 : memref<128x128xf32, #tpu.memory_space<vmem>>) target_semaphore(%arg11 : memref<!tpu.dma_semaphore, #tpu.memory_space<semaphore_mem>>)
        } else {
        }
        %mul3A_340 = arith.constant 8 : i32
        %mul3A_341 = arith.muli %while3A_72, %mul3A_340 : i32
        %add3A_342 = arith.addi %mul3A_9, %mul3A_341 : i32
        %add3A_343 = arith.constant 7 : i32
        %add3A_344 = arith.addi %add3A_342, %add3A_343 : i32
        %mul3A_345 = arith.constant 128 : i32
        %mul3A_346 = arith.muli %add3A_344, %mul3A_345 : i32
        %dma_wait3A_347 = arith.constant 0 : i32
        %dma_wait3A_348 = tpu.memref_slice %arg2[%mul3A_346, %dma_wait3A_347] : memref<320000x128xf32, #tpu.memory_space<hbm>> -> memref<128x128xf32, #tpu.memory_space<hbm>>
        %dma_wait3A_349 = arith.constant 0 : i32
        %dma_wait3A_350 = tpu.memref_slice %arg2[%mul3A_346, %dma_wait3A_349] : memref<320000x128xf32, #tpu.memory_space<hbm>> -> memref<128x128xf32, #tpu.memory_space<hbm>>
        tpu.wait_dma2 semaphore(%arg12 : memref<!tpu.dma_semaphore, #tpu.memory_space<semaphore_mem>>) src(%dma_wait3A_350 : memref<128x128xf32, #tpu.memory_space<hbm>>) dst(%arg7 : memref<128x128xf32, #tpu.memory_space<vmem>>)
        %dma_start3A_351 = arith.constant 7 : i32
        %dma_start3A_352 = arith.constant 0 : i32
        %dma_start3A_353 = tpu.memref_slice %arg8[%dma_start3A_351, %dma_start3A_352] : memref<8x128xi32, #tpu.memory_space<vmem>> -> memref<1x128xi32, #tpu.memory_space<vmem>>
        %dma_start3A_354 = tpu.memref_squeeze %dma_start3A_353 : memref<1x128xi32, #tpu.memory_space<vmem>> -> memref<128xi32, #tpu.memory_space<vmem>>
        %dma_start3A_355 = arith.constant 0 : i32
        %dma_start3A_356 = arith.constant 0 : i32
        %dma_start3A_357 = tpu.memref_slice %arg10[%dma_start3A_355, %dma_start3A_356] : memref<10000x128xf32, #tpu.memory_space<vmem_shared>> -> memref<10000x128xf32, #tpu.memory_space<vmem_shared>>
        tpu.enqueue_indirect_dma source(%arg7 : memref<128x128xf32, #tpu.memory_space<vmem>>) target(%dma_start3A_357 : memref<10000x128xf32, #tpu.memory_space<vmem_shared>>) offsets(%dma_start3A_354 : memref<128xi32, #tpu.memory_space<vmem>>) semaphore(%arg14 : memref<!tpu.dma_semaphore, #tpu.memory_space<semaphore_mem>>) {add = true}
        %dma_wait3A_358 = arith.constant 7 : i32
        %dma_wait3A_359 = arith.constant 0 : i32
        %dma_wait3A_360 = tpu.memref_slice %arg8[%dma_wait3A_358, %dma_wait3A_359] : memref<8x128xi32, #tpu.memory_space<vmem>> -> memref<1x128xi32, #tpu.memory_space<vmem>>
        %dma_wait3A_361 = tpu.memref_squeeze %dma_wait3A_360 : memref<1x128xi32, #tpu.memory_space<vmem>> -> memref<128xi32, #tpu.memory_space<vmem>>
        %dma_wait3A_362 = arith.constant 0 : i32
        %dma_wait3A_363 = arith.constant 0 : i32
        %dma_wait3A_364 = tpu.memref_slice %arg10[%dma_wait3A_362, %dma_wait3A_363] : memref<10000x128xf32, #tpu.memory_space<vmem_shared>> -> memref<10000x128xf32, #tpu.memory_space<vmem_shared>>
        tpu.wait_indirect_dma semaphore(%arg14 : memref<!tpu.dma_semaphore, #tpu.memory_space<semaphore_mem>>) src(%arg7 : memref<128x128xf32, #tpu.memory_space<vmem>>) dst(%dma_wait3A_364 : memref<10000x128xf32, #tpu.memory_space<vmem_shared>>)
        %add3A_365 = arith.constant 2 : i32
        %add3A_366 = arith.addi %add3A_344, %add3A_365 : i32
        %add3A_367 = arith.addi %mul3A_9, %mul3A_11 : i32
        %lt3A_368 = arith.cmpi slt, %add3A_366, %add3A_367 : i32
        %convert_element_type3A_369 = arith.extui %lt3A_368 : i1 to i32
        %cond3A_370 = arith.constant 0 : i32
        %cond3A_371 = arith.cmpi ne, %convert_element_type3A_369, %cond3A_370 : i32
        scf.if %cond3A_371 {
          %add3A_378 = arith.constant 2 : i32
          %add3A_379 = arith.addi %add3A_344, %add3A_378 : i32
          %mul3A_380 = arith.constant 128 : i32
          %mul3A_381 = arith.muli %add3A_379, %mul3A_380 : i32
          %dma_start3A_382 = arith.constant 0 : i32
          %dma_start3A_383 = tpu.memref_slice %arg2[%mul3A_381, %dma_start3A_382] : memref<320000x128xf32, #tpu.memory_space<hbm>> -> memref<128x128xf32, #tpu.memory_space<hbm>>
          %dma_start3A_384 = arith.constant 0 : i32
          %dma_start3A_385 = tpu.memref_slice %arg2[%mul3A_381, %dma_start3A_384] : memref<320000x128xf32, #tpu.memory_space<hbm>> -> memref<128x128xf32, #tpu.memory_space<hbm>>
          tpu.enqueue_dma source(%dma_start3A_385 : memref<128x128xf32, #tpu.memory_space<hbm>>) target(%arg7 : memref<128x128xf32, #tpu.memory_space<vmem>>) target_semaphore(%arg12 : memref<!tpu.dma_semaphore, #tpu.memory_space<semaphore_mem>>)
        } else {
        }
        %add3A_372 = arith.constant 2 : i32
        %add3A_373 = arith.addi %while3A_72, %add3A_372 : i32
        %lt3A_374 = arith.cmpi slt, %add3A_373, %add3A_7 : i32
        %convert_element_type3A_375 = arith.extui %lt3A_374 : i1 to i32
        %cond3A_376 = arith.constant 0 : i32
        %cond3A_377 = arith.cmpi ne, %convert_element_type3A_375, %cond3A_376 : i32
        scf.if %cond3A_377 {
          %add3A_378 = arith.addi %add3A_4, %while3A_72 : i32
          %add3A_379 = arith.constant 2 : i32
          %add3A_380 = arith.addi %add3A_378, %add3A_379 : i32
          %mul3A_381 = arith.constant 8 : i32
          %mul3A_382 = arith.muli %add3A_380, %mul3A_381 : i32
          %dma_start3A_383 = arith.constant 0 : i32
          %dma_start3A_384 = tpu.memref_slice %arg3[%mul3A_382, %dma_start3A_383] : memref<2500x128xi32, #tpu.memory_space<hbm>> -> memref<8x128xi32, #tpu.memory_space<hbm>>
          %dma_start3A_385 = arith.constant 0 : i32
          %dma_start3A_386 = tpu.memref_slice %arg3[%mul3A_382, %dma_start3A_385] : memref<2500x128xi32, #tpu.memory_space<hbm>> -> memref<8x128xi32, #tpu.memory_space<hbm>>
          tpu.enqueue_dma source(%dma_start3A_386 : memref<8x128xi32, #tpu.memory_space<hbm>>) target(%arg8 : memref<8x128xi32, #tpu.memory_space<vmem>>) target_semaphore(%arg13 : memref<!tpu.dma_semaphore, #tpu.memory_space<semaphore_mem>>)
        } else {
        }
      } else {
      }
      %jit3A_89 = arith.constant 2 : i32
      %eq3A_90 = arith.constant 0 : i32
      %eq3A_91 = arith.cmpi eq, %jit3A_89, %eq3A_90 : i32
      %jit3A_92 = arith.constant 1 : i32
      %select_n3A_93 = arith.select %eq3A_91, %jit3A_92, %jit3A_89 : i32
      %rem3A_94 = arith.remsi %while3A_72, %select_n3A_93 : i32
      %ne3A_95 = arith.constant 0 : i32
      %ne3A_96 = arith.cmpi ne, %rem3A_94, %ne3A_95 : i32
      %lt3A_97 = arith.constant 0 : i32
      %lt3A_98 = arith.cmpi slt, %rem3A_94, %lt3A_97 : i32
      %lt3A_99 = arith.constant 0 : i32
      %lt3A_100 = arith.cmpi slt, %select_n3A_93, %lt3A_99 : i32
      %ne3A_101 = arith.xori %lt3A_98, %lt3A_100 : i1
      %and3A_102 = arith.andi %ne3A_101, %ne3A_96 : i1
      %add3A_103 = arith.addi %rem3A_94, %select_n3A_93 : i32
      %select_n3A_104 = arith.select %and3A_102, %add3A_103, %rem3A_94 : i32
      %eq3A_105 = arith.constant 1 : i32
      %eq3A_106 = arith.cmpi eq, %select_n3A_104, %eq3A_105 : i32
      %convert_element_type3A_107 = arith.extui %eq3A_106 : i1 to i32
      %cond3A_108 = arith.constant 0 : i32
      %cond3A_109 = arith.cmpi ne, %convert_element_type3A_107, %cond3A_108 : i32
      scf.if %cond3A_109 {
        %add3A_110 = arith.addi %add3A_4, %while3A_72 : i32
        %mul3A_111 = arith.constant 8 : i32
        %mul3A_112 = arith.muli %add3A_110, %mul3A_111 : i32
        %dma_wait3A = arith.constant 0 : i32
        %dma_wait3A_113 = tpu.memref_slice %arg3[%mul3A_112, %dma_wait3A] : memref<2500x128xi32, #tpu.memory_space<hbm>> -> memref<8x128xi32, #tpu.memory_space<hbm>>
        %dma_wait3A_114 = arith.constant 0 : i32
        %dma_wait3A_115 = tpu.memref_slice %arg3[%mul3A_112, %dma_wait3A_114] : memref<2500x128xi32, #tpu.memory_space<hbm>> -> memref<8x128xi32, #tpu.memory_space<hbm>>
        tpu.wait_dma2 semaphore(%arg13 : memref<!tpu.dma_semaphore, #tpu.memory_space<semaphore_mem>>) src(%dma_wait3A_115 : memref<8x128xi32, #tpu.memory_space<hbm>>) dst(%arg9 : memref<8x128xi32, #tpu.memory_space<vmem>>)
        %mul3A_116 = arith.constant 8 : i32
        %mul3A_117 = arith.muli %while3A_72, %mul3A_116 : i32
        %add3A_118 = arith.addi %mul3A_9, %mul3A_117 : i32
        %add3A_119 = arith.constant 0 : i32
        %add3A_120 = arith.addi %add3A_118, %add3A_119 : i32
        %mul3A_121 = arith.constant 128 : i32
        %mul3A_122 = arith.muli %add3A_120, %mul3A_121 : i32
        %dma_wait3A_123 = arith.constant 0 : i32
        %dma_wait3A_124 = tpu.memref_slice %arg2[%mul3A_122, %dma_wait3A_123] : memref<320000x128xf32, #tpu.memory_space<hbm>> -> memref<128x128xf32, #tpu.memory_space<hbm>>
        %dma_wait3A_125 = arith.constant 0 : i32
        %dma_wait3A_126 = tpu.memref_slice %arg2[%mul3A_122, %dma_wait3A_125] : memref<320000x128xf32, #tpu.memory_space<hbm>> -> memref<128x128xf32, #tpu.memory_space<hbm>>
        tpu.wait_dma2 semaphore(%arg11 : memref<!tpu.dma_semaphore, #tpu.memory_space<semaphore_mem>>) src(%dma_wait3A_126 : memref<128x128xf32, #tpu.memory_space<hbm>>) dst(%arg6 : memref<128x128xf32, #tpu.memory_space<vmem>>)
        %dma_start3A_127 = arith.constant 0 : i32
        %dma_start3A_128 = arith.constant 0 : i32
        %dma_start3A_129 = tpu.memref_slice %arg9[%dma_start3A_127, %dma_start3A_128] : memref<8x128xi32, #tpu.memory_space<vmem>> -> memref<1x128xi32, #tpu.memory_space<vmem>>
        %dma_start3A_130 = tpu.memref_squeeze %dma_start3A_129 : memref<1x128xi32, #tpu.memory_space<vmem>> -> memref<128xi32, #tpu.memory_space<vmem>>
        %dma_start3A_131 = arith.constant 0 : i32
        %dma_start3A_132 = arith.constant 0 : i32
        %dma_start3A_133 = tpu.memref_slice %arg10[%dma_start3A_131, %dma_start3A_132] : memref<10000x128xf32, #tpu.memory_space<vmem_shared>> -> memref<10000x128xf32, #tpu.memory_space<vmem_shared>>
        tpu.enqueue_indirect_dma source(%arg6 : memref<128x128xf32, #tpu.memory_space<vmem>>) target(%dma_start3A_133 : memref<10000x128xf32, #tpu.memory_space<vmem_shared>>) offsets(%dma_start3A_130 : memref<128xi32, #tpu.memory_space<vmem>>) semaphore(%arg14 : memref<!tpu.dma_semaphore, #tpu.memory_space<semaphore_mem>>) {add = true}
        %dma_wait3A_134 = arith.constant 0 : i32
        %dma_wait3A_135 = arith.constant 0 : i32
        %dma_wait3A_136 = tpu.memref_slice %arg9[%dma_wait3A_134, %dma_wait3A_135] : memref<8x128xi32, #tpu.memory_space<vmem>> -> memref<1x128xi32, #tpu.memory_space<vmem>>
        %dma_wait3A_137 = tpu.memref_squeeze %dma_wait3A_136 : memref<1x128xi32, #tpu.memory_space<vmem>> -> memref<128xi32, #tpu.memory_space<vmem>>
        %dma_wait3A_138 = arith.constant 0 : i32
        %dma_wait3A_139 = arith.constant 0 : i32
        %dma_wait3A_140 = tpu.memref_slice %arg10[%dma_wait3A_138, %dma_wait3A_139] : memref<10000x128xf32, #tpu.memory_space<vmem_shared>> -> memref<10000x128xf32, #tpu.memory_space<vmem_shared>>
        tpu.wait_indirect_dma semaphore(%arg14 : memref<!tpu.dma_semaphore, #tpu.memory_space<semaphore_mem>>) src(%arg6 : memref<128x128xf32, #tpu.memory_space<vmem>>) dst(%dma_wait3A_140 : memref<10000x128xf32, #tpu.memory_space<vmem_shared>>)
        %add3A_141 = arith.constant 2 : i32
        %add3A_142 = arith.addi %add3A_120, %add3A_141 : i32
        %add3A_143 = arith.addi %mul3A_9, %mul3A_11 : i32
        %lt3A_144 = arith.cmpi slt, %add3A_142, %add3A_143 : i32
        %convert_element_type3A_145 = arith.extui %lt3A_144 : i1 to i32
        %cond3A_146 = arith.constant 0 : i32
        %cond3A_147 = arith.cmpi ne, %convert_element_type3A_145, %cond3A_146 : i32
        scf.if %cond3A_147 {
          %add3A_378 = arith.constant 2 : i32
          %add3A_379 = arith.addi %add3A_120, %add3A_378 : i32
          %mul3A_380 = arith.constant 128 : i32
          %mul3A_381 = arith.muli %add3A_379, %mul3A_380 : i32
          %dma_start3A_382 = arith.constant 0 : i32
          %dma_start3A_383 = tpu.memref_slice %arg2[%mul3A_381, %dma_start3A_382] : memref<320000x128xf32, #tpu.memory_space<hbm>> -> memref<128x128xf32, #tpu.memory_space<hbm>>
          %dma_start3A_384 = arith.constant 0 : i32
          %dma_start3A_385 = tpu.memref_slice %arg2[%mul3A_381, %dma_start3A_384] : memref<320000x128xf32, #tpu.memory_space<hbm>> -> memref<128x128xf32, #tpu.memory_space<hbm>>
          tpu.enqueue_dma source(%dma_start3A_385 : memref<128x128xf32, #tpu.memory_space<hbm>>) target(%arg6 : memref<128x128xf32, #tpu.memory_space<vmem>>) target_semaphore(%arg11 : memref<!tpu.dma_semaphore, #tpu.memory_space<semaphore_mem>>)
        } else {
        }
        %mul3A_148 = arith.constant 8 : i32
        %mul3A_149 = arith.muli %while3A_72, %mul3A_148 : i32
        %add3A_150 = arith.addi %mul3A_9, %mul3A_149 : i32
        %add3A_151 = arith.constant 1 : i32
        %add3A_152 = arith.addi %add3A_150, %add3A_151 : i32
        %mul3A_153 = arith.constant 128 : i32
        %mul3A_154 = arith.muli %add3A_152, %mul3A_153 : i32
        %dma_wait3A_155 = arith.constant 0 : i32
        %dma_wait3A_156 = tpu.memref_slice %arg2[%mul3A_154, %dma_wait3A_155] : memref<320000x128xf32, #tpu.memory_space<hbm>> -> memref<128x128xf32, #tpu.memory_space<hbm>>
        %dma_wait3A_157 = arith.constant 0 : i32
        %dma_wait3A_158 = tpu.memref_slice %arg2[%mul3A_154, %dma_wait3A_157] : memref<320000x128xf32, #tpu.memory_space<hbm>> -> memref<128x128xf32, #tpu.memory_space<hbm>>
        tpu.wait_dma2 semaphore(%arg12 : memref<!tpu.dma_semaphore, #tpu.memory_space<semaphore_mem>>) src(%dma_wait3A_158 : memref<128x128xf32, #tpu.memory_space<hbm>>) dst(%arg7 : memref<128x128xf32, #tpu.memory_space<vmem>>)
        %dma_start3A_159 = arith.constant 1 : i32
        %dma_start3A_160 = arith.constant 0 : i32
        %dma_start3A_161 = tpu.memref_slice %arg9[%dma_start3A_159, %dma_start3A_160] : memref<8x128xi32, #tpu.memory_space<vmem>> -> memref<1x128xi32, #tpu.memory_space<vmem>>
        %dma_start3A_162 = tpu.memref_squeeze %dma_start3A_161 : memref<1x128xi32, #tpu.memory_space<vmem>> -> memref<128xi32, #tpu.memory_space<vmem>>
        %dma_start3A_163 = arith.constant 0 : i32
        %dma_start3A_164 = arith.constant 0 : i32
        %dma_start3A_165 = tpu.memref_slice %arg10[%dma_start3A_163, %dma_start3A_164] : memref<10000x128xf32, #tpu.memory_space<vmem_shared>> -> memref<10000x128xf32, #tpu.memory_space<vmem_shared>>
        tpu.enqueue_indirect_dma source(%arg7 : memref<128x128xf32, #tpu.memory_space<vmem>>) target(%dma_start3A_165 : memref<10000x128xf32, #tpu.memory_space<vmem_shared>>) offsets(%dma_start3A_162 : memref<128xi32, #tpu.memory_space<vmem>>) semaphore(%arg14 : memref<!tpu.dma_semaphore, #tpu.memory_space<semaphore_mem>>) {add = true}
        %dma_wait3A_166 = arith.constant 1 : i32
        %dma_wait3A_167 = arith.constant 0 : i32
        %dma_wait3A_168 = tpu.memref_slice %arg9[%dma_wait3A_166, %dma_wait3A_167] : memref<8x128xi32, #tpu.memory_space<vmem>> -> memref<1x128xi32, #tpu.memory_space<vmem>>
        %dma_wait3A_169 = tpu.memref_squeeze %dma_wait3A_168 : memref<1x128xi32, #tpu.memory_space<vmem>> -> memref<128xi32, #tpu.memory_space<vmem>>
        %dma_wait3A_170 = arith.constant 0 : i32
        %dma_wait3A_171 = arith.constant 0 : i32
        %dma_wait3A_172 = tpu.memref_slice %arg10[%dma_wait3A_170, %dma_wait3A_171] : memref<10000x128xf32, #tpu.memory_space<vmem_shared>> -> memref<10000x128xf32, #tpu.memory_space<vmem_shared>>
        tpu.wait_indirect_dma semaphore(%arg14 : memref<!tpu.dma_semaphore, #tpu.memory_space<semaphore_mem>>) src(%arg7 : memref<128x128xf32, #tpu.memory_space<vmem>>) dst(%dma_wait3A_172 : memref<10000x128xf32, #tpu.memory_space<vmem_shared>>)
        %add3A_173 = arith.constant 2 : i32
        %add3A_174 = arith.addi %add3A_152, %add3A_173 : i32
        %add3A_175 = arith.addi %mul3A_9, %mul3A_11 : i32
        %lt3A_176 = arith.cmpi slt, %add3A_174, %add3A_175 : i32
        %convert_element_type3A_177 = arith.extui %lt3A_176 : i1 to i32
        %cond3A_178 = arith.constant 0 : i32
        %cond3A_179 = arith.cmpi ne, %convert_element_type3A_177, %cond3A_178 : i32
        scf.if %cond3A_179 {
          %add3A_378 = arith.constant 2 : i32
          %add3A_379 = arith.addi %add3A_152, %add3A_378 : i32
          %mul3A_380 = arith.constant 128 : i32
          %mul3A_381 = arith.muli %add3A_379, %mul3A_380 : i32
          %dma_start3A_382 = arith.constant 0 : i32
          %dma_start3A_383 = tpu.memref_slice %arg2[%mul3A_381, %dma_start3A_382] : memref<320000x128xf32, #tpu.memory_space<hbm>> -> memref<128x128xf32, #tpu.memory_space<hbm>>
          %dma_start3A_384 = arith.constant 0 : i32
          %dma_start3A_385 = tpu.memref_slice %arg2[%mul3A_381, %dma_start3A_384] : memref<320000x128xf32, #tpu.memory_space<hbm>> -> memref<128x128xf32, #tpu.memory_space<hbm>>
          tpu.enqueue_dma source(%dma_start3A_385 : memref<128x128xf32, #tpu.memory_space<hbm>>) target(%arg7 : memref<128x128xf32, #tpu.memory_space<vmem>>) target_semaphore(%arg12 : memref<!tpu.dma_semaphore, #tpu.memory_space<semaphore_mem>>)
        } else {
        }
        %mul3A_180 = arith.constant 8 : i32
        %mul3A_181 = arith.muli %while3A_72, %mul3A_180 : i32
        %add3A_182 = arith.addi %mul3A_9, %mul3A_181 : i32
        %add3A_183 = arith.constant 2 : i32
        %add3A_184 = arith.addi %add3A_182, %add3A_183 : i32
        %mul3A_185 = arith.constant 128 : i32
        %mul3A_186 = arith.muli %add3A_184, %mul3A_185 : i32
        %dma_wait3A_187 = arith.constant 0 : i32
        %dma_wait3A_188 = tpu.memref_slice %arg2[%mul3A_186, %dma_wait3A_187] : memref<320000x128xf32, #tpu.memory_space<hbm>> -> memref<128x128xf32, #tpu.memory_space<hbm>>
        %dma_wait3A_189 = arith.constant 0 : i32
        %dma_wait3A_190 = tpu.memref_slice %arg2[%mul3A_186, %dma_wait3A_189] : memref<320000x128xf32, #tpu.memory_space<hbm>> -> memref<128x128xf32, #tpu.memory_space<hbm>>
        tpu.wait_dma2 semaphore(%arg11 : memref<!tpu.dma_semaphore, #tpu.memory_space<semaphore_mem>>) src(%dma_wait3A_190 : memref<128x128xf32, #tpu.memory_space<hbm>>) dst(%arg6 : memref<128x128xf32, #tpu.memory_space<vmem>>)
        %dma_start3A_191 = arith.constant 2 : i32
        %dma_start3A_192 = arith.constant 0 : i32
        %dma_start3A_193 = tpu.memref_slice %arg9[%dma_start3A_191, %dma_start3A_192] : memref<8x128xi32, #tpu.memory_space<vmem>> -> memref<1x128xi32, #tpu.memory_space<vmem>>
        %dma_start3A_194 = tpu.memref_squeeze %dma_start3A_193 : memref<1x128xi32, #tpu.memory_space<vmem>> -> memref<128xi32, #tpu.memory_space<vmem>>
        %dma_start3A_195 = arith.constant 0 : i32
        %dma_start3A_196 = arith.constant 0 : i32
        %dma_start3A_197 = tpu.memref_slice %arg10[%dma_start3A_195, %dma_start3A_196] : memref<10000x128xf32, #tpu.memory_space<vmem_shared>> -> memref<10000x128xf32, #tpu.memory_space<vmem_shared>>
        tpu.enqueue_indirect_dma source(%arg6 : memref<128x128xf32, #tpu.memory_space<vmem>>) target(%dma_start3A_197 : memref<10000x128xf32, #tpu.memory_space<vmem_shared>>) offsets(%dma_start3A_194 : memref<128xi32, #tpu.memory_space<vmem>>) semaphore(%arg14 : memref<!tpu.dma_semaphore, #tpu.memory_space<semaphore_mem>>) {add = true}
        %dma_wait3A_198 = arith.constant 2 : i32
        %dma_wait3A_199 = arith.constant 0 : i32
        %dma_wait3A_200 = tpu.memref_slice %arg9[%dma_wait3A_198, %dma_wait3A_199] : memref<8x128xi32, #tpu.memory_space<vmem>> -> memref<1x128xi32, #tpu.memory_space<vmem>>
        %dma_wait3A_201 = tpu.memref_squeeze %dma_wait3A_200 : memref<1x128xi32, #tpu.memory_space<vmem>> -> memref<128xi32, #tpu.memory_space<vmem>>
        %dma_wait3A_202 = arith.constant 0 : i32
        %dma_wait3A_203 = arith.constant 0 : i32
        %dma_wait3A_204 = tpu.memref_slice %arg10[%dma_wait3A_202, %dma_wait3A_203] : memref<10000x128xf32, #tpu.memory_space<vmem_shared>> -> memref<10000x128xf32, #tpu.memory_space<vmem_shared>>
        tpu.wait_indirect_dma semaphore(%arg14 : memref<!tpu.dma_semaphore, #tpu.memory_space<semaphore_mem>>) src(%arg6 : memref<128x128xf32, #tpu.memory_space<vmem>>) dst(%dma_wait3A_204 : memref<10000x128xf32, #tpu.memory_space<vmem_shared>>)
        %add3A_205 = arith.constant 2 : i32
        %add3A_206 = arith.addi %add3A_184, %add3A_205 : i32
        %add3A_207 = arith.addi %mul3A_9, %mul3A_11 : i32
        %lt3A_208 = arith.cmpi slt, %add3A_206, %add3A_207 : i32
        %convert_element_type3A_209 = arith.extui %lt3A_208 : i1 to i32
        %cond3A_210 = arith.constant 0 : i32
        %cond3A_211 = arith.cmpi ne, %convert_element_type3A_209, %cond3A_210 : i32
        scf.if %cond3A_211 {
          %add3A_378 = arith.constant 2 : i32
          %add3A_379 = arith.addi %add3A_184, %add3A_378 : i32
          %mul3A_380 = arith.constant 128 : i32
          %mul3A_381 = arith.muli %add3A_379, %mul3A_380 : i32
          %dma_start3A_382 = arith.constant 0 : i32
          %dma_start3A_383 = tpu.memref_slice %arg2[%mul3A_381, %dma_start3A_382] : memref<320000x128xf32, #tpu.memory_space<hbm>> -> memref<128x128xf32, #tpu.memory_space<hbm>>
          %dma_start3A_384 = arith.constant 0 : i32
          %dma_start3A_385 = tpu.memref_slice %arg2[%mul3A_381, %dma_start3A_384] : memref<320000x128xf32, #tpu.memory_space<hbm>> -> memref<128x128xf32, #tpu.memory_space<hbm>>
          tpu.enqueue_dma source(%dma_start3A_385 : memref<128x128xf32, #tpu.memory_space<hbm>>) target(%arg6 : memref<128x128xf32, #tpu.memory_space<vmem>>) target_semaphore(%arg11 : memref<!tpu.dma_semaphore, #tpu.memory_space<semaphore_mem>>)
        } else {
        }
        %mul3A_212 = arith.constant 8 : i32
        %mul3A_213 = arith.muli %while3A_72, %mul3A_212 : i32
        %add3A_214 = arith.addi %mul3A_9, %mul3A_213 : i32
        %add3A_215 = arith.constant 3 : i32
        %add3A_216 = arith.addi %add3A_214, %add3A_215 : i32
        %mul3A_217 = arith.constant 128 : i32
        %mul3A_218 = arith.muli %add3A_216, %mul3A_217 : i32
        %dma_wait3A_219 = arith.constant 0 : i32
        %dma_wait3A_220 = tpu.memref_slice %arg2[%mul3A_218, %dma_wait3A_219] : memref<320000x128xf32, #tpu.memory_space<hbm>> -> memref<128x128xf32, #tpu.memory_space<hbm>>
        %dma_wait3A_221 = arith.constant 0 : i32
        %dma_wait3A_222 = tpu.memref_slice %arg2[%mul3A_218, %dma_wait3A_221] : memref<320000x128xf32, #tpu.memory_space<hbm>> -> memref<128x128xf32, #tpu.memory_space<hbm>>
        tpu.wait_dma2 semaphore(%arg12 : memref<!tpu.dma_semaphore, #tpu.memory_space<semaphore_mem>>) src(%dma_wait3A_222 : memref<128x128xf32, #tpu.memory_space<hbm>>) dst(%arg7 : memref<128x128xf32, #tpu.memory_space<vmem>>)
        %dma_start3A_223 = arith.constant 3 : i32
        %dma_start3A_224 = arith.constant 0 : i32
        %dma_start3A_225 = tpu.memref_slice %arg9[%dma_start3A_223, %dma_start3A_224] : memref<8x128xi32, #tpu.memory_space<vmem>> -> memref<1x128xi32, #tpu.memory_space<vmem>>
        %dma_start3A_226 = tpu.memref_squeeze %dma_start3A_225 : memref<1x128xi32, #tpu.memory_space<vmem>> -> memref<128xi32, #tpu.memory_space<vmem>>
        %dma_start3A_227 = arith.constant 0 : i32
        %dma_start3A_228 = arith.constant 0 : i32
        %dma_start3A_229 = tpu.memref_slice %arg10[%dma_start3A_227, %dma_start3A_228] : memref<10000x128xf32, #tpu.memory_space<vmem_shared>> -> memref<10000x128xf32, #tpu.memory_space<vmem_shared>>
        tpu.enqueue_indirect_dma source(%arg7 : memref<128x128xf32, #tpu.memory_space<vmem>>) target(%dma_start3A_229 : memref<10000x128xf32, #tpu.memory_space<vmem_shared>>) offsets(%dma_start3A_226 : memref<128xi32, #tpu.memory_space<vmem>>) semaphore(%arg14 : memref<!tpu.dma_semaphore, #tpu.memory_space<semaphore_mem>>) {add = true}
        %dma_wait3A_230 = arith.constant 3 : i32
        %dma_wait3A_231 = arith.constant 0 : i32
        %dma_wait3A_232 = tpu.memref_slice %arg9[%dma_wait3A_230, %dma_wait3A_231] : memref<8x128xi32, #tpu.memory_space<vmem>> -> memref<1x128xi32, #tpu.memory_space<vmem>>
        %dma_wait3A_233 = tpu.memref_squeeze %dma_wait3A_232 : memref<1x128xi32, #tpu.memory_space<vmem>> -> memref<128xi32, #tpu.memory_space<vmem>>
        %dma_wait3A_234 = arith.constant 0 : i32
        %dma_wait3A_235 = arith.constant 0 : i32
        %dma_wait3A_236 = tpu.memref_slice %arg10[%dma_wait3A_234, %dma_wait3A_235] : memref<10000x128xf32, #tpu.memory_space<vmem_shared>> -> memref<10000x128xf32, #tpu.memory_space<vmem_shared>>
        tpu.wait_indirect_dma semaphore(%arg14 : memref<!tpu.dma_semaphore, #tpu.memory_space<semaphore_mem>>) src(%arg7 : memref<128x128xf32, #tpu.memory_space<vmem>>) dst(%dma_wait3A_236 : memref<10000x128xf32, #tpu.memory_space<vmem_shared>>)
        %add3A_237 = arith.constant 2 : i32
        %add3A_238 = arith.addi %add3A_216, %add3A_237 : i32
        %add3A_239 = arith.addi %mul3A_9, %mul3A_11 : i32
        %lt3A_240 = arith.cmpi slt, %add3A_238, %add3A_239 : i32
        %convert_element_type3A_241 = arith.extui %lt3A_240 : i1 to i32
        %cond3A_242 = arith.constant 0 : i32
        %cond3A_243 = arith.cmpi ne, %convert_element_type3A_241, %cond3A_242 : i32
        scf.if %cond3A_243 {
          %add3A_378 = arith.constant 2 : i32
          %add3A_379 = arith.addi %add3A_216, %add3A_378 : i32
          %mul3A_380 = arith.constant 128 : i32
          %mul3A_381 = arith.muli %add3A_379, %mul3A_380 : i32
          %dma_start3A_382 = arith.constant 0 : i32
          %dma_start3A_383 = tpu.memref_slice %arg2[%mul3A_381, %dma_start3A_382] : memref<320000x128xf32, #tpu.memory_space<hbm>> -> memref<128x128xf32, #tpu.memory_space<hbm>>
          %dma_start3A_384 = arith.constant 0 : i32
          %dma_start3A_385 = tpu.memref_slice %arg2[%mul3A_381, %dma_start3A_384] : memref<320000x128xf32, #tpu.memory_space<hbm>> -> memref<128x128xf32, #tpu.memory_space<hbm>>
          tpu.enqueue_dma source(%dma_start3A_385 : memref<128x128xf32, #tpu.memory_space<hbm>>) target(%arg7 : memref<128x128xf32, #tpu.memory_space<vmem>>) target_semaphore(%arg12 : memref<!tpu.dma_semaphore, #tpu.memory_space<semaphore_mem>>)
        } else {
        }
        %mul3A_244 = arith.constant 8 : i32
        %mul3A_245 = arith.muli %while3A_72, %mul3A_244 : i32
        %add3A_246 = arith.addi %mul3A_9, %mul3A_245 : i32
        %add3A_247 = arith.constant 4 : i32
        %add3A_248 = arith.addi %add3A_246, %add3A_247 : i32
        %mul3A_249 = arith.constant 128 : i32
        %mul3A_250 = arith.muli %add3A_248, %mul3A_249 : i32
        %dma_wait3A_251 = arith.constant 0 : i32
        %dma_wait3A_252 = tpu.memref_slice %arg2[%mul3A_250, %dma_wait3A_251] : memref<320000x128xf32, #tpu.memory_space<hbm>> -> memref<128x128xf32, #tpu.memory_space<hbm>>
        %dma_wait3A_253 = arith.constant 0 : i32
        %dma_wait3A_254 = tpu.memref_slice %arg2[%mul3A_250, %dma_wait3A_253] : memref<320000x128xf32, #tpu.memory_space<hbm>> -> memref<128x128xf32, #tpu.memory_space<hbm>>
        tpu.wait_dma2 semaphore(%arg11 : memref<!tpu.dma_semaphore, #tpu.memory_space<semaphore_mem>>) src(%dma_wait3A_254 : memref<128x128xf32, #tpu.memory_space<hbm>>) dst(%arg6 : memref<128x128xf32, #tpu.memory_space<vmem>>)
        %dma_start3A_255 = arith.constant 4 : i32
        %dma_start3A_256 = arith.constant 0 : i32
        %dma_start3A_257 = tpu.memref_slice %arg9[%dma_start3A_255, %dma_start3A_256] : memref<8x128xi32, #tpu.memory_space<vmem>> -> memref<1x128xi32, #tpu.memory_space<vmem>>
        %dma_start3A_258 = tpu.memref_squeeze %dma_start3A_257 : memref<1x128xi32, #tpu.memory_space<vmem>> -> memref<128xi32, #tpu.memory_space<vmem>>
        %dma_start3A_259 = arith.constant 0 : i32
        %dma_start3A_260 = arith.constant 0 : i32
        %dma_start3A_261 = tpu.memref_slice %arg10[%dma_start3A_259, %dma_start3A_260] : memref<10000x128xf32, #tpu.memory_space<vmem_shared>> -> memref<10000x128xf32, #tpu.memory_space<vmem_shared>>
        tpu.enqueue_indirect_dma source(%arg6 : memref<128x128xf32, #tpu.memory_space<vmem>>) target(%dma_start3A_261 : memref<10000x128xf32, #tpu.memory_space<vmem_shared>>) offsets(%dma_start3A_258 : memref<128xi32, #tpu.memory_space<vmem>>) semaphore(%arg14 : memref<!tpu.dma_semaphore, #tpu.memory_space<semaphore_mem>>) {add = true}
        %dma_wait3A_262 = arith.constant 4 : i32
        %dma_wait3A_263 = arith.constant 0 : i32
        %dma_wait3A_264 = tpu.memref_slice %arg9[%dma_wait3A_262, %dma_wait3A_263] : memref<8x128xi32, #tpu.memory_space<vmem>> -> memref<1x128xi32, #tpu.memory_space<vmem>>
        %dma_wait3A_265 = tpu.memref_squeeze %dma_wait3A_264 : memref<1x128xi32, #tpu.memory_space<vmem>> -> memref<128xi32, #tpu.memory_space<vmem>>
        %dma_wait3A_266 = arith.constant 0 : i32
        %dma_wait3A_267 = arith.constant 0 : i32
        %dma_wait3A_268 = tpu.memref_slice %arg10[%dma_wait3A_266, %dma_wait3A_267] : memref<10000x128xf32, #tpu.memory_space<vmem_shared>> -> memref<10000x128xf32, #tpu.memory_space<vmem_shared>>
        tpu.wait_indirect_dma semaphore(%arg14 : memref<!tpu.dma_semaphore, #tpu.memory_space<semaphore_mem>>) src(%arg6 : memref<128x128xf32, #tpu.memory_space<vmem>>) dst(%dma_wait3A_268 : memref<10000x128xf32, #tpu.memory_space<vmem_shared>>)
        %add3A_269 = arith.constant 2 : i32
        %add3A_270 = arith.addi %add3A_248, %add3A_269 : i32
        %add3A_271 = arith.addi %mul3A_9, %mul3A_11 : i32
        %lt3A_272 = arith.cmpi slt, %add3A_270, %add3A_271 : i32
        %convert_element_type3A_273 = arith.extui %lt3A_272 : i1 to i32
        %cond3A_274 = arith.constant 0 : i32
        %cond3A_275 = arith.cmpi ne, %convert_element_type3A_273, %cond3A_274 : i32
        scf.if %cond3A_275 {
          %add3A_378 = arith.constant 2 : i32
          %add3A_379 = arith.addi %add3A_248, %add3A_378 : i32
          %mul3A_380 = arith.constant 128 : i32
          %mul3A_381 = arith.muli %add3A_379, %mul3A_380 : i32
          %dma_start3A_382 = arith.constant 0 : i32
          %dma_start3A_383 = tpu.memref_slice %arg2[%mul3A_381, %dma_start3A_382] : memref<320000x128xf32, #tpu.memory_space<hbm>> -> memref<128x128xf32, #tpu.memory_space<hbm>>
          %dma_start3A_384 = arith.constant 0 : i32
          %dma_start3A_385 = tpu.memref_slice %arg2[%mul3A_381, %dma_start3A_384] : memref<320000x128xf32, #tpu.memory_space<hbm>> -> memref<128x128xf32, #tpu.memory_space<hbm>>
          tpu.enqueue_dma source(%dma_start3A_385 : memref<128x128xf32, #tpu.memory_space<hbm>>) target(%arg6 : memref<128x128xf32, #tpu.memory_space<vmem>>) target_semaphore(%arg11 : memref<!tpu.dma_semaphore, #tpu.memory_space<semaphore_mem>>)
        } else {
        }
        %mul3A_276 = arith.constant 8 : i32
        %mul3A_277 = arith.muli %while3A_72, %mul3A_276 : i32
        %add3A_278 = arith.addi %mul3A_9, %mul3A_277 : i32
        %add3A_279 = arith.constant 5 : i32
        %add3A_280 = arith.addi %add3A_278, %add3A_279 : i32
        %mul3A_281 = arith.constant 128 : i32
        %mul3A_282 = arith.muli %add3A_280, %mul3A_281 : i32
        %dma_wait3A_283 = arith.constant 0 : i32
        %dma_wait3A_284 = tpu.memref_slice %arg2[%mul3A_282, %dma_wait3A_283] : memref<320000x128xf32, #tpu.memory_space<hbm>> -> memref<128x128xf32, #tpu.memory_space<hbm>>
        %dma_wait3A_285 = arith.constant 0 : i32
        %dma_wait3A_286 = tpu.memref_slice %arg2[%mul3A_282, %dma_wait3A_285] : memref<320000x128xf32, #tpu.memory_space<hbm>> -> memref<128x128xf32, #tpu.memory_space<hbm>>
        tpu.wait_dma2 semaphore(%arg12 : memref<!tpu.dma_semaphore, #tpu.memory_space<semaphore_mem>>) src(%dma_wait3A_286 : memref<128x128xf32, #tpu.memory_space<hbm>>) dst(%arg7 : memref<128x128xf32, #tpu.memory_space<vmem>>)
        %dma_start3A_287 = arith.constant 5 : i32
        %dma_start3A_288 = arith.constant 0 : i32
        %dma_start3A_289 = tpu.memref_slice %arg9[%dma_start3A_287, %dma_start3A_288] : memref<8x128xi32, #tpu.memory_space<vmem>> -> memref<1x128xi32, #tpu.memory_space<vmem>>
        %dma_start3A_290 = tpu.memref_squeeze %dma_start3A_289 : memref<1x128xi32, #tpu.memory_space<vmem>> -> memref<128xi32, #tpu.memory_space<vmem>>
        %dma_start3A_291 = arith.constant 0 : i32
        %dma_start3A_292 = arith.constant 0 : i32
        %dma_start3A_293 = tpu.memref_slice %arg10[%dma_start3A_291, %dma_start3A_292] : memref<10000x128xf32, #tpu.memory_space<vmem_shared>> -> memref<10000x128xf32, #tpu.memory_space<vmem_shared>>
        tpu.enqueue_indirect_dma source(%arg7 : memref<128x128xf32, #tpu.memory_space<vmem>>) target(%dma_start3A_293 : memref<10000x128xf32, #tpu.memory_space<vmem_shared>>) offsets(%dma_start3A_290 : memref<128xi32, #tpu.memory_space<vmem>>) semaphore(%arg14 : memref<!tpu.dma_semaphore, #tpu.memory_space<semaphore_mem>>) {add = true}
        %dma_wait3A_294 = arith.constant 5 : i32
        %dma_wait3A_295 = arith.constant 0 : i32
        %dma_wait3A_296 = tpu.memref_slice %arg9[%dma_wait3A_294, %dma_wait3A_295] : memref<8x128xi32, #tpu.memory_space<vmem>> -> memref<1x128xi32, #tpu.memory_space<vmem>>
        %dma_wait3A_297 = tpu.memref_squeeze %dma_wait3A_296 : memref<1x128xi32, #tpu.memory_space<vmem>> -> memref<128xi32, #tpu.memory_space<vmem>>
        %dma_wait3A_298 = arith.constant 0 : i32
        %dma_wait3A_299 = arith.constant 0 : i32
        %dma_wait3A_300 = tpu.memref_slice %arg10[%dma_wait3A_298, %dma_wait3A_299] : memref<10000x128xf32, #tpu.memory_space<vmem_shared>> -> memref<10000x128xf32, #tpu.memory_space<vmem_shared>>
        tpu.wait_indirect_dma semaphore(%arg14 : memref<!tpu.dma_semaphore, #tpu.memory_space<semaphore_mem>>) src(%arg7 : memref<128x128xf32, #tpu.memory_space<vmem>>) dst(%dma_wait3A_300 : memref<10000x128xf32, #tpu.memory_space<vmem_shared>>)
        %add3A_301 = arith.constant 2 : i32
        %add3A_302 = arith.addi %add3A_280, %add3A_301 : i32
        %add3A_303 = arith.addi %mul3A_9, %mul3A_11 : i32
        %lt3A_304 = arith.cmpi slt, %add3A_302, %add3A_303 : i32
        %convert_element_type3A_305 = arith.extui %lt3A_304 : i1 to i32
        %cond3A_306 = arith.constant 0 : i32
        %cond3A_307 = arith.cmpi ne, %convert_element_type3A_305, %cond3A_306 : i32
        scf.if %cond3A_307 {
          %add3A_378 = arith.constant 2 : i32
          %add3A_379 = arith.addi %add3A_280, %add3A_378 : i32
          %mul3A_380 = arith.constant 128 : i32
          %mul3A_381 = arith.muli %add3A_379, %mul3A_380 : i32
          %dma_start3A_382 = arith.constant 0 : i32
          %dma_start3A_383 = tpu.memref_slice %arg2[%mul3A_381, %dma_start3A_382] : memref<320000x128xf32, #tpu.memory_space<hbm>> -> memref<128x128xf32, #tpu.memory_space<hbm>>
          %dma_start3A_384 = arith.constant 0 : i32
          %dma_start3A_385 = tpu.memref_slice %arg2[%mul3A_381, %dma_start3A_384] : memref<320000x128xf32, #tpu.memory_space<hbm>> -> memref<128x128xf32, #tpu.memory_space<hbm>>
          tpu.enqueue_dma source(%dma_start3A_385 : memref<128x128xf32, #tpu.memory_space<hbm>>) target(%arg7 : memref<128x128xf32, #tpu.memory_space<vmem>>) target_semaphore(%arg12 : memref<!tpu.dma_semaphore, #tpu.memory_space<semaphore_mem>>)
        } else {
        }
        %mul3A_308 = arith.constant 8 : i32
        %mul3A_309 = arith.muli %while3A_72, %mul3A_308 : i32
        %add3A_310 = arith.addi %mul3A_9, %mul3A_309 : i32
        %add3A_311 = arith.constant 6 : i32
        %add3A_312 = arith.addi %add3A_310, %add3A_311 : i32
        %mul3A_313 = arith.constant 128 : i32
        %mul3A_314 = arith.muli %add3A_312, %mul3A_313 : i32
        %dma_wait3A_315 = arith.constant 0 : i32
        %dma_wait3A_316 = tpu.memref_slice %arg2[%mul3A_314, %dma_wait3A_315] : memref<320000x128xf32, #tpu.memory_space<hbm>> -> memref<128x128xf32, #tpu.memory_space<hbm>>
        %dma_wait3A_317 = arith.constant 0 : i32
        %dma_wait3A_318 = tpu.memref_slice %arg2[%mul3A_314, %dma_wait3A_317] : memref<320000x128xf32, #tpu.memory_space<hbm>> -> memref<128x128xf32, #tpu.memory_space<hbm>>
        tpu.wait_dma2 semaphore(%arg11 : memref<!tpu.dma_semaphore, #tpu.memory_space<semaphore_mem>>) src(%dma_wait3A_318 : memref<128x128xf32, #tpu.memory_space<hbm>>) dst(%arg6 : memref<128x128xf32, #tpu.memory_space<vmem>>)
        %dma_start3A_319 = arith.constant 6 : i32
        %dma_start3A_320 = arith.constant 0 : i32
        %dma_start3A_321 = tpu.memref_slice %arg9[%dma_start3A_319, %dma_start3A_320] : memref<8x128xi32, #tpu.memory_space<vmem>> -> memref<1x128xi32, #tpu.memory_space<vmem>>
        %dma_start3A_322 = tpu.memref_squeeze %dma_start3A_321 : memref<1x128xi32, #tpu.memory_space<vmem>> -> memref<128xi32, #tpu.memory_space<vmem>>
        %dma_start3A_323 = arith.constant 0 : i32
        %dma_start3A_324 = arith.constant 0 : i32
        %dma_start3A_325 = tpu.memref_slice %arg10[%dma_start3A_323, %dma_start3A_324] : memref<10000x128xf32, #tpu.memory_space<vmem_shared>> -> memref<10000x128xf32, #tpu.memory_space<vmem_shared>>
        tpu.enqueue_indirect_dma source(%arg6 : memref<128x128xf32, #tpu.memory_space<vmem>>) target(%dma_start3A_325 : memref<10000x128xf32, #tpu.memory_space<vmem_shared>>) offsets(%dma_start3A_322 : memref<128xi32, #tpu.memory_space<vmem>>) semaphore(%arg14 : memref<!tpu.dma_semaphore, #tpu.memory_space<semaphore_mem>>) {add = true}
        %dma_wait3A_326 = arith.constant 6 : i32
        %dma_wait3A_327 = arith.constant 0 : i32
        %dma_wait3A_328 = tpu.memref_slice %arg9[%dma_wait3A_326, %dma_wait3A_327] : memref<8x128xi32, #tpu.memory_space<vmem>> -> memref<1x128xi32, #tpu.memory_space<vmem>>
        %dma_wait3A_329 = tpu.memref_squeeze %dma_wait3A_328 : memref<1x128xi32, #tpu.memory_space<vmem>> -> memref<128xi32, #tpu.memory_space<vmem>>
        %dma_wait3A_330 = arith.constant 0 : i32
        %dma_wait3A_331 = arith.constant 0 : i32
        %dma_wait3A_332 = tpu.memref_slice %arg10[%dma_wait3A_330, %dma_wait3A_331] : memref<10000x128xf32, #tpu.memory_space<vmem_shared>> -> memref<10000x128xf32, #tpu.memory_space<vmem_shared>>
        tpu.wait_indirect_dma semaphore(%arg14 : memref<!tpu.dma_semaphore, #tpu.memory_space<semaphore_mem>>) src(%arg6 : memref<128x128xf32, #tpu.memory_space<vmem>>) dst(%dma_wait3A_332 : memref<10000x128xf32, #tpu.memory_space<vmem_shared>>)
        %add3A_333 = arith.constant 2 : i32
        %add3A_334 = arith.addi %add3A_312, %add3A_333 : i32
        %add3A_335 = arith.addi %mul3A_9, %mul3A_11 : i32
        %lt3A_336 = arith.cmpi slt, %add3A_334, %add3A_335 : i32
        %convert_element_type3A_337 = arith.extui %lt3A_336 : i1 to i32
        %cond3A_338 = arith.constant 0 : i32
        %cond3A_339 = arith.cmpi ne, %convert_element_type3A_337, %cond3A_338 : i32
        scf.if %cond3A_339 {
          %add3A_378 = arith.constant 2 : i32
          %add3A_379 = arith.addi %add3A_312, %add3A_378 : i32
          %mul3A_380 = arith.constant 128 : i32
          %mul3A_381 = arith.muli %add3A_379, %mul3A_380 : i32
          %dma_start3A_382 = arith.constant 0 : i32
          %dma_start3A_383 = tpu.memref_slice %arg2[%mul3A_381, %dma_start3A_382] : memref<320000x128xf32, #tpu.memory_space<hbm>> -> memref<128x128xf32, #tpu.memory_space<hbm>>
          %dma_start3A_384 = arith.constant 0 : i32
          %dma_start3A_385 = tpu.memref_slice %arg2[%mul3A_381, %dma_start3A_384] : memref<320000x128xf32, #tpu.memory_space<hbm>> -> memref<128x128xf32, #tpu.memory_space<hbm>>
          tpu.enqueue_dma source(%dma_start3A_385 : memref<128x128xf32, #tpu.memory_space<hbm>>) target(%arg6 : memref<128x128xf32, #tpu.memory_space<vmem>>) target_semaphore(%arg11 : memref<!tpu.dma_semaphore, #tpu.memory_space<semaphore_mem>>)
        } else {
        }
        %mul3A_340 = arith.constant 8 : i32
        %mul3A_341 = arith.muli %while3A_72, %mul3A_340 : i32
        %add3A_342 = arith.addi %mul3A_9, %mul3A_341 : i32
        %add3A_343 = arith.constant 7 : i32
        %add3A_344 = arith.addi %add3A_342, %add3A_343 : i32
        %mul3A_345 = arith.constant 128 : i32
        %mul3A_346 = arith.muli %add3A_344, %mul3A_345 : i32
        %dma_wait3A_347 = arith.constant 0 : i32
        %dma_wait3A_348 = tpu.memref_slice %arg2[%mul3A_346, %dma_wait3A_347] : memref<320000x128xf32, #tpu.memory_space<hbm>> -> memref<128x128xf32, #tpu.memory_space<hbm>>
        %dma_wait3A_349 = arith.constant 0 : i32
        %dma_wait3A_350 = tpu.memref_slice %arg2[%mul3A_346, %dma_wait3A_349] : memref<320000x128xf32, #tpu.memory_space<hbm>> -> memref<128x128xf32, #tpu.memory_space<hbm>>
        tpu.wait_dma2 semaphore(%arg12 : memref<!tpu.dma_semaphore, #tpu.memory_space<semaphore_mem>>) src(%dma_wait3A_350 : memref<128x128xf32, #tpu.memory_space<hbm>>) dst(%arg7 : memref<128x128xf32, #tpu.memory_space<vmem>>)
        %dma_start3A_351 = arith.constant 7 : i32
        %dma_start3A_352 = arith.constant 0 : i32
        %dma_start3A_353 = tpu.memref_slice %arg9[%dma_start3A_351, %dma_start3A_352] : memref<8x128xi32, #tpu.memory_space<vmem>> -> memref<1x128xi32, #tpu.memory_space<vmem>>
        %dma_start3A_354 = tpu.memref_squeeze %dma_start3A_353 : memref<1x128xi32, #tpu.memory_space<vmem>> -> memref<128xi32, #tpu.memory_space<vmem>>
        %dma_start3A_355 = arith.constant 0 : i32
        %dma_start3A_356 = arith.constant 0 : i32
        %dma_start3A_357 = tpu.memref_slice %arg10[%dma_start3A_355, %dma_start3A_356] : memref<10000x128xf32, #tpu.memory_space<vmem_shared>> -> memref<10000x128xf32, #tpu.memory_space<vmem_shared>>
        tpu.enqueue_indirect_dma source(%arg7 : memref<128x128xf32, #tpu.memory_space<vmem>>) target(%dma_start3A_357 : memref<10000x128xf32, #tpu.memory_space<vmem_shared>>) offsets(%dma_start3A_354 : memref<128xi32, #tpu.memory_space<vmem>>) semaphore(%arg14 : memref<!tpu.dma_semaphore, #tpu.memory_space<semaphore_mem>>) {add = true}
        %dma_wait3A_358 = arith.constant 7 : i32
        %dma_wait3A_359 = arith.constant 0 : i32
        %dma_wait3A_360 = tpu.memref_slice %arg9[%dma_wait3A_358, %dma_wait3A_359] : memref<8x128xi32, #tpu.memory_space<vmem>> -> memref<1x128xi32, #tpu.memory_space<vmem>>
        %dma_wait3A_361 = tpu.memref_squeeze %dma_wait3A_360 : memref<1x128xi32, #tpu.memory_space<vmem>> -> memref<128xi32, #tpu.memory_space<vmem>>
        %dma_wait3A_362 = arith.constant 0 : i32
        %dma_wait3A_363 = arith.constant 0 : i32
        %dma_wait3A_364 = tpu.memref_slice %arg10[%dma_wait3A_362, %dma_wait3A_363] : memref<10000x128xf32, #tpu.memory_space<vmem_shared>> -> memref<10000x128xf32, #tpu.memory_space<vmem_shared>>
        tpu.wait_indirect_dma semaphore(%arg14 : memref<!tpu.dma_semaphore, #tpu.memory_space<semaphore_mem>>) src(%arg7 : memref<128x128xf32, #tpu.memory_space<vmem>>) dst(%dma_wait3A_364 : memref<10000x128xf32, #tpu.memory_space<vmem_shared>>)
        %add3A_365 = arith.constant 2 : i32
        %add3A_366 = arith.addi %add3A_344, %add3A_365 : i32
        %add3A_367 = arith.addi %mul3A_9, %mul3A_11 : i32
        %lt3A_368 = arith.cmpi slt, %add3A_366, %add3A_367 : i32
        %convert_element_type3A_369 = arith.extui %lt3A_368 : i1 to i32
        %cond3A_370 = arith.constant 0 : i32
        %cond3A_371 = arith.cmpi ne, %convert_element_type3A_369, %cond3A_370 : i32
        scf.if %cond3A_371 {
          %add3A_378 = arith.constant 2 : i32
          %add3A_379 = arith.addi %add3A_344, %add3A_378 : i32
          %mul3A_380 = arith.constant 128 : i32
          %mul3A_381 = arith.muli %add3A_379, %mul3A_380 : i32
          %dma_start3A_382 = arith.constant 0 : i32
          %dma_start3A_383 = tpu.memref_slice %arg2[%mul3A_381, %dma_start3A_382] : memref<320000x128xf32, #tpu.memory_space<hbm>> -> memref<128x128xf32, #tpu.memory_space<hbm>>
          %dma_start3A_384 = arith.constant 0 : i32
          %dma_start3A_385 = tpu.memref_slice %arg2[%mul3A_381, %dma_start3A_384] : memref<320000x128xf32, #tpu.memory_space<hbm>> -> memref<128x128xf32, #tpu.memory_space<hbm>>
          tpu.enqueue_dma source(%dma_start3A_385 : memref<128x128xf32, #tpu.memory_space<hbm>>) target(%arg7 : memref<128x128xf32, #tpu.memory_space<vmem>>) target_semaphore(%arg12 : memref<!tpu.dma_semaphore, #tpu.memory_space<semaphore_mem>>)
        } else {
        }
        %add3A_372 = arith.constant 2 : i32
        %add3A_373 = arith.addi %while3A_72, %add3A_372 : i32
        %lt3A_374 = arith.cmpi slt, %add3A_373, %add3A_7 : i32
        %convert_element_type3A_375 = arith.extui %lt3A_374 : i1 to i32
        %cond3A_376 = arith.constant 0 : i32
        %cond3A_377 = arith.cmpi ne, %convert_element_type3A_375, %cond3A_376 : i32
        scf.if %cond3A_377 {
          %add3A_378 = arith.addi %add3A_4, %while3A_72 : i32
          %add3A_379 = arith.constant 2 : i32
          %add3A_380 = arith.addi %add3A_378, %add3A_379 : i32
          %mul3A_381 = arith.constant 8 : i32
          %mul3A_382 = arith.muli %add3A_380, %mul3A_381 : i32
          %dma_start3A_383 = arith.constant 0 : i32
          %dma_start3A_384 = tpu.memref_slice %arg3[%mul3A_382, %dma_start3A_383] : memref<2500x128xi32, #tpu.memory_space<hbm>> -> memref<8x128xi32, #tpu.memory_space<hbm>>
          %dma_start3A_385 = arith.constant 0 : i32
          %dma_start3A_386 = tpu.memref_slice %arg3[%mul3A_382, %dma_start3A_385] : memref<2500x128xi32, #tpu.memory_space<hbm>> -> memref<8x128xi32, #tpu.memory_space<hbm>>
          tpu.enqueue_dma source(%dma_start3A_386 : memref<8x128xi32, #tpu.memory_space<hbm>>) target(%arg9 : memref<8x128xi32, #tpu.memory_space<vmem>>) target_semaphore(%arg13 : memref<!tpu.dma_semaphore, #tpu.memory_space<semaphore_mem>>)
        } else {
        }
      } else {
      }
    }
    %while3A_55 = arith.constant 1 : i32
    scf.for %while3A_72 = %while3A_53 to %while3A_49 step %while3A_55  : i32 {
      %jit3A = arith.constant 2 : i32
      %eq3A_73 = arith.constant 0 : i32
      %eq3A_74 = arith.cmpi eq, %jit3A, %eq3A_73 : i32
      %jit3A_75 = arith.constant 1 : i32
      %select_n3A = arith.select %eq3A_74, %jit3A_75, %jit3A : i32
      %rem3A = arith.remsi %while3A_72, %select_n3A : i32
      %ne3A = arith.constant 0 : i32
      %ne3A_76 = arith.cmpi ne, %rem3A, %ne3A : i32
      %lt3A_77 = arith.constant 0 : i32
      %lt3A_78 = arith.cmpi slt, %rem3A, %lt3A_77 : i32
      %lt3A_79 = arith.constant 0 : i32
      %lt3A_80 = arith.cmpi slt, %select_n3A, %lt3A_79 : i32
      %ne3A_81 = arith.xori %lt3A_78, %lt3A_80 : i1
      %and3A = arith.andi %ne3A_81, %ne3A_76 : i1
      %add3A_82 = arith.addi %rem3A, %select_n3A : i32
      %select_n3A_83 = arith.select %and3A, %add3A_82, %rem3A : i32
      %eq3A_84 = arith.constant 0 : i32
      %eq3A_85 = arith.cmpi eq, %select_n3A_83, %eq3A_84 : i32
      %convert_element_type3A_86 = arith.extui %eq3A_85 : i1 to i32
      %cond3A_87 = arith.constant 0 : i32
      %cond3A_88 = arith.cmpi ne, %convert_element_type3A_86, %cond3A_87 : i32
      scf.if %cond3A_88 {
        %add3A_110 = arith.addi %add3A_4, %while3A_72 : i32
        %mul3A_111 = arith.constant 8 : i32
        %mul3A_112 = arith.muli %add3A_110, %mul3A_111 : i32
        %dma_wait3A = arith.constant 0 : i32
        %dma_wait3A_113 = tpu.memref_slice %arg3[%mul3A_112, %dma_wait3A] : memref<2500x128xi32, #tpu.memory_space<hbm>> -> memref<8x128xi32, #tpu.memory_space<hbm>>
        %dma_wait3A_114 = arith.constant 0 : i32
        %dma_wait3A_115 = tpu.memref_slice %arg3[%mul3A_112, %dma_wait3A_114] : memref<2500x128xi32, #tpu.memory_space<hbm>> -> memref<8x128xi32, #tpu.memory_space<hbm>>
        tpu.wait_dma2 semaphore(%arg13 : memref<!tpu.dma_semaphore, #tpu.memory_space<semaphore_mem>>) src(%dma_wait3A_115 : memref<8x128xi32, #tpu.memory_space<hbm>>) dst(%arg8 : memref<8x128xi32, #tpu.memory_space<vmem>>)
        %mul3A_116 = arith.constant 8 : i32
        %mul3A_117 = arith.muli %while3A_72, %mul3A_116 : i32
        %add3A_118 = arith.addi %mul3A_9, %mul3A_117 : i32
        %add3A_119 = arith.constant 0 : i32
        %add3A_120 = arith.addi %add3A_118, %add3A_119 : i32
        %mul3A_121 = arith.constant 128 : i32
        %mul3A_122 = arith.muli %add3A_120, %mul3A_121 : i32
        %dma_wait3A_123 = arith.constant 0 : i32
        %dma_wait3A_124 = tpu.memref_slice %arg2[%mul3A_122, %dma_wait3A_123] : memref<320000x128xf32, #tpu.memory_space<hbm>> -> memref<128x128xf32, #tpu.memory_space<hbm>>
        %dma_wait3A_125 = arith.constant 0 : i32
        %dma_wait3A_126 = tpu.memref_slice %arg2[%mul3A_122, %dma_wait3A_125] : memref<320000x128xf32, #tpu.memory_space<hbm>> -> memref<128x128xf32, #tpu.memory_space<hbm>>
        tpu.wait_dma2 semaphore(%arg11 : memref<!tpu.dma_semaphore, #tpu.memory_space<semaphore_mem>>) src(%dma_wait3A_126 : memref<128x128xf32, #tpu.memory_space<hbm>>) dst(%arg6 : memref<128x128xf32, #tpu.memory_space<vmem>>)
        %dma_start3A_127 = arith.constant 0 : i32
        %dma_start3A_128 = arith.constant 0 : i32
        %dma_start3A_129 = tpu.memref_slice %arg8[%dma_start3A_127, %dma_start3A_128] : memref<8x128xi32, #tpu.memory_space<vmem>> -> memref<1x128xi32, #tpu.memory_space<vmem>>
        %dma_start3A_130 = tpu.memref_squeeze %dma_start3A_129 : memref<1x128xi32, #tpu.memory_space<vmem>> -> memref<128xi32, #tpu.memory_space<vmem>>
        %dma_start3A_131 = arith.constant 0 : i32
        %dma_start3A_132 = arith.constant 0 : i32
        %dma_start3A_133 = tpu.memref_slice %arg10[%dma_start3A_131, %dma_start3A_132] : memref<10000x128xf32, #tpu.memory_space<vmem_shared>> -> memref<10000x128xf32, #tpu.memory_space<vmem_shared>>
        tpu.enqueue_indirect_dma source(%arg6 : memref<128x128xf32, #tpu.memory_space<vmem>>) target(%dma_start3A_133 : memref<10000x128xf32, #tpu.memory_space<vmem_shared>>) offsets(%dma_start3A_130 : memref<128xi32, #tpu.memory_space<vmem>>) semaphore(%arg14 : memref<!tpu.dma_semaphore, #tpu.memory_space<semaphore_mem>>) {add = true}
        %dma_wait3A_134 = arith.constant 0 : i32
        %dma_wait3A_135 = arith.constant 0 : i32
        %dma_wait3A_136 = tpu.memref_slice %arg8[%dma_wait3A_134, %dma_wait3A_135] : memref<8x128xi32, #tpu.memory_space<vmem>> -> memref<1x128xi32, #tpu.memory_space<vmem>>
        %dma_wait3A_137 = tpu.memref_squeeze %dma_wait3A_136 : memref<1x128xi32, #tpu.memory_space<vmem>> -> memref<128xi32, #tpu.memory_space<vmem>>
        %dma_wait3A_138 = arith.constant 0 : i32
        %dma_wait3A_139 = arith.constant 0 : i32
        %dma_wait3A_140 = tpu.memref_slice %arg10[%dma_wait3A_138, %dma_wait3A_139] : memref<10000x128xf32, #tpu.memory_space<vmem_shared>> -> memref<10000x128xf32, #tpu.memory_space<vmem_shared>>
        tpu.wait_indirect_dma semaphore(%arg14 : memref<!tpu.dma_semaphore, #tpu.memory_space<semaphore_mem>>) src(%arg6 : memref<128x128xf32, #tpu.memory_space<vmem>>) dst(%dma_wait3A_140 : memref<10000x128xf32, #tpu.memory_space<vmem_shared>>)
        %add3A_141 = arith.constant 2 : i32
        %add3A_142 = arith.addi %add3A_120, %add3A_141 : i32
        %add3A_143 = arith.addi %mul3A_9, %mul3A_11 : i32
        %lt3A_144 = arith.cmpi slt, %add3A_142, %add3A_143 : i32
        %convert_element_type3A_145 = arith.extui %lt3A_144 : i1 to i32
        %cond3A_146 = arith.constant 0 : i32
        %cond3A_147 = arith.cmpi ne, %convert_element_type3A_145, %cond3A_146 : i32
        scf.if %cond3A_147 {
          %add3A_378 = arith.constant 2 : i32
          %add3A_379 = arith.addi %add3A_120, %add3A_378 : i32
          %mul3A_380 = arith.constant 128 : i32
          %mul3A_381 = arith.muli %add3A_379, %mul3A_380 : i32
          %dma_start3A_382 = arith.constant 0 : i32
          %dma_start3A_383 = tpu.memref_slice %arg2[%mul3A_381, %dma_start3A_382] : memref<320000x128xf32, #tpu.memory_space<hbm>> -> memref<128x128xf32, #tpu.memory_space<hbm>>
          %dma_start3A_384 = arith.constant 0 : i32
          %dma_start3A_385 = tpu.memref_slice %arg2[%mul3A_381, %dma_start3A_384] : memref<320000x128xf32, #tpu.memory_space<hbm>> -> memref<128x128xf32, #tpu.memory_space<hbm>>
          tpu.enqueue_dma source(%dma_start3A_385 : memref<128x128xf32, #tpu.memory_space<hbm>>) target(%arg6 : memref<128x128xf32, #tpu.memory_space<vmem>>) target_semaphore(%arg11 : memref<!tpu.dma_semaphore, #tpu.memory_space<semaphore_mem>>)
        } else {
        }
        %mul3A_148 = arith.constant 8 : i32
        %mul3A_149 = arith.muli %while3A_72, %mul3A_148 : i32
        %add3A_150 = arith.addi %mul3A_9, %mul3A_149 : i32
        %add3A_151 = arith.constant 1 : i32
        %add3A_152 = arith.addi %add3A_150, %add3A_151 : i32
        %mul3A_153 = arith.constant 128 : i32
        %mul3A_154 = arith.muli %add3A_152, %mul3A_153 : i32
        %dma_wait3A_155 = arith.constant 0 : i32
        %dma_wait3A_156 = tpu.memref_slice %arg2[%mul3A_154, %dma_wait3A_155] : memref<320000x128xf32, #tpu.memory_space<hbm>> -> memref<128x128xf32, #tpu.memory_space<hbm>>
        %dma_wait3A_157 = arith.constant 0 : i32
        %dma_wait3A_158 = tpu.memref_slice %arg2[%mul3A_154, %dma_wait3A_157] : memref<320000x128xf32, #tpu.memory_space<hbm>> -> memref<128x128xf32, #tpu.memory_space<hbm>>
        tpu.wait_dma2 semaphore(%arg12 : memref<!tpu.dma_semaphore, #tpu.memory_space<semaphore_mem>>) src(%dma_wait3A_158 : memref<128x128xf32, #tpu.memory_space<hbm>>) dst(%arg7 : memref<128x128xf32, #tpu.memory_space<vmem>>)
        %dma_start3A_159 = arith.constant 1 : i32
        %dma_start3A_160 = arith.constant 0 : i32
        %dma_start3A_161 = tpu.memref_slice %arg8[%dma_start3A_159, %dma_start3A_160] : memref<8x128xi32, #tpu.memory_space<vmem>> -> memref<1x128xi32, #tpu.memory_space<vmem>>
        %dma_start3A_162 = tpu.memref_squeeze %dma_start3A_161 : memref<1x128xi32, #tpu.memory_space<vmem>> -> memref<128xi32, #tpu.memory_space<vmem>>
        %dma_start3A_163 = arith.constant 0 : i32
        %dma_start3A_164 = arith.constant 0 : i32
        %dma_start3A_165 = tpu.memref_slice %arg10[%dma_start3A_163, %dma_start3A_164] : memref<10000x128xf32, #tpu.memory_space<vmem_shared>> -> memref<10000x128xf32, #tpu.memory_space<vmem_shared>>
        tpu.enqueue_indirect_dma source(%arg7 : memref<128x128xf32, #tpu.memory_space<vmem>>) target(%dma_start3A_165 : memref<10000x128xf32, #tpu.memory_space<vmem_shared>>) offsets(%dma_start3A_162 : memref<128xi32, #tpu.memory_space<vmem>>) semaphore(%arg14 : memref<!tpu.dma_semaphore, #tpu.memory_space<semaphore_mem>>) {add = true}
        %dma_wait3A_166 = arith.constant 1 : i32
        %dma_wait3A_167 = arith.constant 0 : i32
        %dma_wait3A_168 = tpu.memref_slice %arg8[%dma_wait3A_166, %dma_wait3A_167] : memref<8x128xi32, #tpu.memory_space<vmem>> -> memref<1x128xi32, #tpu.memory_space<vmem>>
        %dma_wait3A_169 = tpu.memref_squeeze %dma_wait3A_168 : memref<1x128xi32, #tpu.memory_space<vmem>> -> memref<128xi32, #tpu.memory_space<vmem>>
        %dma_wait3A_170 = arith.constant 0 : i32
        %dma_wait3A_171 = arith.constant 0 : i32
        %dma_wait3A_172 = tpu.memref_slice %arg10[%dma_wait3A_170, %dma_wait3A_171] : memref<10000x128xf32, #tpu.memory_space<vmem_shared>> -> memref<10000x128xf32, #tpu.memory_space<vmem_shared>>
        tpu.wait_indirect_dma semaphore(%arg14 : memref<!tpu.dma_semaphore, #tpu.memory_space<semaphore_mem>>) src(%arg7 : memref<128x128xf32, #tpu.memory_space<vmem>>) dst(%dma_wait3A_172 : memref<10000x128xf32, #tpu.memory_space<vmem_shared>>)
        %add3A_173 = arith.constant 2 : i32
        %add3A_174 = arith.addi %add3A_152, %add3A_173 : i32
        %add3A_175 = arith.addi %mul3A_9, %mul3A_11 : i32
        %lt3A_176 = arith.cmpi slt, %add3A_174, %add3A_175 : i32
        %convert_element_type3A_177 = arith.extui %lt3A_176 : i1 to i32
        %cond3A_178 = arith.constant 0 : i32
        %cond3A_179 = arith.cmpi ne, %convert_element_type3A_177, %cond3A_178 : i32
        scf.if %cond3A_179 {
          %add3A_378 = arith.constant 2 : i32
          %add3A_379 = arith.addi %add3A_152, %add3A_378 : i32
          %mul3A_380 = arith.constant 128 : i32
          %mul3A_381 = arith.muli %add3A_379, %mul3A_380 : i32
          %dma_start3A_382 = arith.constant 0 : i32
          %dma_start3A_383 = tpu.memref_slice %arg2[%mul3A_381, %dma_start3A_382] : memref<320000x128xf32, #tpu.memory_space<hbm>> -> memref<128x128xf32, #tpu.memory_space<hbm>>
          %dma_start3A_384 = arith.constant 0 : i32
          %dma_start3A_385 = tpu.memref_slice %arg2[%mul3A_381, %dma_start3A_384] : memref<320000x128xf32, #tpu.memory_space<hbm>> -> memref<128x128xf32, #tpu.memory_space<hbm>>
          tpu.enqueue_dma source(%dma_start3A_385 : memref<128x128xf32, #tpu.memory_space<hbm>>) target(%arg7 : memref<128x128xf32, #tpu.memory_space<vmem>>) target_semaphore(%arg12 : memref<!tpu.dma_semaphore, #tpu.memory_space<semaphore_mem>>)
        } else {
        }
        %mul3A_180 = arith.constant 8 : i32
        %mul3A_181 = arith.muli %while3A_72, %mul3A_180 : i32
        %add3A_182 = arith.addi %mul3A_9, %mul3A_181 : i32
        %add3A_183 = arith.constant 2 : i32
        %add3A_184 = arith.addi %add3A_182, %add3A_183 : i32
        %mul3A_185 = arith.constant 128 : i32
        %mul3A_186 = arith.muli %add3A_184, %mul3A_185 : i32
        %dma_wait3A_187 = arith.constant 0 : i32
        %dma_wait3A_188 = tpu.memref_slice %arg2[%mul3A_186, %dma_wait3A_187] : memref<320000x128xf32, #tpu.memory_space<hbm>> -> memref<128x128xf32, #tpu.memory_space<hbm>>
        %dma_wait3A_189 = arith.constant 0 : i32
        %dma_wait3A_190 = tpu.memref_slice %arg2[%mul3A_186, %dma_wait3A_189] : memref<320000x128xf32, #tpu.memory_space<hbm>> -> memref<128x128xf32, #tpu.memory_space<hbm>>
        tpu.wait_dma2 semaphore(%arg11 : memref<!tpu.dma_semaphore, #tpu.memory_space<semaphore_mem>>) src(%dma_wait3A_190 : memref<128x128xf32, #tpu.memory_space<hbm>>) dst(%arg6 : memref<128x128xf32, #tpu.memory_space<vmem>>)
        %dma_start3A_191 = arith.constant 2 : i32
        %dma_start3A_192 = arith.constant 0 : i32
        %dma_start3A_193 = tpu.memref_slice %arg8[%dma_start3A_191, %dma_start3A_192] : memref<8x128xi32, #tpu.memory_space<vmem>> -> memref<1x128xi32, #tpu.memory_space<vmem>>
        %dma_start3A_194 = tpu.memref_squeeze %dma_start3A_193 : memref<1x128xi32, #tpu.memory_space<vmem>> -> memref<128xi32, #tpu.memory_space<vmem>>
        %dma_start3A_195 = arith.constant 0 : i32
        %dma_start3A_196 = arith.constant 0 : i32
        %dma_start3A_197 = tpu.memref_slice %arg10[%dma_start3A_195, %dma_start3A_196] : memref<10000x128xf32, #tpu.memory_space<vmem_shared>> -> memref<10000x128xf32, #tpu.memory_space<vmem_shared>>
        tpu.enqueue_indirect_dma source(%arg6 : memref<128x128xf32, #tpu.memory_space<vmem>>) target(%dma_start3A_197 : memref<10000x128xf32, #tpu.memory_space<vmem_shared>>) offsets(%dma_start3A_194 : memref<128xi32, #tpu.memory_space<vmem>>) semaphore(%arg14 : memref<!tpu.dma_semaphore, #tpu.memory_space<semaphore_mem>>) {add = true}
        %dma_wait3A_198 = arith.constant 2 : i32
        %dma_wait3A_199 = arith.constant 0 : i32
        %dma_wait3A_200 = tpu.memref_slice %arg8[%dma_wait3A_198, %dma_wait3A_199] : memref<8x128xi32, #tpu.memory_space<vmem>> -> memref<1x128xi32, #tpu.memory_space<vmem>>
        %dma_wait3A_201 = tpu.memref_squeeze %dma_wait3A_200 : memref<1x128xi32, #tpu.memory_space<vmem>> -> memref<128xi32, #tpu.memory_space<vmem>>
        %dma_wait3A_202 = arith.constant 0 : i32
        %dma_wait3A_203 = arith.constant 0 : i32
        %dma_wait3A_204 = tpu.memref_slice %arg10[%dma_wait3A_202, %dma_wait3A_203] : memref<10000x128xf32, #tpu.memory_space<vmem_shared>> -> memref<10000x128xf32, #tpu.memory_space<vmem_shared>>
        tpu.wait_indirect_dma semaphore(%arg14 : memref<!tpu.dma_semaphore, #tpu.memory_space<semaphore_mem>>) src(%arg6 : memref<128x128xf32, #tpu.memory_space<vmem>>) dst(%dma_wait3A_204 : memref<10000x128xf32, #tpu.memory_space<vmem_shared>>)
        %add3A_205 = arith.constant 2 : i32
        %add3A_206 = arith.addi %add3A_184, %add3A_205 : i32
        %add3A_207 = arith.addi %mul3A_9, %mul3A_11 : i32
        %lt3A_208 = arith.cmpi slt, %add3A_206, %add3A_207 : i32
        %convert_element_type3A_209 = arith.extui %lt3A_208 : i1 to i32
        %cond3A_210 = arith.constant 0 : i32
        %cond3A_211 = arith.cmpi ne, %convert_element_type3A_209, %cond3A_210 : i32
        scf.if %cond3A_211 {
          %add3A_378 = arith.constant 2 : i32
          %add3A_379 = arith.addi %add3A_184, %add3A_378 : i32
          %mul3A_380 = arith.constant 128 : i32
          %mul3A_381 = arith.muli %add3A_379, %mul3A_380 : i32
          %dma_start3A_382 = arith.constant 0 : i32
          %dma_start3A_383 = tpu.memref_slice %arg2[%mul3A_381, %dma_start3A_382] : memref<320000x128xf32, #tpu.memory_space<hbm>> -> memref<128x128xf32, #tpu.memory_space<hbm>>
          %dma_start3A_384 = arith.constant 0 : i32
          %dma_start3A_385 = tpu.memref_slice %arg2[%mul3A_381, %dma_start3A_384] : memref<320000x128xf32, #tpu.memory_space<hbm>> -> memref<128x128xf32, #tpu.memory_space<hbm>>
          tpu.enqueue_dma source(%dma_start3A_385 : memref<128x128xf32, #tpu.memory_space<hbm>>) target(%arg6 : memref<128x128xf32, #tpu.memory_space<vmem>>) target_semaphore(%arg11 : memref<!tpu.dma_semaphore, #tpu.memory_space<semaphore_mem>>)
        } else {
        }
        %mul3A_212 = arith.constant 8 : i32
        %mul3A_213 = arith.muli %while3A_72, %mul3A_212 : i32
        %add3A_214 = arith.addi %mul3A_9, %mul3A_213 : i32
        %add3A_215 = arith.constant 3 : i32
        %add3A_216 = arith.addi %add3A_214, %add3A_215 : i32
        %mul3A_217 = arith.constant 128 : i32
        %mul3A_218 = arith.muli %add3A_216, %mul3A_217 : i32
        %dma_wait3A_219 = arith.constant 0 : i32
        %dma_wait3A_220 = tpu.memref_slice %arg2[%mul3A_218, %dma_wait3A_219] : memref<320000x128xf32, #tpu.memory_space<hbm>> -> memref<128x128xf32, #tpu.memory_space<hbm>>
        %dma_wait3A_221 = arith.constant 0 : i32
        %dma_wait3A_222 = tpu.memref_slice %arg2[%mul3A_218, %dma_wait3A_221] : memref<320000x128xf32, #tpu.memory_space<hbm>> -> memref<128x128xf32, #tpu.memory_space<hbm>>
        tpu.wait_dma2 semaphore(%arg12 : memref<!tpu.dma_semaphore, #tpu.memory_space<semaphore_mem>>) src(%dma_wait3A_222 : memref<128x128xf32, #tpu.memory_space<hbm>>) dst(%arg7 : memref<128x128xf32, #tpu.memory_space<vmem>>)
        %dma_start3A_223 = arith.constant 3 : i32
        %dma_start3A_224 = arith.constant 0 : i32
        %dma_start3A_225 = tpu.memref_slice %arg8[%dma_start3A_223, %dma_start3A_224] : memref<8x128xi32, #tpu.memory_space<vmem>> -> memref<1x128xi32, #tpu.memory_space<vmem>>
        %dma_start3A_226 = tpu.memref_squeeze %dma_start3A_225 : memref<1x128xi32, #tpu.memory_space<vmem>> -> memref<128xi32, #tpu.memory_space<vmem>>
        %dma_start3A_227 = arith.constant 0 : i32
        %dma_start3A_228 = arith.constant 0 : i32
        %dma_start3A_229 = tpu.memref_slice %arg10[%dma_start3A_227, %dma_start3A_228] : memref<10000x128xf32, #tpu.memory_space<vmem_shared>> -> memref<10000x128xf32, #tpu.memory_space<vmem_shared>>
        tpu.enqueue_indirect_dma source(%arg7 : memref<128x128xf32, #tpu.memory_space<vmem>>) target(%dma_start3A_229 : memref<10000x128xf32, #tpu.memory_space<vmem_shared>>) offsets(%dma_start3A_226 : memref<128xi32, #tpu.memory_space<vmem>>) semaphore(%arg14 : memref<!tpu.dma_semaphore, #tpu.memory_space<semaphore_mem>>) {add = true}
        %dma_wait3A_230 = arith.constant 3 : i32
        %dma_wait3A_231 = arith.constant 0 : i32
        %dma_wait3A_232 = tpu.memref_slice %arg8[%dma_wait3A_230, %dma_wait3A_231] : memref<8x128xi32, #tpu.memory_space<vmem>> -> memref<1x128xi32, #tpu.memory_space<vmem>>
        %dma_wait3A_233 = tpu.memref_squeeze %dma_wait3A_232 : memref<1x128xi32, #tpu.memory_space<vmem>> -> memref<128xi32, #tpu.memory_space<vmem>>
        %dma_wait3A_234 = arith.constant 0 : i32
        %dma_wait3A_235 = arith.constant 0 : i32
        %dma_wait3A_236 = tpu.memref_slice %arg10[%dma_wait3A_234, %dma_wait3A_235] : memref<10000x128xf32, #tpu.memory_space<vmem_shared>> -> memref<10000x128xf32, #tpu.memory_space<vmem_shared>>
        tpu.wait_indirect_dma semaphore(%arg14 : memref<!tpu.dma_semaphore, #tpu.memory_space<semaphore_mem>>) src(%arg7 : memref<128x128xf32, #tpu.memory_space<vmem>>) dst(%dma_wait3A_236 : memref<10000x128xf32, #tpu.memory_space<vmem_shared>>)
        %add3A_237 = arith.constant 2 : i32
        %add3A_238 = arith.addi %add3A_216, %add3A_237 : i32
        %add3A_239 = arith.addi %mul3A_9, %mul3A_11 : i32
        %lt3A_240 = arith.cmpi slt, %add3A_238, %add3A_239 : i32
        %convert_element_type3A_241 = arith.extui %lt3A_240 : i1 to i32
        %cond3A_242 = arith.constant 0 : i32
        %cond3A_243 = arith.cmpi ne, %convert_element_type3A_241, %cond3A_242 : i32
        scf.if %cond3A_243 {
          %add3A_378 = arith.constant 2 : i32
          %add3A_379 = arith.addi %add3A_216, %add3A_378 : i32
          %mul3A_380 = arith.constant 128 : i32
          %mul3A_381 = arith.muli %add3A_379, %mul3A_380 : i32
          %dma_start3A_382 = arith.constant 0 : i32
          %dma_start3A_383 = tpu.memref_slice %arg2[%mul3A_381, %dma_start3A_382] : memref<320000x128xf32, #tpu.memory_space<hbm>> -> memref<128x128xf32, #tpu.memory_space<hbm>>
          %dma_start3A_384 = arith.constant 0 : i32
          %dma_start3A_385 = tpu.memref_slice %arg2[%mul3A_381, %dma_start3A_384] : memref<320000x128xf32, #tpu.memory_space<hbm>> -> memref<128x128xf32, #tpu.memory_space<hbm>>
          tpu.enqueue_dma source(%dma_start3A_385 : memref<128x128xf32, #tpu.memory_space<hbm>>) target(%arg7 : memref<128x128xf32, #tpu.memory_space<vmem>>) target_semaphore(%arg12 : memref<!tpu.dma_semaphore, #tpu.memory_space<semaphore_mem>>)
        } else {
        }
        %mul3A_244 = arith.constant 8 : i32
        %mul3A_245 = arith.muli %while3A_72, %mul3A_244 : i32
        %add3A_246 = arith.addi %mul3A_9, %mul3A_245 : i32
        %add3A_247 = arith.constant 4 : i32
        %add3A_248 = arith.addi %add3A_246, %add3A_247 : i32
        %mul3A_249 = arith.constant 128 : i32
        %mul3A_250 = arith.muli %add3A_248, %mul3A_249 : i32
        %dma_wait3A_251 = arith.constant 0 : i32
        %dma_wait3A_252 = tpu.memref_slice %arg2[%mul3A_250, %dma_wait3A_251] : memref<320000x128xf32, #tpu.memory_space<hbm>> -> memref<128x128xf32, #tpu.memory_space<hbm>>
        %dma_wait3A_253 = arith.constant 0 : i32
        %dma_wait3A_254 = tpu.memref_slice %arg2[%mul3A_250, %dma_wait3A_253] : memref<320000x128xf32, #tpu.memory_space<hbm>> -> memref<128x128xf32, #tpu.memory_space<hbm>>
        tpu.wait_dma2 semaphore(%arg11 : memref<!tpu.dma_semaphore, #tpu.memory_space<semaphore_mem>>) src(%dma_wait3A_254 : memref<128x128xf32, #tpu.memory_space<hbm>>) dst(%arg6 : memref<128x128xf32, #tpu.memory_space<vmem>>)
        %dma_start3A_255 = arith.constant 4 : i32
        %dma_start3A_256 = arith.constant 0 : i32
        %dma_start3A_257 = tpu.memref_slice %arg8[%dma_start3A_255, %dma_start3A_256] : memref<8x128xi32, #tpu.memory_space<vmem>> -> memref<1x128xi32, #tpu.memory_space<vmem>>
        %dma_start3A_258 = tpu.memref_squeeze %dma_start3A_257 : memref<1x128xi32, #tpu.memory_space<vmem>> -> memref<128xi32, #tpu.memory_space<vmem>>
        %dma_start3A_259 = arith.constant 0 : i32
        %dma_start3A_260 = arith.constant 0 : i32
        %dma_start3A_261 = tpu.memref_slice %arg10[%dma_start3A_259, %dma_start3A_260] : memref<10000x128xf32, #tpu.memory_space<vmem_shared>> -> memref<10000x128xf32, #tpu.memory_space<vmem_shared>>
        tpu.enqueue_indirect_dma source(%arg6 : memref<128x128xf32, #tpu.memory_space<vmem>>) target(%dma_start3A_261 : memref<10000x128xf32, #tpu.memory_space<vmem_shared>>) offsets(%dma_start3A_258 : memref<128xi32, #tpu.memory_space<vmem>>) semaphore(%arg14 : memref<!tpu.dma_semaphore, #tpu.memory_space<semaphore_mem>>) {add = true}
        %dma_wait3A_262 = arith.constant 4 : i32
        %dma_wait3A_263 = arith.constant 0 : i32
        %dma_wait3A_264 = tpu.memref_slice %arg8[%dma_wait3A_262, %dma_wait3A_263] : memref<8x128xi32, #tpu.memory_space<vmem>> -> memref<1x128xi32, #tpu.memory_space<vmem>>
        %dma_wait3A_265 = tpu.memref_squeeze %dma_wait3A_264 : memref<1x128xi32, #tpu.memory_space<vmem>> -> memref<128xi32, #tpu.memory_space<vmem>>
        %dma_wait3A_266 = arith.constant 0 : i32
        %dma_wait3A_267 = arith.constant 0 : i32
        %dma_wait3A_268 = tpu.memref_slice %arg10[%dma_wait3A_266, %dma_wait3A_267] : memref<10000x128xf32, #tpu.memory_space<vmem_shared>> -> memref<10000x128xf32, #tpu.memory_space<vmem_shared>>
        tpu.wait_indirect_dma semaphore(%arg14 : memref<!tpu.dma_semaphore, #tpu.memory_space<semaphore_mem>>) src(%arg6 : memref<128x128xf32, #tpu.memory_space<vmem>>) dst(%dma_wait3A_268 : memref<10000x128xf32, #tpu.memory_space<vmem_shared>>)
        %add3A_269 = arith.constant 2 : i32
        %add3A_270 = arith.addi %add3A_248, %add3A_269 : i32
        %add3A_271 = arith.addi %mul3A_9, %mul3A_11 : i32
        %lt3A_272 = arith.cmpi slt, %add3A_270, %add3A_271 : i32
        %convert_element_type3A_273 = arith.extui %lt3A_272 : i1 to i32
        %cond3A_274 = arith.constant 0 : i32
        %cond3A_275 = arith.cmpi ne, %convert_element_type3A_273, %cond3A_274 : i32
        scf.if %cond3A_275 {
          %add3A_378 = arith.constant 2 : i32
          %add3A_379 = arith.addi %add3A_248, %add3A_378 : i32
          %mul3A_380 = arith.constant 128 : i32
          %mul3A_381 = arith.muli %add3A_379, %mul3A_380 : i32
          %dma_start3A_382 = arith.constant 0 : i32
          %dma_start3A_383 = tpu.memref_slice %arg2[%mul3A_381, %dma_start3A_382] : memref<320000x128xf32, #tpu.memory_space<hbm>> -> memref<128x128xf32, #tpu.memory_space<hbm>>
          %dma_start3A_384 = arith.constant 0 : i32
          %dma_start3A_385 = tpu.memref_slice %arg2[%mul3A_381, %dma_start3A_384] : memref<320000x128xf32, #tpu.memory_space<hbm>> -> memref<128x128xf32, #tpu.memory_space<hbm>>
          tpu.enqueue_dma source(%dma_start3A_385 : memref<128x128xf32, #tpu.memory_space<hbm>>) target(%arg6 : memref<128x128xf32, #tpu.memory_space<vmem>>) target_semaphore(%arg11 : memref<!tpu.dma_semaphore, #tpu.memory_space<semaphore_mem>>)
        } else {
        }
        %mul3A_276 = arith.constant 8 : i32
        %mul3A_277 = arith.muli %while3A_72, %mul3A_276 : i32
        %add3A_278 = arith.addi %mul3A_9, %mul3A_277 : i32
        %add3A_279 = arith.constant 5 : i32
        %add3A_280 = arith.addi %add3A_278, %add3A_279 : i32
        %mul3A_281 = arith.constant 128 : i32
        %mul3A_282 = arith.muli %add3A_280, %mul3A_281 : i32
        %dma_wait3A_283 = arith.constant 0 : i32
        %dma_wait3A_284 = tpu.memref_slice %arg2[%mul3A_282, %dma_wait3A_283] : memref<320000x128xf32, #tpu.memory_space<hbm>> -> memref<128x128xf32, #tpu.memory_space<hbm>>
        %dma_wait3A_285 = arith.constant 0 : i32
        %dma_wait3A_286 = tpu.memref_slice %arg2[%mul3A_282, %dma_wait3A_285] : memref<320000x128xf32, #tpu.memory_space<hbm>> -> memref<128x128xf32, #tpu.memory_space<hbm>>
        tpu.wait_dma2 semaphore(%arg12 : memref<!tpu.dma_semaphore, #tpu.memory_space<semaphore_mem>>) src(%dma_wait3A_286 : memref<128x128xf32, #tpu.memory_space<hbm>>) dst(%arg7 : memref<128x128xf32, #tpu.memory_space<vmem>>)
        %dma_start3A_287 = arith.constant 5 : i32
        %dma_start3A_288 = arith.constant 0 : i32
        %dma_start3A_289 = tpu.memref_slice %arg8[%dma_start3A_287, %dma_start3A_288] : memref<8x128xi32, #tpu.memory_space<vmem>> -> memref<1x128xi32, #tpu.memory_space<vmem>>
        %dma_start3A_290 = tpu.memref_squeeze %dma_start3A_289 : memref<1x128xi32, #tpu.memory_space<vmem>> -> memref<128xi32, #tpu.memory_space<vmem>>
        %dma_start3A_291 = arith.constant 0 : i32
        %dma_start3A_292 = arith.constant 0 : i32
        %dma_start3A_293 = tpu.memref_slice %arg10[%dma_start3A_291, %dma_start3A_292] : memref<10000x128xf32, #tpu.memory_space<vmem_shared>> -> memref<10000x128xf32, #tpu.memory_space<vmem_shared>>
        tpu.enqueue_indirect_dma source(%arg7 : memref<128x128xf32, #tpu.memory_space<vmem>>) target(%dma_start3A_293 : memref<10000x128xf32, #tpu.memory_space<vmem_shared>>) offsets(%dma_start3A_290 : memref<128xi32, #tpu.memory_space<vmem>>) semaphore(%arg14 : memref<!tpu.dma_semaphore, #tpu.memory_space<semaphore_mem>>) {add = true}
        %dma_wait3A_294 = arith.constant 5 : i32
        %dma_wait3A_295 = arith.constant 0 : i32
        %dma_wait3A_296 = tpu.memref_slice %arg8[%dma_wait3A_294, %dma_wait3A_295] : memref<8x128xi32, #tpu.memory_space<vmem>> -> memref<1x128xi32, #tpu.memory_space<vmem>>
        %dma_wait3A_297 = tpu.memref_squeeze %dma_wait3A_296 : memref<1x128xi32, #tpu.memory_space<vmem>> -> memref<128xi32, #tpu.memory_space<vmem>>
        %dma_wait3A_298 = arith.constant 0 : i32
        %dma_wait3A_299 = arith.constant 0 : i32
        %dma_wait3A_300 = tpu.memref_slice %arg10[%dma_wait3A_298, %dma_wait3A_299] : memref<10000x128xf32, #tpu.memory_space<vmem_shared>> -> memref<10000x128xf32, #tpu.memory_space<vmem_shared>>
        tpu.wait_indirect_dma semaphore(%arg14 : memref<!tpu.dma_semaphore, #tpu.memory_space<semaphore_mem>>) src(%arg7 : memref<128x128xf32, #tpu.memory_space<vmem>>) dst(%dma_wait3A_300 : memref<10000x128xf32, #tpu.memory_space<vmem_shared>>)
        %add3A_301 = arith.constant 2 : i32
        %add3A_302 = arith.addi %add3A_280, %add3A_301 : i32
        %add3A_303 = arith.addi %mul3A_9, %mul3A_11 : i32
        %lt3A_304 = arith.cmpi slt, %add3A_302, %add3A_303 : i32
        %convert_element_type3A_305 = arith.extui %lt3A_304 : i1 to i32
        %cond3A_306 = arith.constant 0 : i32
        %cond3A_307 = arith.cmpi ne, %convert_element_type3A_305, %cond3A_306 : i32
        scf.if %cond3A_307 {
          %add3A_378 = arith.constant 2 : i32
          %add3A_379 = arith.addi %add3A_280, %add3A_378 : i32
          %mul3A_380 = arith.constant 128 : i32
          %mul3A_381 = arith.muli %add3A_379, %mul3A_380 : i32
          %dma_start3A_382 = arith.constant 0 : i32
          %dma_start3A_383 = tpu.memref_slice %arg2[%mul3A_381, %dma_start3A_382] : memref<320000x128xf32, #tpu.memory_space<hbm>> -> memref<128x128xf32, #tpu.memory_space<hbm>>
          %dma_start3A_384 = arith.constant 0 : i32
          %dma_start3A_385 = tpu.memref_slice %arg2[%mul3A_381, %dma_start3A_384] : memref<320000x128xf32, #tpu.memory_space<hbm>> -> memref<128x128xf32, #tpu.memory_space<hbm>>
          tpu.enqueue_dma source(%dma_start3A_385 : memref<128x128xf32, #tpu.memory_space<hbm>>) target(%arg7 : memref<128x128xf32, #tpu.memory_space<vmem>>) target_semaphore(%arg12 : memref<!tpu.dma_semaphore, #tpu.memory_space<semaphore_mem>>)
        } else {
        }
        %mul3A_308 = arith.constant 8 : i32
        %mul3A_309 = arith.muli %while3A_72, %mul3A_308 : i32
        %add3A_310 = arith.addi %mul3A_9, %mul3A_309 : i32
        %add3A_311 = arith.constant 6 : i32
        %add3A_312 = arith.addi %add3A_310, %add3A_311 : i32
        %mul3A_313 = arith.constant 128 : i32
        %mul3A_314 = arith.muli %add3A_312, %mul3A_313 : i32
        %dma_wait3A_315 = arith.constant 0 : i32
        %dma_wait3A_316 = tpu.memref_slice %arg2[%mul3A_314, %dma_wait3A_315] : memref<320000x128xf32, #tpu.memory_space<hbm>> -> memref<128x128xf32, #tpu.memory_space<hbm>>
        %dma_wait3A_317 = arith.constant 0 : i32
        %dma_wait3A_318 = tpu.memref_slice %arg2[%mul3A_314, %dma_wait3A_317] : memref<320000x128xf32, #tpu.memory_space<hbm>> -> memref<128x128xf32, #tpu.memory_space<hbm>>
        tpu.wait_dma2 semaphore(%arg11 : memref<!tpu.dma_semaphore, #tpu.memory_space<semaphore_mem>>) src(%dma_wait3A_318 : memref<128x128xf32, #tpu.memory_space<hbm>>) dst(%arg6 : memref<128x128xf32, #tpu.memory_space<vmem>>)
        %dma_start3A_319 = arith.constant 6 : i32
        %dma_start3A_320 = arith.constant 0 : i32
        %dma_start3A_321 = tpu.memref_slice %arg8[%dma_start3A_319, %dma_start3A_320] : memref<8x128xi32, #tpu.memory_space<vmem>> -> memref<1x128xi32, #tpu.memory_space<vmem>>
        %dma_start3A_322 = tpu.memref_squeeze %dma_start3A_321 : memref<1x128xi32, #tpu.memory_space<vmem>> -> memref<128xi32, #tpu.memory_space<vmem>>
        %dma_start3A_323 = arith.constant 0 : i32
        %dma_start3A_324 = arith.constant 0 : i32
        %dma_start3A_325 = tpu.memref_slice %arg10[%dma_start3A_323, %dma_start3A_324] : memref<10000x128xf32, #tpu.memory_space<vmem_shared>> -> memref<10000x128xf32, #tpu.memory_space<vmem_shared>>
        tpu.enqueue_indirect_dma source(%arg6 : memref<128x128xf32, #tpu.memory_space<vmem>>) target(%dma_start3A_325 : memref<10000x128xf32, #tpu.memory_space<vmem_shared>>) offsets(%dma_start3A_322 : memref<128xi32, #tpu.memory_space<vmem>>) semaphore(%arg14 : memref<!tpu.dma_semaphore, #tpu.memory_space<semaphore_mem>>) {add = true}
        %dma_wait3A_326 = arith.constant 6 : i32
        %dma_wait3A_327 = arith.constant 0 : i32
        %dma_wait3A_328 = tpu.memref_slice %arg8[%dma_wait3A_326, %dma_wait3A_327] : memref<8x128xi32, #tpu.memory_space<vmem>> -> memref<1x128xi32, #tpu.memory_space<vmem>>
        %dma_wait3A_329 = tpu.memref_squeeze %dma_wait3A_328 : memref<1x128xi32, #tpu.memory_space<vmem>> -> memref<128xi32, #tpu.memory_space<vmem>>
        %dma_wait3A_330 = arith.constant 0 : i32
        %dma_wait3A_331 = arith.constant 0 : i32
        %dma_wait3A_332 = tpu.memref_slice %arg10[%dma_wait3A_330, %dma_wait3A_331] : memref<10000x128xf32, #tpu.memory_space<vmem_shared>> -> memref<10000x128xf32, #tpu.memory_space<vmem_shared>>
        tpu.wait_indirect_dma semaphore(%arg14 : memref<!tpu.dma_semaphore, #tpu.memory_space<semaphore_mem>>) src(%arg6 : memref<128x128xf32, #tpu.memory_space<vmem>>) dst(%dma_wait3A_332 : memref<10000x128xf32, #tpu.memory_space<vmem_shared>>)
        %add3A_333 = arith.constant 2 : i32
        %add3A_334 = arith.addi %add3A_312, %add3A_333 : i32
        %add3A_335 = arith.addi %mul3A_9, %mul3A_11 : i32
        %lt3A_336 = arith.cmpi slt, %add3A_334, %add3A_335 : i32
        %convert_element_type3A_337 = arith.extui %lt3A_336 : i1 to i32
        %cond3A_338 = arith.constant 0 : i32
        %cond3A_339 = arith.cmpi ne, %convert_element_type3A_337, %cond3A_338 : i32
        scf.if %cond3A_339 {
          %add3A_378 = arith.constant 2 : i32
          %add3A_379 = arith.addi %add3A_312, %add3A_378 : i32
          %mul3A_380 = arith.constant 128 : i32
          %mul3A_381 = arith.muli %add3A_379, %mul3A_380 : i32
          %dma_start3A_382 = arith.constant 0 : i32
          %dma_start3A_383 = tpu.memref_slice %arg2[%mul3A_381, %dma_start3A_382] : memref<320000x128xf32, #tpu.memory_space<hbm>> -> memref<128x128xf32, #tpu.memory_space<hbm>>
          %dma_start3A_384 = arith.constant 0 : i32
          %dma_start3A_385 = tpu.memref_slice %arg2[%mul3A_381, %dma_start3A_384] : memref<320000x128xf32, #tpu.memory_space<hbm>> -> memref<128x128xf32, #tpu.memory_space<hbm>>
          tpu.enqueue_dma source(%dma_start3A_385 : memref<128x128xf32, #tpu.memory_space<hbm>>) target(%arg6 : memref<128x128xf32, #tpu.memory_space<vmem>>) target_semaphore(%arg11 : memref<!tpu.dma_semaphore, #tpu.memory_space<semaphore_mem>>)
        } else {
        }
        %mul3A_340 = arith.constant 8 : i32
        %mul3A_341 = arith.muli %while3A_72, %mul3A_340 : i32
        %add3A_342 = arith.addi %mul3A_9, %mul3A_341 : i32
        %add3A_343 = arith.constant 7 : i32
        %add3A_344 = arith.addi %add3A_342, %add3A_343 : i32
        %mul3A_345 = arith.constant 128 : i32
        %mul3A_346 = arith.muli %add3A_344, %mul3A_345 : i32
        %dma_wait3A_347 = arith.constant 0 : i32
        %dma_wait3A_348 = tpu.memref_slice %arg2[%mul3A_346, %dma_wait3A_347] : memref<320000x128xf32, #tpu.memory_space<hbm>> -> memref<128x128xf32, #tpu.memory_space<hbm>>
        %dma_wait3A_349 = arith.constant 0 : i32
        %dma_wait3A_350 = tpu.memref_slice %arg2[%mul3A_346, %dma_wait3A_349] : memref<320000x128xf32, #tpu.memory_space<hbm>> -> memref<128x128xf32, #tpu.memory_space<hbm>>
        tpu.wait_dma2 semaphore(%arg12 : memref<!tpu.dma_semaphore, #tpu.memory_space<semaphore_mem>>) src(%dma_wait3A_350 : memref<128x128xf32, #tpu.memory_space<hbm>>) dst(%arg7 : memref<128x128xf32, #tpu.memory_space<vmem>>)
        %dma_start3A_351 = arith.constant 7 : i32
        %dma_start3A_352 = arith.constant 0 : i32
        %dma_start3A_353 = tpu.memref_slice %arg8[%dma_start3A_351, %dma_start3A_352] : memref<8x128xi32, #tpu.memory_space<vmem>> -> memref<1x128xi32, #tpu.memory_space<vmem>>
        %dma_start3A_354 = tpu.memref_squeeze %dma_start3A_353 : memref<1x128xi32, #tpu.memory_space<vmem>> -> memref<128xi32, #tpu.memory_space<vmem>>
        %dma_start3A_355 = arith.constant 0 : i32
        %dma_start3A_356 = arith.constant 0 : i32
        %dma_start3A_357 = tpu.memref_slice %arg10[%dma_start3A_355, %dma_start3A_356] : memref<10000x128xf32, #tpu.memory_space<vmem_shared>> -> memref<10000x128xf32, #tpu.memory_space<vmem_shared>>
        tpu.enqueue_indirect_dma source(%arg7 : memref<128x128xf32, #tpu.memory_space<vmem>>) target(%dma_start3A_357 : memref<10000x128xf32, #tpu.memory_space<vmem_shared>>) offsets(%dma_start3A_354 : memref<128xi32, #tpu.memory_space<vmem>>) semaphore(%arg14 : memref<!tpu.dma_semaphore, #tpu.memory_space<semaphore_mem>>) {add = true}
        %dma_wait3A_358 = arith.constant 7 : i32
        %dma_wait3A_359 = arith.constant 0 : i32
        %dma_wait3A_360 = tpu.memref_slice %arg8[%dma_wait3A_358, %dma_wait3A_359] : memref<8x128xi32, #tpu.memory_space<vmem>> -> memref<1x128xi32, #tpu.memory_space<vmem>>
        %dma_wait3A_361 = tpu.memref_squeeze %dma_wait3A_360 : memref<1x128xi32, #tpu.memory_space<vmem>> -> memref<128xi32, #tpu.memory_space<vmem>>
        %dma_wait3A_362 = arith.constant 0 : i32
        %dma_wait3A_363 = arith.constant 0 : i32
        %dma_wait3A_364 = tpu.memref_slice %arg10[%dma_wait3A_362, %dma_wait3A_363] : memref<10000x128xf32, #tpu.memory_space<vmem_shared>> -> memref<10000x128xf32, #tpu.memory_space<vmem_shared>>
        tpu.wait_indirect_dma semaphore(%arg14 : memref<!tpu.dma_semaphore, #tpu.memory_space<semaphore_mem>>) src(%arg7 : memref<128x128xf32, #tpu.memory_space<vmem>>) dst(%dma_wait3A_364 : memref<10000x128xf32, #tpu.memory_space<vmem_shared>>)
        %add3A_365 = arith.constant 2 : i32
        %add3A_366 = arith.addi %add3A_344, %add3A_365 : i32
        %add3A_367 = arith.addi %mul3A_9, %mul3A_11 : i32
        %lt3A_368 = arith.cmpi slt, %add3A_366, %add3A_367 : i32
        %convert_element_type3A_369 = arith.extui %lt3A_368 : i1 to i32
        %cond3A_370 = arith.constant 0 : i32
        %cond3A_371 = arith.cmpi ne, %convert_element_type3A_369, %cond3A_370 : i32
        scf.if %cond3A_371 {
          %add3A_378 = arith.constant 2 : i32
          %add3A_379 = arith.addi %add3A_344, %add3A_378 : i32
          %mul3A_380 = arith.constant 128 : i32
          %mul3A_381 = arith.muli %add3A_379, %mul3A_380 : i32
          %dma_start3A_382 = arith.constant 0 : i32
          %dma_start3A_383 = tpu.memref_slice %arg2[%mul3A_381, %dma_start3A_382] : memref<320000x128xf32, #tpu.memory_space<hbm>> -> memref<128x128xf32, #tpu.memory_space<hbm>>
          %dma_start3A_384 = arith.constant 0 : i32
          %dma_start3A_385 = tpu.memref_slice %arg2[%mul3A_381, %dma_start3A_384] : memref<320000x128xf32, #tpu.memory_space<hbm>> -> memref<128x128xf32, #tpu.memory_space<hbm>>
          tpu.enqueue_dma source(%dma_start3A_385 : memref<128x128xf32, #tpu.memory_space<hbm>>) target(%arg7 : memref<128x128xf32, #tpu.memory_space<vmem>>) target_semaphore(%arg12 : memref<!tpu.dma_semaphore, #tpu.memory_space<semaphore_mem>>)
        } else {
        }
        %add3A_372 = arith.constant 2 : i32
        %add3A_373 = arith.addi %while3A_72, %add3A_372 : i32
        %lt3A_374 = arith.cmpi slt, %add3A_373, %add3A_7 : i32
        %convert_element_type3A_375 = arith.extui %lt3A_374 : i1 to i32
        %cond3A_376 = arith.constant 0 : i32
        %cond3A_377 = arith.cmpi ne, %convert_element_type3A_375, %cond3A_376 : i32
        scf.if %cond3A_377 {
          %add3A_378 = arith.addi %add3A_4, %while3A_72 : i32
          %add3A_379 = arith.constant 2 : i32
          %add3A_380 = arith.addi %add3A_378, %add3A_379 : i32
          %mul3A_381 = arith.constant 8 : i32
          %mul3A_382 = arith.muli %add3A_380, %mul3A_381 : i32
          %dma_start3A_383 = arith.constant 0 : i32
          %dma_start3A_384 = tpu.memref_slice %arg3[%mul3A_382, %dma_start3A_383] : memref<2500x128xi32, #tpu.memory_space<hbm>> -> memref<8x128xi32, #tpu.memory_space<hbm>>
          %dma_start3A_385 = arith.constant 0 : i32
          %dma_start3A_386 = tpu.memref_slice %arg3[%mul3A_382, %dma_start3A_385] : memref<2500x128xi32, #tpu.memory_space<hbm>> -> memref<8x128xi32, #tpu.memory_space<hbm>>
          tpu.enqueue_dma source(%dma_start3A_386 : memref<8x128xi32, #tpu.memory_space<hbm>>) target(%arg8 : memref<8x128xi32, #tpu.memory_space<vmem>>) target_semaphore(%arg13 : memref<!tpu.dma_semaphore, #tpu.memory_space<semaphore_mem>>)
        } else {
        }
      } else {
      }
      %jit3A_89 = arith.constant 2 : i32
      %eq3A_90 = arith.constant 0 : i32
      %eq3A_91 = arith.cmpi eq, %jit3A_89, %eq3A_90 : i32
      %jit3A_92 = arith.constant 1 : i32
      %select_n3A_93 = arith.select %eq3A_91, %jit3A_92, %jit3A_89 : i32
      %rem3A_94 = arith.remsi %while3A_72, %select_n3A_93 : i32
      %ne3A_95 = arith.constant 0 : i32
      %ne3A_96 = arith.cmpi ne, %rem3A_94, %ne3A_95 : i32
      %lt3A_97 = arith.constant 0 : i32
      %lt3A_98 = arith.cmpi slt, %rem3A_94, %lt3A_97 : i32
      %lt3A_99 = arith.constant 0 : i32
      %lt3A_100 = arith.cmpi slt, %select_n3A_93, %lt3A_99 : i32
      %ne3A_101 = arith.xori %lt3A_98, %lt3A_100 : i1
      %and3A_102 = arith.andi %ne3A_101, %ne3A_96 : i1
      %add3A_103 = arith.addi %rem3A_94, %select_n3A_93 : i32
      %select_n3A_104 = arith.select %and3A_102, %add3A_103, %rem3A_94 : i32
      %eq3A_105 = arith.constant 1 : i32
      %eq3A_106 = arith.cmpi eq, %select_n3A_104, %eq3A_105 : i32
      %convert_element_type3A_107 = arith.extui %eq3A_106 : i1 to i32
      %cond3A_108 = arith.constant 0 : i32
      %cond3A_109 = arith.cmpi ne, %convert_element_type3A_107, %cond3A_108 : i32
      scf.if %cond3A_109 {
        %add3A_110 = arith.addi %add3A_4, %while3A_72 : i32
        %mul3A_111 = arith.constant 8 : i32
        %mul3A_112 = arith.muli %add3A_110, %mul3A_111 : i32
        %dma_wait3A = arith.constant 0 : i32
        %dma_wait3A_113 = tpu.memref_slice %arg3[%mul3A_112, %dma_wait3A] : memref<2500x128xi32, #tpu.memory_space<hbm>> -> memref<8x128xi32, #tpu.memory_space<hbm>>
        %dma_wait3A_114 = arith.constant 0 : i32
        %dma_wait3A_115 = tpu.memref_slice %arg3[%mul3A_112, %dma_wait3A_114] : memref<2500x128xi32, #tpu.memory_space<hbm>> -> memref<8x128xi32, #tpu.memory_space<hbm>>
        tpu.wait_dma2 semaphore(%arg13 : memref<!tpu.dma_semaphore, #tpu.memory_space<semaphore_mem>>) src(%dma_wait3A_115 : memref<8x128xi32, #tpu.memory_space<hbm>>) dst(%arg9 : memref<8x128xi32, #tpu.memory_space<vmem>>)
        %mul3A_116 = arith.constant 8 : i32
        %mul3A_117 = arith.muli %while3A_72, %mul3A_116 : i32
        %add3A_118 = arith.addi %mul3A_9, %mul3A_117 : i32
        %add3A_119 = arith.constant 0 : i32
        %add3A_120 = arith.addi %add3A_118, %add3A_119 : i32
        %mul3A_121 = arith.constant 128 : i32
        %mul3A_122 = arith.muli %add3A_120, %mul3A_121 : i32
        %dma_wait3A_123 = arith.constant 0 : i32
        %dma_wait3A_124 = tpu.memref_slice %arg2[%mul3A_122, %dma_wait3A_123] : memref<320000x128xf32, #tpu.memory_space<hbm>> -> memref<128x128xf32, #tpu.memory_space<hbm>>
        %dma_wait3A_125 = arith.constant 0 : i32
        %dma_wait3A_126 = tpu.memref_slice %arg2[%mul3A_122, %dma_wait3A_125] : memref<320000x128xf32, #tpu.memory_space<hbm>> -> memref<128x128xf32, #tpu.memory_space<hbm>>
        tpu.wait_dma2 semaphore(%arg11 : memref<!tpu.dma_semaphore, #tpu.memory_space<semaphore_mem>>) src(%dma_wait3A_126 : memref<128x128xf32, #tpu.memory_space<hbm>>) dst(%arg6 : memref<128x128xf32, #tpu.memory_space<vmem>>)
        %dma_start3A_127 = arith.constant 0 : i32
        %dma_start3A_128 = arith.constant 0 : i32
        %dma_start3A_129 = tpu.memref_slice %arg9[%dma_start3A_127, %dma_start3A_128] : memref<8x128xi32, #tpu.memory_space<vmem>> -> memref<1x128xi32, #tpu.memory_space<vmem>>
        %dma_start3A_130 = tpu.memref_squeeze %dma_start3A_129 : memref<1x128xi32, #tpu.memory_space<vmem>> -> memref<128xi32, #tpu.memory_space<vmem>>
        %dma_start3A_131 = arith.constant 0 : i32
        %dma_start3A_132 = arith.constant 0 : i32
        %dma_start3A_133 = tpu.memref_slice %arg10[%dma_start3A_131, %dma_start3A_132] : memref<10000x128xf32, #tpu.memory_space<vmem_shared>> -> memref<10000x128xf32, #tpu.memory_space<vmem_shared>>
        tpu.enqueue_indirect_dma source(%arg6 : memref<128x128xf32, #tpu.memory_space<vmem>>) target(%dma_start3A_133 : memref<10000x128xf32, #tpu.memory_space<vmem_shared>>) offsets(%dma_start3A_130 : memref<128xi32, #tpu.memory_space<vmem>>) semaphore(%arg14 : memref<!tpu.dma_semaphore, #tpu.memory_space<semaphore_mem>>) {add = true}
        %dma_wait3A_134 = arith.constant 0 : i32
        %dma_wait3A_135 = arith.constant 0 : i32
        %dma_wait3A_136 = tpu.memref_slice %arg9[%dma_wait3A_134, %dma_wait3A_135] : memref<8x128xi32, #tpu.memory_space<vmem>> -> memref<1x128xi32, #tpu.memory_space<vmem>>
        %dma_wait3A_137 = tpu.memref_squeeze %dma_wait3A_136 : memref<1x128xi32, #tpu.memory_space<vmem>> -> memref<128xi32, #tpu.memory_space<vmem>>
        %dma_wait3A_138 = arith.constant 0 : i32
        %dma_wait3A_139 = arith.constant 0 : i32
        %dma_wait3A_140 = tpu.memref_slice %arg10[%dma_wait3A_138, %dma_wait3A_139] : memref<10000x128xf32, #tpu.memory_space<vmem_shared>> -> memref<10000x128xf32, #tpu.memory_space<vmem_shared>>
        tpu.wait_indirect_dma semaphore(%arg14 : memref<!tpu.dma_semaphore, #tpu.memory_space<semaphore_mem>>) src(%arg6 : memref<128x128xf32, #tpu.memory_space<vmem>>) dst(%dma_wait3A_140 : memref<10000x128xf32, #tpu.memory_space<vmem_shared>>)
        %add3A_141 = arith.constant 2 : i32
        %add3A_142 = arith.addi %add3A_120, %add3A_141 : i32
        %add3A_143 = arith.addi %mul3A_9, %mul3A_11 : i32
        %lt3A_144 = arith.cmpi slt, %add3A_142, %add3A_143 : i32
        %convert_element_type3A_145 = arith.extui %lt3A_144 : i1 to i32
        %cond3A_146 = arith.constant 0 : i32
        %cond3A_147 = arith.cmpi ne, %convert_element_type3A_145, %cond3A_146 : i32
        scf.if %cond3A_147 {
          %add3A_378 = arith.constant 2 : i32
          %add3A_379 = arith.addi %add3A_120, %add3A_378 : i32
          %mul3A_380 = arith.constant 128 : i32
          %mul3A_381 = arith.muli %add3A_379, %mul3A_380 : i32
          %dma_start3A_382 = arith.constant 0 : i32
          %dma_start3A_383 = tpu.memref_slice %arg2[%mul3A_381, %dma_start3A_382] : memref<320000x128xf32, #tpu.memory_space<hbm>> -> memref<128x128xf32, #tpu.memory_space<hbm>>
          %dma_start3A_384 = arith.constant 0 : i32
          %dma_start3A_385 = tpu.memref_slice %arg2[%mul3A_381, %dma_start3A_384] : memref<320000x128xf32, #tpu.memory_space<hbm>> -> memref<128x128xf32, #tpu.memory_space<hbm>>
          tpu.enqueue_dma source(%dma_start3A_385 : memref<128x128xf32, #tpu.memory_space<hbm>>) target(%arg6 : memref<128x128xf32, #tpu.memory_space<vmem>>) target_semaphore(%arg11 : memref<!tpu.dma_semaphore, #tpu.memory_space<semaphore_mem>>)
        } else {
        }
        %mul3A_148 = arith.constant 8 : i32
        %mul3A_149 = arith.muli %while3A_72, %mul3A_148 : i32
        %add3A_150 = arith.addi %mul3A_9, %mul3A_149 : i32
        %add3A_151 = arith.constant 1 : i32
        %add3A_152 = arith.addi %add3A_150, %add3A_151 : i32
        %mul3A_153 = arith.constant 128 : i32
        %mul3A_154 = arith.muli %add3A_152, %mul3A_153 : i32
        %dma_wait3A_155 = arith.constant 0 : i32
        %dma_wait3A_156 = tpu.memref_slice %arg2[%mul3A_154, %dma_wait3A_155] : memref<320000x128xf32, #tpu.memory_space<hbm>> -> memref<128x128xf32, #tpu.memory_space<hbm>>
        %dma_wait3A_157 = arith.constant 0 : i32
        %dma_wait3A_158 = tpu.memref_slice %arg2[%mul3A_154, %dma_wait3A_157] : memref<320000x128xf32, #tpu.memory_space<hbm>> -> memref<128x128xf32, #tpu.memory_space<hbm>>
        tpu.wait_dma2 semaphore(%arg12 : memref<!tpu.dma_semaphore, #tpu.memory_space<semaphore_mem>>) src(%dma_wait3A_158 : memref<128x128xf32, #tpu.memory_space<hbm>>) dst(%arg7 : memref<128x128xf32, #tpu.memory_space<vmem>>)
        %dma_start3A_159 = arith.constant 1 : i32
        %dma_start3A_160 = arith.constant 0 : i32
        %dma_start3A_161 = tpu.memref_slice %arg9[%dma_start3A_159, %dma_start3A_160] : memref<8x128xi32, #tpu.memory_space<vmem>> -> memref<1x128xi32, #tpu.memory_space<vmem>>
        %dma_start3A_162 = tpu.memref_squeeze %dma_start3A_161 : memref<1x128xi32, #tpu.memory_space<vmem>> -> memref<128xi32, #tpu.memory_space<vmem>>
        %dma_start3A_163 = arith.constant 0 : i32
        %dma_start3A_164 = arith.constant 0 : i32
        %dma_start3A_165 = tpu.memref_slice %arg10[%dma_start3A_163, %dma_start3A_164] : memref<10000x128xf32, #tpu.memory_space<vmem_shared>> -> memref<10000x128xf32, #tpu.memory_space<vmem_shared>>
        tpu.enqueue_indirect_dma source(%arg7 : memref<128x128xf32, #tpu.memory_space<vmem>>) target(%dma_start3A_165 : memref<10000x128xf32, #tpu.memory_space<vmem_shared>>) offsets(%dma_start3A_162 : memref<128xi32, #tpu.memory_space<vmem>>) semaphore(%arg14 : memref<!tpu.dma_semaphore, #tpu.memory_space<semaphore_mem>>) {add = true}
        %dma_wait3A_166 = arith.constant 1 : i32
        %dma_wait3A_167 = arith.constant 0 : i32
        %dma_wait3A_168 = tpu.memref_slice %arg9[%dma_wait3A_166, %dma_wait3A_167] : memref<8x128xi32, #tpu.memory_space<vmem>> -> memref<1x128xi32, #tpu.memory_space<vmem>>
        %dma_wait3A_169 = tpu.memref_squeeze %dma_wait3A_168 : memref<1x128xi32, #tpu.memory_space<vmem>> -> memref<128xi32, #tpu.memory_space<vmem>>
        %dma_wait3A_170 = arith.constant 0 : i32
        %dma_wait3A_171 = arith.constant 0 : i32
        %dma_wait3A_172 = tpu.memref_slice %arg10[%dma_wait3A_170, %dma_wait3A_171] : memref<10000x128xf32, #tpu.memory_space<vmem_shared>> -> memref<10000x128xf32, #tpu.memory_space<vmem_shared>>
        tpu.wait_indirect_dma semaphore(%arg14 : memref<!tpu.dma_semaphore, #tpu.memory_space<semaphore_mem>>) src(%arg7 : memref<128x128xf32, #tpu.memory_space<vmem>>) dst(%dma_wait3A_172 : memref<10000x128xf32, #tpu.memory_space<vmem_shared>>)
        %add3A_173 = arith.constant 2 : i32
        %add3A_174 = arith.addi %add3A_152, %add3A_173 : i32
        %add3A_175 = arith.addi %mul3A_9, %mul3A_11 : i32
        %lt3A_176 = arith.cmpi slt, %add3A_174, %add3A_175 : i32
        %convert_element_type3A_177 = arith.extui %lt3A_176 : i1 to i32
        %cond3A_178 = arith.constant 0 : i32
        %cond3A_179 = arith.cmpi ne, %convert_element_type3A_177, %cond3A_178 : i32
        scf.if %cond3A_179 {
          %add3A_378 = arith.constant 2 : i32
          %add3A_379 = arith.addi %add3A_152, %add3A_378 : i32
          %mul3A_380 = arith.constant 128 : i32
          %mul3A_381 = arith.muli %add3A_379, %mul3A_380 : i32
          %dma_start3A_382 = arith.constant 0 : i32
          %dma_start3A_383 = tpu.memref_slice %arg2[%mul3A_381, %dma_start3A_382] : memref<320000x128xf32, #tpu.memory_space<hbm>> -> memref<128x128xf32, #tpu.memory_space<hbm>>
          %dma_start3A_384 = arith.constant 0 : i32
          %dma_start3A_385 = tpu.memref_slice %arg2[%mul3A_381, %dma_start3A_384] : memref<320000x128xf32, #tpu.memory_space<hbm>> -> memref<128x128xf32, #tpu.memory_space<hbm>>
          tpu.enqueue_dma source(%dma_start3A_385 : memref<128x128xf32, #tpu.memory_space<hbm>>) target(%arg7 : memref<128x128xf32, #tpu.memory_space<vmem>>) target_semaphore(%arg12 : memref<!tpu.dma_semaphore, #tpu.memory_space<semaphore_mem>>)
        } else {
        }
        %mul3A_180 = arith.constant 8 : i32
        %mul3A_181 = arith.muli %while3A_72, %mul3A_180 : i32
        %add3A_182 = arith.addi %mul3A_9, %mul3A_181 : i32
        %add3A_183 = arith.constant 2 : i32
        %add3A_184 = arith.addi %add3A_182, %add3A_183 : i32
        %mul3A_185 = arith.constant 128 : i32
        %mul3A_186 = arith.muli %add3A_184, %mul3A_185 : i32
        %dma_wait3A_187 = arith.constant 0 : i32
        %dma_wait3A_188 = tpu.memref_slice %arg2[%mul3A_186, %dma_wait3A_187] : memref<320000x128xf32, #tpu.memory_space<hbm>> -> memref<128x128xf32, #tpu.memory_space<hbm>>
        %dma_wait3A_189 = arith.constant 0 : i32
        %dma_wait3A_190 = tpu.memref_slice %arg2[%mul3A_186, %dma_wait3A_189] : memref<320000x128xf32, #tpu.memory_space<hbm>> -> memref<128x128xf32, #tpu.memory_space<hbm>>
        tpu.wait_dma2 semaphore(%arg11 : memref<!tpu.dma_semaphore, #tpu.memory_space<semaphore_mem>>) src(%dma_wait3A_190 : memref<128x128xf32, #tpu.memory_space<hbm>>) dst(%arg6 : memref<128x128xf32, #tpu.memory_space<vmem>>)
        %dma_start3A_191 = arith.constant 2 : i32
        %dma_start3A_192 = arith.constant 0 : i32
        %dma_start3A_193 = tpu.memref_slice %arg9[%dma_start3A_191, %dma_start3A_192] : memref<8x128xi32, #tpu.memory_space<vmem>> -> memref<1x128xi32, #tpu.memory_space<vmem>>
        %dma_start3A_194 = tpu.memref_squeeze %dma_start3A_193 : memref<1x128xi32, #tpu.memory_space<vmem>> -> memref<128xi32, #tpu.memory_space<vmem>>
        %dma_start3A_195 = arith.constant 0 : i32
        %dma_start3A_196 = arith.constant 0 : i32
        %dma_start3A_197 = tpu.memref_slice %arg10[%dma_start3A_195, %dma_start3A_196] : memref<10000x128xf32, #tpu.memory_space<vmem_shared>> -> memref<10000x128xf32, #tpu.memory_space<vmem_shared>>
        tpu.enqueue_indirect_dma source(%arg6 : memref<128x128xf32, #tpu.memory_space<vmem>>) target(%dma_start3A_197 : memref<10000x128xf32, #tpu.memory_space<vmem_shared>>) offsets(%dma_start3A_194 : memref<128xi32, #tpu.memory_space<vmem>>) semaphore(%arg14 : memref<!tpu.dma_semaphore, #tpu.memory_space<semaphore_mem>>) {add = true}
        %dma_wait3A_198 = arith.constant 2 : i32
        %dma_wait3A_199 = arith.constant 0 : i32
        %dma_wait3A_200 = tpu.memref_slice %arg9[%dma_wait3A_198, %dma_wait3A_199] : memref<8x128xi32, #tpu.memory_space<vmem>> -> memref<1x128xi32, #tpu.memory_space<vmem>>
        %dma_wait3A_201 = tpu.memref_squeeze %dma_wait3A_200 : memref<1x128xi32, #tpu.memory_space<vmem>> -> memref<128xi32, #tpu.memory_space<vmem>>
        %dma_wait3A_202 = arith.constant 0 : i32
        %dma_wait3A_203 = arith.constant 0 : i32
        %dma_wait3A_204 = tpu.memref_slice %arg10[%dma_wait3A_202, %dma_wait3A_203] : memref<10000x128xf32, #tpu.memory_space<vmem_shared>> -> memref<10000x128xf32, #tpu.memory_space<vmem_shared>>
        tpu.wait_indirect_dma semaphore(%arg14 : memref<!tpu.dma_semaphore, #tpu.memory_space<semaphore_mem>>) src(%arg6 : memref<128x128xf32, #tpu.memory_space<vmem>>) dst(%dma_wait3A_204 : memref<10000x128xf32, #tpu.memory_space<vmem_shared>>)
        %add3A_205 = arith.constant 2 : i32
        %add3A_206 = arith.addi %add3A_184, %add3A_205 : i32
        %add3A_207 = arith.addi %mul3A_9, %mul3A_11 : i32
        %lt3A_208 = arith.cmpi slt, %add3A_206, %add3A_207 : i32
        %convert_element_type3A_209 = arith.extui %lt3A_208 : i1 to i32
        %cond3A_210 = arith.constant 0 : i32
        %cond3A_211 = arith.cmpi ne, %convert_element_type3A_209, %cond3A_210 : i32
        scf.if %cond3A_211 {
          %add3A_378 = arith.constant 2 : i32
          %add3A_379 = arith.addi %add3A_184, %add3A_378 : i32
          %mul3A_380 = arith.constant 128 : i32
          %mul3A_381 = arith.muli %add3A_379, %mul3A_380 : i32
          %dma_start3A_382 = arith.constant 0 : i32
          %dma_start3A_383 = tpu.memref_slice %arg2[%mul3A_381, %dma_start3A_382] : memref<320000x128xf32, #tpu.memory_space<hbm>> -> memref<128x128xf32, #tpu.memory_space<hbm>>
          %dma_start3A_384 = arith.constant 0 : i32
          %dma_start3A_385 = tpu.memref_slice %arg2[%mul3A_381, %dma_start3A_384] : memref<320000x128xf32, #tpu.memory_space<hbm>> -> memref<128x128xf32, #tpu.memory_space<hbm>>
          tpu.enqueue_dma source(%dma_start3A_385 : memref<128x128xf32, #tpu.memory_space<hbm>>) target(%arg6 : memref<128x128xf32, #tpu.memory_space<vmem>>) target_semaphore(%arg11 : memref<!tpu.dma_semaphore, #tpu.memory_space<semaphore_mem>>)
        } else {
        }
        %mul3A_212 = arith.constant 8 : i32
        %mul3A_213 = arith.muli %while3A_72, %mul3A_212 : i32
        %add3A_214 = arith.addi %mul3A_9, %mul3A_213 : i32
        %add3A_215 = arith.constant 3 : i32
        %add3A_216 = arith.addi %add3A_214, %add3A_215 : i32
        %mul3A_217 = arith.constant 128 : i32
        %mul3A_218 = arith.muli %add3A_216, %mul3A_217 : i32
        %dma_wait3A_219 = arith.constant 0 : i32
        %dma_wait3A_220 = tpu.memref_slice %arg2[%mul3A_218, %dma_wait3A_219] : memref<320000x128xf32, #tpu.memory_space<hbm>> -> memref<128x128xf32, #tpu.memory_space<hbm>>
        %dma_wait3A_221 = arith.constant 0 : i32
        %dma_wait3A_222 = tpu.memref_slice %arg2[%mul3A_218, %dma_wait3A_221] : memref<320000x128xf32, #tpu.memory_space<hbm>> -> memref<128x128xf32, #tpu.memory_space<hbm>>
        tpu.wait_dma2 semaphore(%arg12 : memref<!tpu.dma_semaphore, #tpu.memory_space<semaphore_mem>>) src(%dma_wait3A_222 : memref<128x128xf32, #tpu.memory_space<hbm>>) dst(%arg7 : memref<128x128xf32, #tpu.memory_space<vmem>>)
        %dma_start3A_223 = arith.constant 3 : i32
        %dma_start3A_224 = arith.constant 0 : i32
        %dma_start3A_225 = tpu.memref_slice %arg9[%dma_start3A_223, %dma_start3A_224] : memref<8x128xi32, #tpu.memory_space<vmem>> -> memref<1x128xi32, #tpu.memory_space<vmem>>
        %dma_start3A_226 = tpu.memref_squeeze %dma_start3A_225 : memref<1x128xi32, #tpu.memory_space<vmem>> -> memref<128xi32, #tpu.memory_space<vmem>>
        %dma_start3A_227 = arith.constant 0 : i32
        %dma_start3A_228 = arith.constant 0 : i32
        %dma_start3A_229 = tpu.memref_slice %arg10[%dma_start3A_227, %dma_start3A_228] : memref<10000x128xf32, #tpu.memory_space<vmem_shared>> -> memref<10000x128xf32, #tpu.memory_space<vmem_shared>>
        tpu.enqueue_indirect_dma source(%arg7 : memref<128x128xf32, #tpu.memory_space<vmem>>) target(%dma_start3A_229 : memref<10000x128xf32, #tpu.memory_space<vmem_shared>>) offsets(%dma_start3A_226 : memref<128xi32, #tpu.memory_space<vmem>>) semaphore(%arg14 : memref<!tpu.dma_semaphore, #tpu.memory_space<semaphore_mem>>) {add = true}
        %dma_wait3A_230 = arith.constant 3 : i32
        %dma_wait3A_231 = arith.constant 0 : i32
        %dma_wait3A_232 = tpu.memref_slice %arg9[%dma_wait3A_230, %dma_wait3A_231] : memref<8x128xi32, #tpu.memory_space<vmem>> -> memref<1x128xi32, #tpu.memory_space<vmem>>
        %dma_wait3A_233 = tpu.memref_squeeze %dma_wait3A_232 : memref<1x128xi32, #tpu.memory_space<vmem>> -> memref<128xi32, #tpu.memory_space<vmem>>
        %dma_wait3A_234 = arith.constant 0 : i32
        %dma_wait3A_235 = arith.constant 0 : i32
        %dma_wait3A_236 = tpu.memref_slice %arg10[%dma_wait3A_234, %dma_wait3A_235] : memref<10000x128xf32, #tpu.memory_space<vmem_shared>> -> memref<10000x128xf32, #tpu.memory_space<vmem_shared>>
        tpu.wait_indirect_dma semaphore(%arg14 : memref<!tpu.dma_semaphore, #tpu.memory_space<semaphore_mem>>) src(%arg7 : memref<128x128xf32, #tpu.memory_space<vmem>>) dst(%dma_wait3A_236 : memref<10000x128xf32, #tpu.memory_space<vmem_shared>>)
        %add3A_237 = arith.constant 2 : i32
        %add3A_238 = arith.addi %add3A_216, %add3A_237 : i32
        %add3A_239 = arith.addi %mul3A_9, %mul3A_11 : i32
        %lt3A_240 = arith.cmpi slt, %add3A_238, %add3A_239 : i32
        %convert_element_type3A_241 = arith.extui %lt3A_240 : i1 to i32
        %cond3A_242 = arith.constant 0 : i32
        %cond3A_243 = arith.cmpi ne, %convert_element_type3A_241, %cond3A_242 : i32
        scf.if %cond3A_243 {
          %add3A_378 = arith.constant 2 : i32
          %add3A_379 = arith.addi %add3A_216, %add3A_378 : i32
          %mul3A_380 = arith.constant 128 : i32
          %mul3A_381 = arith.muli %add3A_379, %mul3A_380 : i32
          %dma_start3A_382 = arith.constant 0 : i32
          %dma_start3A_383 = tpu.memref_slice %arg2[%mul3A_381, %dma_start3A_382] : memref<320000x128xf32, #tpu.memory_space<hbm>> -> memref<128x128xf32, #tpu.memory_space<hbm>>
          %dma_start3A_384 = arith.constant 0 : i32
          %dma_start3A_385 = tpu.memref_slice %arg2[%mul3A_381, %dma_start3A_384] : memref<320000x128xf32, #tpu.memory_space<hbm>> -> memref<128x128xf32, #tpu.memory_space<hbm>>
          tpu.enqueue_dma source(%dma_start3A_385 : memref<128x128xf32, #tpu.memory_space<hbm>>) target(%arg7 : memref<128x128xf32, #tpu.memory_space<vmem>>) target_semaphore(%arg12 : memref<!tpu.dma_semaphore, #tpu.memory_space<semaphore_mem>>)
        } else {
        }
        %mul3A_244 = arith.constant 8 : i32
        %mul3A_245 = arith.muli %while3A_72, %mul3A_244 : i32
        %add3A_246 = arith.addi %mul3A_9, %mul3A_245 : i32
        %add3A_247 = arith.constant 4 : i32
        %add3A_248 = arith.addi %add3A_246, %add3A_247 : i32
        %mul3A_249 = arith.constant 128 : i32
        %mul3A_250 = arith.muli %add3A_248, %mul3A_249 : i32
        %dma_wait3A_251 = arith.constant 0 : i32
        %dma_wait3A_252 = tpu.memref_slice %arg2[%mul3A_250, %dma_wait3A_251] : memref<320000x128xf32, #tpu.memory_space<hbm>> -> memref<128x128xf32, #tpu.memory_space<hbm>>
        %dma_wait3A_253 = arith.constant 0 : i32
        %dma_wait3A_254 = tpu.memref_slice %arg2[%mul3A_250, %dma_wait3A_253] : memref<320000x128xf32, #tpu.memory_space<hbm>> -> memref<128x128xf32, #tpu.memory_space<hbm>>
        tpu.wait_dma2 semaphore(%arg11 : memref<!tpu.dma_semaphore, #tpu.memory_space<semaphore_mem>>) src(%dma_wait3A_254 : memref<128x128xf32, #tpu.memory_space<hbm>>) dst(%arg6 : memref<128x128xf32, #tpu.memory_space<vmem>>)
        %dma_start3A_255 = arith.constant 4 : i32
        %dma_start3A_256 = arith.constant 0 : i32
        %dma_start3A_257 = tpu.memref_slice %arg9[%dma_start3A_255, %dma_start3A_256] : memref<8x128xi32, #tpu.memory_space<vmem>> -> memref<1x128xi32, #tpu.memory_space<vmem>>
        %dma_start3A_258 = tpu.memref_squeeze %dma_start3A_257 : memref<1x128xi32, #tpu.memory_space<vmem>> -> memref<128xi32, #tpu.memory_space<vmem>>
        %dma_start3A_259 = arith.constant 0 : i32
        %dma_start3A_260 = arith.constant 0 : i32
        %dma_start3A_261 = tpu.memref_slice %arg10[%dma_start3A_259, %dma_start3A_260] : memref<10000x128xf32, #tpu.memory_space<vmem_shared>> -> memref<10000x128xf32, #tpu.memory_space<vmem_shared>>
        tpu.enqueue_indirect_dma source(%arg6 : memref<128x128xf32, #tpu.memory_space<vmem>>) target(%dma_start3A_261 : memref<10000x128xf32, #tpu.memory_space<vmem_shared>>) offsets(%dma_start3A_258 : memref<128xi32, #tpu.memory_space<vmem>>) semaphore(%arg14 : memref<!tpu.dma_semaphore, #tpu.memory_space<semaphore_mem>>) {add = true}
        %dma_wait3A_262 = arith.constant 4 : i32
        %dma_wait3A_263 = arith.constant 0 : i32
        %dma_wait3A_264 = tpu.memref_slice %arg9[%dma_wait3A_262, %dma_wait3A_263] : memref<8x128xi32, #tpu.memory_space<vmem>> -> memref<1x128xi32, #tpu.memory_space<vmem>>
        %dma_wait3A_265 = tpu.memref_squeeze %dma_wait3A_264 : memref<1x128xi32, #tpu.memory_space<vmem>> -> memref<128xi32, #tpu.memory_space<vmem>>
        %dma_wait3A_266 = arith.constant 0 : i32
        %dma_wait3A_267 = arith.constant 0 : i32
        %dma_wait3A_268 = tpu.memref_slice %arg10[%dma_wait3A_266, %dma_wait3A_267] : memref<10000x128xf32, #tpu.memory_space<vmem_shared>> -> memref<10000x128xf32, #tpu.memory_space<vmem_shared>>
        tpu.wait_indirect_dma semaphore(%arg14 : memref<!tpu.dma_semaphore, #tpu.memory_space<semaphore_mem>>) src(%arg6 : memref<128x128xf32, #tpu.memory_space<vmem>>) dst(%dma_wait3A_268 : memref<10000x128xf32, #tpu.memory_space<vmem_shared>>)
        %add3A_269 = arith.constant 2 : i32
        %add3A_270 = arith.addi %add3A_248, %add3A_269 : i32
        %add3A_271 = arith.addi %mul3A_9, %mul3A_11 : i32
        %lt3A_272 = arith.cmpi slt, %add3A_270, %add3A_271 : i32
        %convert_element_type3A_273 = arith.extui %lt3A_272 : i1 to i32
        %cond3A_274 = arith.constant 0 : i32
        %cond3A_275 = arith.cmpi ne, %convert_element_type3A_273, %cond3A_274 : i32
        scf.if %cond3A_275 {
          %add3A_378 = arith.constant 2 : i32
          %add3A_379 = arith.addi %add3A_248, %add3A_378 : i32
          %mul3A_380 = arith.constant 128 : i32
          %mul3A_381 = arith.muli %add3A_379, %mul3A_380 : i32
          %dma_start3A_382 = arith.constant 0 : i32
          %dma_start3A_383 = tpu.memref_slice %arg2[%mul3A_381, %dma_start3A_382] : memref<320000x128xf32, #tpu.memory_space<hbm>> -> memref<128x128xf32, #tpu.memory_space<hbm>>
          %dma_start3A_384 = arith.constant 0 : i32
          %dma_start3A_385 = tpu.memref_slice %arg2[%mul3A_381, %dma_start3A_384] : memref<320000x128xf32, #tpu.memory_space<hbm>> -> memref<128x128xf32, #tpu.memory_space<hbm>>
          tpu.enqueue_dma source(%dma_start3A_385 : memref<128x128xf32, #tpu.memory_space<hbm>>) target(%arg6 : memref<128x128xf32, #tpu.memory_space<vmem>>) target_semaphore(%arg11 : memref<!tpu.dma_semaphore, #tpu.memory_space<semaphore_mem>>)
        } else {
        }
        %mul3A_276 = arith.constant 8 : i32
        %mul3A_277 = arith.muli %while3A_72, %mul3A_276 : i32
        %add3A_278 = arith.addi %mul3A_9, %mul3A_277 : i32
        %add3A_279 = arith.constant 5 : i32
        %add3A_280 = arith.addi %add3A_278, %add3A_279 : i32
        %mul3A_281 = arith.constant 128 : i32
        %mul3A_282 = arith.muli %add3A_280, %mul3A_281 : i32
        %dma_wait3A_283 = arith.constant 0 : i32
        %dma_wait3A_284 = tpu.memref_slice %arg2[%mul3A_282, %dma_wait3A_283] : memref<320000x128xf32, #tpu.memory_space<hbm>> -> memref<128x128xf32, #tpu.memory_space<hbm>>
        %dma_wait3A_285 = arith.constant 0 : i32
        %dma_wait3A_286 = tpu.memref_slice %arg2[%mul3A_282, %dma_wait3A_285] : memref<320000x128xf32, #tpu.memory_space<hbm>> -> memref<128x128xf32, #tpu.memory_space<hbm>>
        tpu.wait_dma2 semaphore(%arg12 : memref<!tpu.dma_semaphore, #tpu.memory_space<semaphore_mem>>) src(%dma_wait3A_286 : memref<128x128xf32, #tpu.memory_space<hbm>>) dst(%arg7 : memref<128x128xf32, #tpu.memory_space<vmem>>)
        %dma_start3A_287 = arith.constant 5 : i32
        %dma_start3A_288 = arith.constant 0 : i32
        %dma_start3A_289 = tpu.memref_slice %arg9[%dma_start3A_287, %dma_start3A_288] : memref<8x128xi32, #tpu.memory_space<vmem>> -> memref<1x128xi32, #tpu.memory_space<vmem>>
        %dma_start3A_290 = tpu.memref_squeeze %dma_start3A_289 : memref<1x128xi32, #tpu.memory_space<vmem>> -> memref<128xi32, #tpu.memory_space<vmem>>
        %dma_start3A_291 = arith.constant 0 : i32
        %dma_start3A_292 = arith.constant 0 : i32
        %dma_start3A_293 = tpu.memref_slice %arg10[%dma_start3A_291, %dma_start3A_292] : memref<10000x128xf32, #tpu.memory_space<vmem_shared>> -> memref<10000x128xf32, #tpu.memory_space<vmem_shared>>
        tpu.enqueue_indirect_dma source(%arg7 : memref<128x128xf32, #tpu.memory_space<vmem>>) target(%dma_start3A_293 : memref<10000x128xf32, #tpu.memory_space<vmem_shared>>) offsets(%dma_start3A_290 : memref<128xi32, #tpu.memory_space<vmem>>) semaphore(%arg14 : memref<!tpu.dma_semaphore, #tpu.memory_space<semaphore_mem>>) {add = true}
        %dma_wait3A_294 = arith.constant 5 : i32
        %dma_wait3A_295 = arith.constant 0 : i32
        %dma_wait3A_296 = tpu.memref_slice %arg9[%dma_wait3A_294, %dma_wait3A_295] : memref<8x128xi32, #tpu.memory_space<vmem>> -> memref<1x128xi32, #tpu.memory_space<vmem>>
        %dma_wait3A_297 = tpu.memref_squeeze %dma_wait3A_296 : memref<1x128xi32, #tpu.memory_space<vmem>> -> memref<128xi32, #tpu.memory_space<vmem>>
        %dma_wait3A_298 = arith.constant 0 : i32
        %dma_wait3A_299 = arith.constant 0 : i32
        %dma_wait3A_300 = tpu.memref_slice %arg10[%dma_wait3A_298, %dma_wait3A_299] : memref<10000x128xf32, #tpu.memory_space<vmem_shared>> -> memref<10000x128xf32, #tpu.memory_space<vmem_shared>>
        tpu.wait_indirect_dma semaphore(%arg14 : memref<!tpu.dma_semaphore, #tpu.memory_space<semaphore_mem>>) src(%arg7 : memref<128x128xf32, #tpu.memory_space<vmem>>) dst(%dma_wait3A_300 : memref<10000x128xf32, #tpu.memory_space<vmem_shared>>)
        %add3A_301 = arith.constant 2 : i32
        %add3A_302 = arith.addi %add3A_280, %add3A_301 : i32
        %add3A_303 = arith.addi %mul3A_9, %mul3A_11 : i32
        %lt3A_304 = arith.cmpi slt, %add3A_302, %add3A_303 : i32
        %convert_element_type3A_305 = arith.extui %lt3A_304 : i1 to i32
        %cond3A_306 = arith.constant 0 : i32
        %cond3A_307 = arith.cmpi ne, %convert_element_type3A_305, %cond3A_306 : i32
        scf.if %cond3A_307 {
          %add3A_378 = arith.constant 2 : i32
          %add3A_379 = arith.addi %add3A_280, %add3A_378 : i32
          %mul3A_380 = arith.constant 128 : i32
          %mul3A_381 = arith.muli %add3A_379, %mul3A_380 : i32
          %dma_start3A_382 = arith.constant 0 : i32
          %dma_start3A_383 = tpu.memref_slice %arg2[%mul3A_381, %dma_start3A_382] : memref<320000x128xf32, #tpu.memory_space<hbm>> -> memref<128x128xf32, #tpu.memory_space<hbm>>
          %dma_start3A_384 = arith.constant 0 : i32
          %dma_start3A_385 = tpu.memref_slice %arg2[%mul3A_381, %dma_start3A_384] : memref<320000x128xf32, #tpu.memory_space<hbm>> -> memref<128x128xf32, #tpu.memory_space<hbm>>
          tpu.enqueue_dma source(%dma_start3A_385 : memref<128x128xf32, #tpu.memory_space<hbm>>) target(%arg7 : memref<128x128xf32, #tpu.memory_space<vmem>>) target_semaphore(%arg12 : memref<!tpu.dma_semaphore, #tpu.memory_space<semaphore_mem>>)
        } else {
        }
        %mul3A_308 = arith.constant 8 : i32
        %mul3A_309 = arith.muli %while3A_72, %mul3A_308 : i32
        %add3A_310 = arith.addi %mul3A_9, %mul3A_309 : i32
        %add3A_311 = arith.constant 6 : i32
        %add3A_312 = arith.addi %add3A_310, %add3A_311 : i32
        %mul3A_313 = arith.constant 128 : i32
        %mul3A_314 = arith.muli %add3A_312, %mul3A_313 : i32
        %dma_wait3A_315 = arith.constant 0 : i32
        %dma_wait3A_316 = tpu.memref_slice %arg2[%mul3A_314, %dma_wait3A_315] : memref<320000x128xf32, #tpu.memory_space<hbm>> -> memref<128x128xf32, #tpu.memory_space<hbm>>
        %dma_wait3A_317 = arith.constant 0 : i32
        %dma_wait3A_318 = tpu.memref_slice %arg2[%mul3A_314, %dma_wait3A_317] : memref<320000x128xf32, #tpu.memory_space<hbm>> -> memref<128x128xf32, #tpu.memory_space<hbm>>
        tpu.wait_dma2 semaphore(%arg11 : memref<!tpu.dma_semaphore, #tpu.memory_space<semaphore_mem>>) src(%dma_wait3A_318 : memref<128x128xf32, #tpu.memory_space<hbm>>) dst(%arg6 : memref<128x128xf32, #tpu.memory_space<vmem>>)
        %dma_start3A_319 = arith.constant 6 : i32
        %dma_start3A_320 = arith.constant 0 : i32
        %dma_start3A_321 = tpu.memref_slice %arg9[%dma_start3A_319, %dma_start3A_320] : memref<8x128xi32, #tpu.memory_space<vmem>> -> memref<1x128xi32, #tpu.memory_space<vmem>>
        %dma_start3A_322 = tpu.memref_squeeze %dma_start3A_321 : memref<1x128xi32, #tpu.memory_space<vmem>> -> memref<128xi32, #tpu.memory_space<vmem>>
        %dma_start3A_323 = arith.constant 0 : i32
        %dma_start3A_324 = arith.constant 0 : i32
        %dma_start3A_325 = tpu.memref_slice %arg10[%dma_start3A_323, %dma_start3A_324] : memref<10000x128xf32, #tpu.memory_space<vmem_shared>> -> memref<10000x128xf32, #tpu.memory_space<vmem_shared>>
        tpu.enqueue_indirect_dma source(%arg6 : memref<128x128xf32, #tpu.memory_space<vmem>>) target(%dma_start3A_325 : memref<10000x128xf32, #tpu.memory_space<vmem_shared>>) offsets(%dma_start3A_322 : memref<128xi32, #tpu.memory_space<vmem>>) semaphore(%arg14 : memref<!tpu.dma_semaphore, #tpu.memory_space<semaphore_mem>>) {add = true}
        %dma_wait3A_326 = arith.constant 6 : i32
        %dma_wait3A_327 = arith.constant 0 : i32
        %dma_wait3A_328 = tpu.memref_slice %arg9[%dma_wait3A_326, %dma_wait3A_327] : memref<8x128xi32, #tpu.memory_space<vmem>> -> memref<1x128xi32, #tpu.memory_space<vmem>>
        %dma_wait3A_329 = tpu.memref_squeeze %dma_wait3A_328 : memref<1x128xi32, #tpu.memory_space<vmem>> -> memref<128xi32, #tpu.memory_space<vmem>>
        %dma_wait3A_330 = arith.constant 0 : i32
        %dma_wait3A_331 = arith.constant 0 : i32
        %dma_wait3A_332 = tpu.memref_slice %arg10[%dma_wait3A_330, %dma_wait3A_331] : memref<10000x128xf32, #tpu.memory_space<vmem_shared>> -> memref<10000x128xf32, #tpu.memory_space<vmem_shared>>
        tpu.wait_indirect_dma semaphore(%arg14 : memref<!tpu.dma_semaphore, #tpu.memory_space<semaphore_mem>>) src(%arg6 : memref<128x128xf32, #tpu.memory_space<vmem>>) dst(%dma_wait3A_332 : memref<10000x128xf32, #tpu.memory_space<vmem_shared>>)
        %add3A_333 = arith.constant 2 : i32
        %add3A_334 = arith.addi %add3A_312, %add3A_333 : i32
        %add3A_335 = arith.addi %mul3A_9, %mul3A_11 : i32
        %lt3A_336 = arith.cmpi slt, %add3A_334, %add3A_335 : i32
        %convert_element_type3A_337 = arith.extui %lt3A_336 : i1 to i32
        %cond3A_338 = arith.constant 0 : i32
        %cond3A_339 = arith.cmpi ne, %convert_element_type3A_337, %cond3A_338 : i32
        scf.if %cond3A_339 {
          %add3A_378 = arith.constant 2 : i32
          %add3A_379 = arith.addi %add3A_312, %add3A_378 : i32
          %mul3A_380 = arith.constant 128 : i32
          %mul3A_381 = arith.muli %add3A_379, %mul3A_380 : i32
          %dma_start3A_382 = arith.constant 0 : i32
          %dma_start3A_383 = tpu.memref_slice %arg2[%mul3A_381, %dma_start3A_382] : memref<320000x128xf32, #tpu.memory_space<hbm>> -> memref<128x128xf32, #tpu.memory_space<hbm>>
          %dma_start3A_384 = arith.constant 0 : i32
          %dma_start3A_385 = tpu.memref_slice %arg2[%mul3A_381, %dma_start3A_384] : memref<320000x128xf32, #tpu.memory_space<hbm>> -> memref<128x128xf32, #tpu.memory_space<hbm>>
          tpu.enqueue_dma source(%dma_start3A_385 : memref<128x128xf32, #tpu.memory_space<hbm>>) target(%arg6 : memref<128x128xf32, #tpu.memory_space<vmem>>) target_semaphore(%arg11 : memref<!tpu.dma_semaphore, #tpu.memory_space<semaphore_mem>>)
        } else {
        }
        %mul3A_340 = arith.constant 8 : i32
        %mul3A_341 = arith.muli %while3A_72, %mul3A_340 : i32
        %add3A_342 = arith.addi %mul3A_9, %mul3A_341 : i32
        %add3A_343 = arith.constant 7 : i32
        %add3A_344 = arith.addi %add3A_342, %add3A_343 : i32
        %mul3A_345 = arith.constant 128 : i32
        %mul3A_346 = arith.muli %add3A_344, %mul3A_345 : i32
        %dma_wait3A_347 = arith.constant 0 : i32
        %dma_wait3A_348 = tpu.memref_slice %arg2[%mul3A_346, %dma_wait3A_347] : memref<320000x128xf32, #tpu.memory_space<hbm>> -> memref<128x128xf32, #tpu.memory_space<hbm>>
        %dma_wait3A_349 = arith.constant 0 : i32
        %dma_wait3A_350 = tpu.memref_slice %arg2[%mul3A_346, %dma_wait3A_349] : memref<320000x128xf32, #tpu.memory_space<hbm>> -> memref<128x128xf32, #tpu.memory_space<hbm>>
        tpu.wait_dma2 semaphore(%arg12 : memref<!tpu.dma_semaphore, #tpu.memory_space<semaphore_mem>>) src(%dma_wait3A_350 : memref<128x128xf32, #tpu.memory_space<hbm>>) dst(%arg7 : memref<128x128xf32, #tpu.memory_space<vmem>>)
        %dma_start3A_351 = arith.constant 7 : i32
        %dma_start3A_352 = arith.constant 0 : i32
        %dma_start3A_353 = tpu.memref_slice %arg9[%dma_start3A_351, %dma_start3A_352] : memref<8x128xi32, #tpu.memory_space<vmem>> -> memref<1x128xi32, #tpu.memory_space<vmem>>
        %dma_start3A_354 = tpu.memref_squeeze %dma_start3A_353 : memref<1x128xi32, #tpu.memory_space<vmem>> -> memref<128xi32, #tpu.memory_space<vmem>>
        %dma_start3A_355 = arith.constant 0 : i32
        %dma_start3A_356 = arith.constant 0 : i32
        %dma_start3A_357 = tpu.memref_slice %arg10[%dma_start3A_355, %dma_start3A_356] : memref<10000x128xf32, #tpu.memory_space<vmem_shared>> -> memref<10000x128xf32, #tpu.memory_space<vmem_shared>>
        tpu.enqueue_indirect_dma source(%arg7 : memref<128x128xf32, #tpu.memory_space<vmem>>) target(%dma_start3A_357 : memref<10000x128xf32, #tpu.memory_space<vmem_shared>>) offsets(%dma_start3A_354 : memref<128xi32, #tpu.memory_space<vmem>>) semaphore(%arg14 : memref<!tpu.dma_semaphore, #tpu.memory_space<semaphore_mem>>) {add = true}
        %dma_wait3A_358 = arith.constant 7 : i32
        %dma_wait3A_359 = arith.constant 0 : i32
        %dma_wait3A_360 = tpu.memref_slice %arg9[%dma_wait3A_358, %dma_wait3A_359] : memref<8x128xi32, #tpu.memory_space<vmem>> -> memref<1x128xi32, #tpu.memory_space<vmem>>
        %dma_wait3A_361 = tpu.memref_squeeze %dma_wait3A_360 : memref<1x128xi32, #tpu.memory_space<vmem>> -> memref<128xi32, #tpu.memory_space<vmem>>
        %dma_wait3A_362 = arith.constant 0 : i32
        %dma_wait3A_363 = arith.constant 0 : i32
        %dma_wait3A_364 = tpu.memref_slice %arg10[%dma_wait3A_362, %dma_wait3A_363] : memref<10000x128xf32, #tpu.memory_space<vmem_shared>> -> memref<10000x128xf32, #tpu.memory_space<vmem_shared>>
        tpu.wait_indirect_dma semaphore(%arg14 : memref<!tpu.dma_semaphore, #tpu.memory_space<semaphore_mem>>) src(%arg7 : memref<128x128xf32, #tpu.memory_space<vmem>>) dst(%dma_wait3A_364 : memref<10000x128xf32, #tpu.memory_space<vmem_shared>>)
        %add3A_365 = arith.constant 2 : i32
        %add3A_366 = arith.addi %add3A_344, %add3A_365 : i32
        %add3A_367 = arith.addi %mul3A_9, %mul3A_11 : i32
        %lt3A_368 = arith.cmpi slt, %add3A_366, %add3A_367 : i32
        %convert_element_type3A_369 = arith.extui %lt3A_368 : i1 to i32
        %cond3A_370 = arith.constant 0 : i32
        %cond3A_371 = arith.cmpi ne, %convert_element_type3A_369, %cond3A_370 : i32
        scf.if %cond3A_371 {
          %add3A_378 = arith.constant 2 : i32
          %add3A_379 = arith.addi %add3A_344, %add3A_378 : i32
          %mul3A_380 = arith.constant 128 : i32
          %mul3A_381 = arith.muli %add3A_379, %mul3A_380 : i32
          %dma_start3A_382 = arith.constant 0 : i32
          %dma_start3A_383 = tpu.memref_slice %arg2[%mul3A_381, %dma_start3A_382] : memref<320000x128xf32, #tpu.memory_space<hbm>> -> memref<128x128xf32, #tpu.memory_space<hbm>>
          %dma_start3A_384 = arith.constant 0 : i32
          %dma_start3A_385 = tpu.memref_slice %arg2[%mul3A_381, %dma_start3A_384] : memref<320000x128xf32, #tpu.memory_space<hbm>> -> memref<128x128xf32, #tpu.memory_space<hbm>>
          tpu.enqueue_dma source(%dma_start3A_385 : memref<128x128xf32, #tpu.memory_space<hbm>>) target(%arg7 : memref<128x128xf32, #tpu.memory_space<vmem>>) target_semaphore(%arg12 : memref<!tpu.dma_semaphore, #tpu.memory_space<semaphore_mem>>)
        } else {
        }
        %add3A_372 = arith.constant 2 : i32
        %add3A_373 = arith.addi %while3A_72, %add3A_372 : i32
        %lt3A_374 = arith.cmpi slt, %add3A_373, %add3A_7 : i32
        %convert_element_type3A_375 = arith.extui %lt3A_374 : i1 to i32
        %cond3A_376 = arith.constant 0 : i32
        %cond3A_377 = arith.cmpi ne, %convert_element_type3A_375, %cond3A_376 : i32
        scf.if %cond3A_377 {
          %add3A_378 = arith.addi %add3A_4, %while3A_72 : i32
          %add3A_379 = arith.constant 2 : i32
          %add3A_380 = arith.addi %add3A_378, %add3A_379 : i32
          %mul3A_381 = arith.constant 8 : i32
          %mul3A_382 = arith.muli %add3A_380, %mul3A_381 : i32
          %dma_start3A_383 = arith.constant 0 : i32
          %dma_start3A_384 = tpu.memref_slice %arg3[%mul3A_382, %dma_start3A_383] : memref<2500x128xi32, #tpu.memory_space<hbm>> -> memref<8x128xi32, #tpu.memory_space<hbm>>
          %dma_start3A_385 = arith.constant 0 : i32
          %dma_start3A_386 = tpu.memref_slice %arg3[%mul3A_382, %dma_start3A_385] : memref<2500x128xi32, #tpu.memory_space<hbm>> -> memref<8x128xi32, #tpu.memory_space<hbm>>
          tpu.enqueue_dma source(%dma_start3A_386 : memref<8x128xi32, #tpu.memory_space<hbm>>) target(%arg9 : memref<8x128xi32, #tpu.memory_space<vmem>>) target_semaphore(%arg13 : memref<!tpu.dma_semaphore, #tpu.memory_space<semaphore_mem>>)
        } else {
        }
      } else {
      }
    }
    %eq3A_56 = arith.constant 31 : i32
    %eq3A_57 = arith.cmpi eq, %add3A, %eq3A_56 : i32
    %convert_element_type3A_58 = arith.extui %eq3A_57 : i1 to i32
    %cond3A_59 = arith.constant 0 : i32
    %cond3A_60 = arith.cmpi ne, %convert_element_type3A_58, %cond3A_59 : i32
    scf.if %cond3A_60 {
      "tpu.region"() ({
        %run_scoped3A_75 = tpu.sem_alloc : memref<!tpu.dma_semaphore, #tpu.memory_space<semaphore_mem>>
        %dma_start3A_76 = arith.constant 0 : i32
        %dma_start3A_77 = arith.constant 0 : i32
        %dma_start3A_78 = tpu.memref_slice %arg8[%dma_start3A_76, %dma_start3A_77] : memref<8x128xi32, #tpu.memory_space<vmem>> -> memref<4x128xi32, #tpu.memory_space<vmem>>
        %dma_start3A_79 = arith.constant 2496 : i32
        %dma_start3A_80 = arith.constant 0 : i32
        %dma_start3A_81 = tpu.memref_slice %arg3[%dma_start3A_79, %dma_start3A_80] : memref<2500x128xi32, #tpu.memory_space<hbm>> -> memref<4x128xi32, #tpu.memory_space<hbm>>
        %dma_start3A_82 = arith.constant 0 : i32
        %dma_start3A_83 = arith.constant 0 : i32
        %dma_start3A_84 = tpu.memref_slice %arg8[%dma_start3A_82, %dma_start3A_83] : memref<8x128xi32, #tpu.memory_space<vmem>> -> memref<4x128xi32, #tpu.memory_space<vmem>>
        %dma_start3A_85 = arith.constant 2496 : i32
        %dma_start3A_86 = arith.constant 0 : i32
        %dma_start3A_87 = tpu.memref_slice %arg3[%dma_start3A_85, %dma_start3A_86] : memref<2500x128xi32, #tpu.memory_space<hbm>> -> memref<4x128xi32, #tpu.memory_space<hbm>>
        tpu.enqueue_dma source(%dma_start3A_87 : memref<4x128xi32, #tpu.memory_space<hbm>>) target(%dma_start3A_84 : memref<4x128xi32, #tpu.memory_space<vmem>>) target_semaphore(%run_scoped3A_75 : memref<!tpu.dma_semaphore, #tpu.memory_space<semaphore_mem>>)
        %dma_wait3A = arith.constant 0 : i32
        %dma_wait3A_88 = arith.constant 0 : i32
        %dma_wait3A_89 = tpu.memref_slice %arg8[%dma_wait3A, %dma_wait3A_88] : memref<8x128xi32, #tpu.memory_space<vmem>> -> memref<4x128xi32, #tpu.memory_space<vmem>>
        %dma_wait3A_90 = arith.constant 2496 : i32
        %dma_wait3A_91 = arith.constant 0 : i32
        %dma_wait3A_92 = tpu.memref_slice %arg3[%dma_wait3A_90, %dma_wait3A_91] : memref<2500x128xi32, #tpu.memory_space<hbm>> -> memref<4x128xi32, #tpu.memory_space<hbm>>
        %dma_wait3A_93 = arith.constant 0 : i32
        %dma_wait3A_94 = arith.constant 0 : i32
        %dma_wait3A_95 = tpu.memref_slice %arg8[%dma_wait3A_93, %dma_wait3A_94] : memref<8x128xi32, #tpu.memory_space<vmem>> -> memref<4x128xi32, #tpu.memory_space<vmem>>
        %dma_wait3A_96 = arith.constant 2496 : i32
        %dma_wait3A_97 = arith.constant 0 : i32
        %dma_wait3A_98 = tpu.memref_slice %arg3[%dma_wait3A_96, %dma_wait3A_97] : memref<2500x128xi32, #tpu.memory_space<hbm>> -> memref<4x128xi32, #tpu.memory_space<hbm>>
        tpu.wait_dma2 semaphore(%run_scoped3A_75 : memref<!tpu.dma_semaphore, #tpu.memory_space<semaphore_mem>>) src(%dma_wait3A_98 : memref<4x128xi32, #tpu.memory_space<hbm>>) dst(%dma_wait3A_95 : memref<4x128xi32, #tpu.memory_space<vmem>>)
        tpu.yield
      }) : () -> ()
      "tpu.region"() ({
        %run_scoped3A_75 = tpu.sem_alloc : memref<!tpu.dma_semaphore, #tpu.memory_space<semaphore_mem>>
        %dma_start3A_76 = arith.constant 319488 : i32
        %dma_start3A_77 = arith.constant 0 : i32
        %dma_start3A_78 = tpu.memref_slice %arg2[%dma_start3A_76, %dma_start3A_77] : memref<320000x128xf32, #tpu.memory_space<hbm>> -> memref<128x128xf32, #tpu.memory_space<hbm>>
        %dma_start3A_79 = arith.constant 319488 : i32
        %dma_start3A_80 = arith.constant 0 : i32
        %dma_start3A_81 = tpu.memref_slice %arg2[%dma_start3A_79, %dma_start3A_80] : memref<320000x128xf32, #tpu.memory_space<hbm>> -> memref<128x128xf32, #tpu.memory_space<hbm>>
        tpu.enqueue_dma source(%dma_start3A_81 : memref<128x128xf32, #tpu.memory_space<hbm>>) target(%arg6 : memref<128x128xf32, #tpu.memory_space<vmem>>) target_semaphore(%run_scoped3A_75 : memref<!tpu.dma_semaphore, #tpu.memory_space<semaphore_mem>>)
        %dma_wait3A = arith.constant 319488 : i32
        %dma_wait3A_82 = arith.constant 0 : i32
        %dma_wait3A_83 = tpu.memref_slice %arg2[%dma_wait3A, %dma_wait3A_82] : memref<320000x128xf32, #tpu.memory_space<hbm>> -> memref<128x128xf32, #tpu.memory_space<hbm>>
        %dma_wait3A_84 = arith.constant 319488 : i32
        %dma_wait3A_85 = arith.constant 0 : i32
        %dma_wait3A_86 = tpu.memref_slice %arg2[%dma_wait3A_84, %dma_wait3A_85] : memref<320000x128xf32, #tpu.memory_space<hbm>> -> memref<128x128xf32, #tpu.memory_space<hbm>>
        tpu.wait_dma2 semaphore(%run_scoped3A_75 : memref<!tpu.dma_semaphore, #tpu.memory_space<semaphore_mem>>) src(%dma_wait3A_86 : memref<128x128xf32, #tpu.memory_space<hbm>>) dst(%arg6 : memref<128x128xf32, #tpu.memory_space<vmem>>)
        tpu.yield
      }) : () -> ()
      %run_scoped3A = arith.constant 0 : i32
      "tpu.region"() ({
        %run_scoped3A_75 = tpu.sem_alloc : memref<!tpu.dma_semaphore, #tpu.memory_space<semaphore_mem>>
        %dma_start3A_76 = arith.constant 0 : i32
        %dma_start3A_77 = tpu.memref_slice %arg8[%run_scoped3A, %dma_start3A_76] : memref<8x128xi32, #tpu.memory_space<vmem>> -> memref<1x128xi32, #tpu.memory_space<vmem>>
        %dma_start3A_78 = tpu.memref_squeeze %dma_start3A_77 : memref<1x128xi32, #tpu.memory_space<vmem>> -> memref<128xi32, #tpu.memory_space<vmem>>
        %dma_start3A_79 = arith.constant 0 : i32
        %dma_start3A_80 = arith.constant 0 : i32
        %dma_start3A_81 = tpu.memref_slice %arg10[%dma_start3A_79, %dma_start3A_80] : memref<10000x128xf32, #tpu.memory_space<vmem_shared>> -> memref<10000x128xf32, #tpu.memory_space<vmem_shared>>
        tpu.enqueue_indirect_dma source(%arg6 : memref<128x128xf32, #tpu.memory_space<vmem>>) target(%dma_start3A_81 : memref<10000x128xf32, #tpu.memory_space<vmem_shared>>) offsets(%dma_start3A_78 : memref<128xi32, #tpu.memory_space<vmem>>) semaphore(%run_scoped3A_75 : memref<!tpu.dma_semaphore, #tpu.memory_space<semaphore_mem>>) {add = true}
        %dma_wait3A = arith.constant 0 : i32
        %dma_wait3A_82 = tpu.memref_slice %arg8[%run_scoped3A, %dma_wait3A] : memref<8x128xi32, #tpu.memory_space<vmem>> -> memref<1x128xi32, #tpu.memory_space<vmem>>
        %dma_wait3A_83 = tpu.memref_squeeze %dma_wait3A_82 : memref<1x128xi32, #tpu.memory_space<vmem>> -> memref<128xi32, #tpu.memory_space<vmem>>
        %dma_wait3A_84 = arith.constant 0 : i32
        %dma_wait3A_85 = arith.constant 0 : i32
        %dma_wait3A_86 = tpu.memref_slice %arg10[%dma_wait3A_84, %dma_wait3A_85] : memref<10000x128xf32, #tpu.memory_space<vmem_shared>> -> memref<10000x128xf32, #tpu.memory_space<vmem_shared>>
        tpu.wait_indirect_dma semaphore(%run_scoped3A_75 : memref<!tpu.dma_semaphore, #tpu.memory_space<semaphore_mem>>) src(%arg6 : memref<128x128xf32, #tpu.memory_space<vmem>>) dst(%dma_wait3A_86 : memref<10000x128xf32, #tpu.memory_space<vmem_shared>>)
        tpu.yield
      }) : () -> ()
      "tpu.region"() ({
        %run_scoped3A_75 = tpu.sem_alloc : memref<!tpu.dma_semaphore, #tpu.memory_space<semaphore_mem>>
        %dma_start3A_76 = arith.constant 319616 : i32
        %dma_start3A_77 = arith.constant 0 : i32
        %dma_start3A_78 = tpu.memref_slice %arg2[%dma_start3A_76, %dma_start3A_77] : memref<320000x128xf32, #tpu.memory_space<hbm>> -> memref<128x128xf32, #tpu.memory_space<hbm>>
        %dma_start3A_79 = arith.constant 319616 : i32
        %dma_start3A_80 = arith.constant 0 : i32
        %dma_start3A_81 = tpu.memref_slice %arg2[%dma_start3A_79, %dma_start3A_80] : memref<320000x128xf32, #tpu.memory_space<hbm>> -> memref<128x128xf32, #tpu.memory_space<hbm>>
        tpu.enqueue_dma source(%dma_start3A_81 : memref<128x128xf32, #tpu.memory_space<hbm>>) target(%arg6 : memref<128x128xf32, #tpu.memory_space<vmem>>) target_semaphore(%run_scoped3A_75 : memref<!tpu.dma_semaphore, #tpu.memory_space<semaphore_mem>>)
        %dma_wait3A = arith.constant 319616 : i32
        %dma_wait3A_82 = arith.constant 0 : i32
        %dma_wait3A_83 = tpu.memref_slice %arg2[%dma_wait3A, %dma_wait3A_82] : memref<320000x128xf32, #tpu.memory_space<hbm>> -> memref<128x128xf32, #tpu.memory_space<hbm>>
        %dma_wait3A_84 = arith.constant 319616 : i32
        %dma_wait3A_85 = arith.constant 0 : i32
        %dma_wait3A_86 = tpu.memref_slice %arg2[%dma_wait3A_84, %dma_wait3A_85] : memref<320000x128xf32, #tpu.memory_space<hbm>> -> memref<128x128xf32, #tpu.memory_space<hbm>>
        tpu.wait_dma2 semaphore(%run_scoped3A_75 : memref<!tpu.dma_semaphore, #tpu.memory_space<semaphore_mem>>) src(%dma_wait3A_86 : memref<128x128xf32, #tpu.memory_space<hbm>>) dst(%arg6 : memref<128x128xf32, #tpu.memory_space<vmem>>)
        tpu.yield
      }) : () -> ()
      %run_scoped3A_72 = arith.constant 1 : i32
      "tpu.region"() ({
        %run_scoped3A_75 = tpu.sem_alloc : memref<!tpu.dma_semaphore, #tpu.memory_space<semaphore_mem>>
        %dma_start3A_76 = arith.constant 0 : i32
        %dma_start3A_77 = tpu.memref_slice %arg8[%run_scoped3A_72, %dma_start3A_76] : memref<8x128xi32, #tpu.memory_space<vmem>> -> memref<1x128xi32, #tpu.memory_space<vmem>>
        %dma_start3A_78 = tpu.memref_squeeze %dma_start3A_77 : memref<1x128xi32, #tpu.memory_space<vmem>> -> memref<128xi32, #tpu.memory_space<vmem>>
        %dma_start3A_79 = arith.constant 0 : i32
        %dma_start3A_80 = arith.constant 0 : i32
        %dma_start3A_81 = tpu.memref_slice %arg10[%dma_start3A_79, %dma_start3A_80] : memref<10000x128xf32, #tpu.memory_space<vmem_shared>> -> memref<10000x128xf32, #tpu.memory_space<vmem_shared>>
        tpu.enqueue_indirect_dma source(%arg6 : memref<128x128xf32, #tpu.memory_space<vmem>>) target(%dma_start3A_81 : memref<10000x128xf32, #tpu.memory_space<vmem_shared>>) offsets(%dma_start3A_78 : memref<128xi32, #tpu.memory_space<vmem>>) semaphore(%run_scoped3A_75 : memref<!tpu.dma_semaphore, #tpu.memory_space<semaphore_mem>>) {add = true}
        %dma_wait3A = arith.constant 0 : i32
        %dma_wait3A_82 = tpu.memref_slice %arg8[%run_scoped3A_72, %dma_wait3A] : memref<8x128xi32, #tpu.memory_space<vmem>> -> memref<1x128xi32, #tpu.memory_space<vmem>>
        %dma_wait3A_83 = tpu.memref_squeeze %dma_wait3A_82 : memref<1x128xi32, #tpu.memory_space<vmem>> -> memref<128xi32, #tpu.memory_space<vmem>>
        %dma_wait3A_84 = arith.constant 0 : i32
        %dma_wait3A_85 = arith.constant 0 : i32
        %dma_wait3A_86 = tpu.memref_slice %arg10[%dma_wait3A_84, %dma_wait3A_85] : memref<10000x128xf32, #tpu.memory_space<vmem_shared>> -> memref<10000x128xf32, #tpu.memory_space<vmem_shared>>
        tpu.wait_indirect_dma semaphore(%run_scoped3A_75 : memref<!tpu.dma_semaphore, #tpu.memory_space<semaphore_mem>>) src(%arg6 : memref<128x128xf32, #tpu.memory_space<vmem>>) dst(%dma_wait3A_86 : memref<10000x128xf32, #tpu.memory_space<vmem_shared>>)
        tpu.yield
      }) : () -> ()
      "tpu.region"() ({
        %run_scoped3A_75 = tpu.sem_alloc : memref<!tpu.dma_semaphore, #tpu.memory_space<semaphore_mem>>
        %dma_start3A_76 = arith.constant 319744 : i32
        %dma_start3A_77 = arith.constant 0 : i32
        %dma_start3A_78 = tpu.memref_slice %arg2[%dma_start3A_76, %dma_start3A_77] : memref<320000x128xf32, #tpu.memory_space<hbm>> -> memref<128x128xf32, #tpu.memory_space<hbm>>
        %dma_start3A_79 = arith.constant 319744 : i32
        %dma_start3A_80 = arith.constant 0 : i32
        %dma_start3A_81 = tpu.memref_slice %arg2[%dma_start3A_79, %dma_start3A_80] : memref<320000x128xf32, #tpu.memory_space<hbm>> -> memref<128x128xf32, #tpu.memory_space<hbm>>
        tpu.enqueue_dma source(%dma_start3A_81 : memref<128x128xf32, #tpu.memory_space<hbm>>) target(%arg6 : memref<128x128xf32, #tpu.memory_space<vmem>>) target_semaphore(%run_scoped3A_75 : memref<!tpu.dma_semaphore, #tpu.memory_space<semaphore_mem>>)
        %dma_wait3A = arith.constant 319744 : i32
        %dma_wait3A_82 = arith.constant 0 : i32
        %dma_wait3A_83 = tpu.memref_slice %arg2[%dma_wait3A, %dma_wait3A_82] : memref<320000x128xf32, #tpu.memory_space<hbm>> -> memref<128x128xf32, #tpu.memory_space<hbm>>
        %dma_wait3A_84 = arith.constant 319744 : i32
        %dma_wait3A_85 = arith.constant 0 : i32
        %dma_wait3A_86 = tpu.memref_slice %arg2[%dma_wait3A_84, %dma_wait3A_85] : memref<320000x128xf32, #tpu.memory_space<hbm>> -> memref<128x128xf32, #tpu.memory_space<hbm>>
        tpu.wait_dma2 semaphore(%run_scoped3A_75 : memref<!tpu.dma_semaphore, #tpu.memory_space<semaphore_mem>>) src(%dma_wait3A_86 : memref<128x128xf32, #tpu.memory_space<hbm>>) dst(%arg6 : memref<128x128xf32, #tpu.memory_space<vmem>>)
        tpu.yield
      }) : () -> ()
      %run_scoped3A_73 = arith.constant 2 : i32
      "tpu.region"() ({
        %run_scoped3A_75 = tpu.sem_alloc : memref<!tpu.dma_semaphore, #tpu.memory_space<semaphore_mem>>
        %dma_start3A_76 = arith.constant 0 : i32
        %dma_start3A_77 = tpu.memref_slice %arg8[%run_scoped3A_73, %dma_start3A_76] : memref<8x128xi32, #tpu.memory_space<vmem>> -> memref<1x128xi32, #tpu.memory_space<vmem>>
        %dma_start3A_78 = tpu.memref_squeeze %dma_start3A_77 : memref<1x128xi32, #tpu.memory_space<vmem>> -> memref<128xi32, #tpu.memory_space<vmem>>
        %dma_start3A_79 = arith.constant 0 : i32
        %dma_start3A_80 = arith.constant 0 : i32
        %dma_start3A_81 = tpu.memref_slice %arg10[%dma_start3A_79, %dma_start3A_80] : memref<10000x128xf32, #tpu.memory_space<vmem_shared>> -> memref<10000x128xf32, #tpu.memory_space<vmem_shared>>
        tpu.enqueue_indirect_dma source(%arg6 : memref<128x128xf32, #tpu.memory_space<vmem>>) target(%dma_start3A_81 : memref<10000x128xf32, #tpu.memory_space<vmem_shared>>) offsets(%dma_start3A_78 : memref<128xi32, #tpu.memory_space<vmem>>) semaphore(%run_scoped3A_75 : memref<!tpu.dma_semaphore, #tpu.memory_space<semaphore_mem>>) {add = true}
        %dma_wait3A = arith.constant 0 : i32
        %dma_wait3A_82 = tpu.memref_slice %arg8[%run_scoped3A_73, %dma_wait3A] : memref<8x128xi32, #tpu.memory_space<vmem>> -> memref<1x128xi32, #tpu.memory_space<vmem>>
        %dma_wait3A_83 = tpu.memref_squeeze %dma_wait3A_82 : memref<1x128xi32, #tpu.memory_space<vmem>> -> memref<128xi32, #tpu.memory_space<vmem>>
        %dma_wait3A_84 = arith.constant 0 : i32
        %dma_wait3A_85 = arith.constant 0 : i32
        %dma_wait3A_86 = tpu.memref_slice %arg10[%dma_wait3A_84, %dma_wait3A_85] : memref<10000x128xf32, #tpu.memory_space<vmem_shared>> -> memref<10000x128xf32, #tpu.memory_space<vmem_shared>>
        tpu.wait_indirect_dma semaphore(%run_scoped3A_75 : memref<!tpu.dma_semaphore, #tpu.memory_space<semaphore_mem>>) src(%arg6 : memref<128x128xf32, #tpu.memory_space<vmem>>) dst(%dma_wait3A_86 : memref<10000x128xf32, #tpu.memory_space<vmem_shared>>)
        tpu.yield
      }) : () -> ()
      "tpu.region"() ({
        %run_scoped3A_75 = tpu.sem_alloc : memref<!tpu.dma_semaphore, #tpu.memory_space<semaphore_mem>>
        %dma_start3A_76 = arith.constant 319872 : i32
        %dma_start3A_77 = arith.constant 0 : i32
        %dma_start3A_78 = tpu.memref_slice %arg2[%dma_start3A_76, %dma_start3A_77] : memref<320000x128xf32, #tpu.memory_space<hbm>> -> memref<128x128xf32, #tpu.memory_space<hbm>>
        %dma_start3A_79 = arith.constant 319872 : i32
        %dma_start3A_80 = arith.constant 0 : i32
        %dma_start3A_81 = tpu.memref_slice %arg2[%dma_start3A_79, %dma_start3A_80] : memref<320000x128xf32, #tpu.memory_space<hbm>> -> memref<128x128xf32, #tpu.memory_space<hbm>>
        tpu.enqueue_dma source(%dma_start3A_81 : memref<128x128xf32, #tpu.memory_space<hbm>>) target(%arg6 : memref<128x128xf32, #tpu.memory_space<vmem>>) target_semaphore(%run_scoped3A_75 : memref<!tpu.dma_semaphore, #tpu.memory_space<semaphore_mem>>)
        %dma_wait3A = arith.constant 319872 : i32
        %dma_wait3A_82 = arith.constant 0 : i32
        %dma_wait3A_83 = tpu.memref_slice %arg2[%dma_wait3A, %dma_wait3A_82] : memref<320000x128xf32, #tpu.memory_space<hbm>> -> memref<128x128xf32, #tpu.memory_space<hbm>>
        %dma_wait3A_84 = arith.constant 319872 : i32
        %dma_wait3A_85 = arith.constant 0 : i32
        %dma_wait3A_86 = tpu.memref_slice %arg2[%dma_wait3A_84, %dma_wait3A_85] : memref<320000x128xf32, #tpu.memory_space<hbm>> -> memref<128x128xf32, #tpu.memory_space<hbm>>
        tpu.wait_dma2 semaphore(%run_scoped3A_75 : memref<!tpu.dma_semaphore, #tpu.memory_space<semaphore_mem>>) src(%dma_wait3A_86 : memref<128x128xf32, #tpu.memory_space<hbm>>) dst(%arg6 : memref<128x128xf32, #tpu.memory_space<vmem>>)
        tpu.yield
      }) : () -> ()
      %run_scoped3A_74 = arith.constant 3 : i32
      "tpu.region"() ({
        %run_scoped3A_75 = tpu.sem_alloc : memref<!tpu.dma_semaphore, #tpu.memory_space<semaphore_mem>>
        %dma_start3A_76 = arith.constant 0 : i32
        %dma_start3A_77 = tpu.memref_slice %arg8[%run_scoped3A_74, %dma_start3A_76] : memref<8x128xi32, #tpu.memory_space<vmem>> -> memref<1x128xi32, #tpu.memory_space<vmem>>
        %dma_start3A_78 = tpu.memref_squeeze %dma_start3A_77 : memref<1x128xi32, #tpu.memory_space<vmem>> -> memref<128xi32, #tpu.memory_space<vmem>>
        %dma_start3A_79 = arith.constant 0 : i32
        %dma_start3A_80 = arith.constant 0 : i32
        %dma_start3A_81 = tpu.memref_slice %arg10[%dma_start3A_79, %dma_start3A_80] : memref<10000x128xf32, #tpu.memory_space<vmem_shared>> -> memref<10000x128xf32, #tpu.memory_space<vmem_shared>>
        tpu.enqueue_indirect_dma source(%arg6 : memref<128x128xf32, #tpu.memory_space<vmem>>) target(%dma_start3A_81 : memref<10000x128xf32, #tpu.memory_space<vmem_shared>>) offsets(%dma_start3A_78 : memref<128xi32, #tpu.memory_space<vmem>>) semaphore(%run_scoped3A_75 : memref<!tpu.dma_semaphore, #tpu.memory_space<semaphore_mem>>) {add = true}
        %dma_wait3A = arith.constant 0 : i32
        %dma_wait3A_82 = tpu.memref_slice %arg8[%run_scoped3A_74, %dma_wait3A] : memref<8x128xi32, #tpu.memory_space<vmem>> -> memref<1x128xi32, #tpu.memory_space<vmem>>
        %dma_wait3A_83 = tpu.memref_squeeze %dma_wait3A_82 : memref<1x128xi32, #tpu.memory_space<vmem>> -> memref<128xi32, #tpu.memory_space<vmem>>
        %dma_wait3A_84 = arith.constant 0 : i32
        %dma_wait3A_85 = arith.constant 0 : i32
        %dma_wait3A_86 = tpu.memref_slice %arg10[%dma_wait3A_84, %dma_wait3A_85] : memref<10000x128xf32, #tpu.memory_space<vmem_shared>> -> memref<10000x128xf32, #tpu.memory_space<vmem_shared>>
        tpu.wait_indirect_dma semaphore(%run_scoped3A_75 : memref<!tpu.dma_semaphore, #tpu.memory_space<semaphore_mem>>) src(%arg6 : memref<128x128xf32, #tpu.memory_space<vmem>>) dst(%dma_wait3A_86 : memref<10000x128xf32, #tpu.memory_space<vmem_shared>>)
        tpu.yield
      }) : () -> ()
    } else {
    }
    %barrier3A_61 = arith.constant 0 : index
    tpu.barrier barrier_id(%barrier3A_61)
    %lt3A_62 = arith.constant 15 : i32
    %lt3A_63 = arith.cmpi slt, %arg1, %lt3A_62 : i32
    %convert_element_type3A_64 = arith.extui %lt3A_63 : i1 to i32
    %cond3A_65 = arith.constant 0 : i32
    %cond3A_66 = arith.cmpi ne, %convert_element_type3A_64, %cond3A_65 : i32
    scf.if %cond3A_66 {
      %mul3A_72 = arith.constant 624 : i32
      %mul3A_73 = arith.muli %arg1, %mul3A_72 : i32
      %mul3A_74 = arith.constant 624 : i32
      %mul3A_75 = arith.muli %arg1, %mul3A_74 : i32
      "tpu.region"() ({
        %run_scoped3A = tpu.sem_alloc : memref<!tpu.dma_semaphore, #tpu.memory_space<semaphore_mem>>
        %dma_start3A_76 = arith.constant 0 : i32
        %dma_start3A_77 = arith.constant 0 : i32
        %dma_start3A_78 = tpu.memref_slice %arg5[%arg0, %dma_start3A_76, %dma_start3A_77] : memref<2x10000x128xf32, #tpu.memory_space<hbm>> -> memref<1x10000x128xf32, #tpu.memory_space<hbm>>
        %dma_start3A_79 = tpu.memref_squeeze %dma_start3A_78 : memref<1x10000x128xf32, #tpu.memory_space<hbm>> -> memref<10000x128xf32, #tpu.memory_space<hbm>>
        %dma_start3A_80 = arith.constant 0 : i32
        %dma_start3A_81 = tpu.memref_slice %dma_start3A_79[%mul3A_75, %dma_start3A_80] : memref<10000x128xf32, #tpu.memory_space<hbm>> -> memref<624x128xf32, #tpu.memory_space<hbm>>
        %dma_start3A_82 = arith.constant 0 : i32
        %dma_start3A_83 = tpu.memref_slice %arg10[%mul3A_73, %dma_start3A_82] : memref<10000x128xf32, #tpu.memory_space<vmem_shared>> -> memref<624x128xf32, #tpu.memory_space<vmem_shared>>
        tpu.enqueue_dma source(%dma_start3A_83 : memref<624x128xf32, #tpu.memory_space<vmem_shared>>) target(%dma_start3A_81 : memref<624x128xf32, #tpu.memory_space<hbm>>) target_semaphore(%run_scoped3A : memref<!tpu.dma_semaphore, #tpu.memory_space<semaphore_mem>>)
        %dma_wait3A = arith.constant 0 : i32
        %dma_wait3A_84 = arith.constant 0 : i32
        %dma_wait3A_85 = tpu.memref_slice %arg5[%arg0, %dma_wait3A, %dma_wait3A_84] : memref<2x10000x128xf32, #tpu.memory_space<hbm>> -> memref<1x10000x128xf32, #tpu.memory_space<hbm>>
        %dma_wait3A_86 = tpu.memref_squeeze %dma_wait3A_85 : memref<1x10000x128xf32, #tpu.memory_space<hbm>> -> memref<10000x128xf32, #tpu.memory_space<hbm>>
        %dma_wait3A_87 = arith.constant 0 : i32
        %dma_wait3A_88 = tpu.memref_slice %dma_wait3A_86[%mul3A_75, %dma_wait3A_87] : memref<10000x128xf32, #tpu.memory_space<hbm>> -> memref<624x128xf32, #tpu.memory_space<hbm>>
        %dma_wait3A_89 = arith.constant 0 : i32
        %dma_wait3A_90 = tpu.memref_slice %arg10[%mul3A_73, %dma_wait3A_89] : memref<10000x128xf32, #tpu.memory_space<vmem_shared>> -> memref<624x128xf32, #tpu.memory_space<vmem_shared>>
        tpu.wait_dma2 semaphore(%run_scoped3A : memref<!tpu.dma_semaphore, #tpu.memory_space<semaphore_mem>>) src(%dma_wait3A_90 : memref<624x128xf32, #tpu.memory_space<vmem_shared>>) dst(%dma_wait3A_88 : memref<624x128xf32, #tpu.memory_space<hbm>>)
        tpu.yield
      }) : () -> ()
    } else {
    }
    %eq3A_67 = arith.constant 15 : i32
    %eq3A_68 = arith.cmpi eq, %arg1, %eq3A_67 : i32
    %convert_element_type3A_69 = arith.extui %eq3A_68 : i1 to i32
    %cond3A_70 = arith.constant 0 : i32
    %cond3A_71 = arith.cmpi ne, %convert_element_type3A_69, %cond3A_70 : i32
    scf.if %cond3A_71 {
      "tpu.region"() ({
        %run_scoped3A = tpu.sem_alloc : memref<!tpu.dma_semaphore, #tpu.memory_space<semaphore_mem>>
        %dma_start3A_72 = arith.constant 0 : i32
        %dma_start3A_73 = arith.constant 0 : i32
        %dma_start3A_74 = tpu.memref_slice %arg5[%arg0, %dma_start3A_72, %dma_start3A_73] : memref<2x10000x128xf32, #tpu.memory_space<hbm>> -> memref<1x10000x128xf32, #tpu.memory_space<hbm>>
        %dma_start3A_75 = tpu.memref_squeeze %dma_start3A_74 : memref<1x10000x128xf32, #tpu.memory_space<hbm>> -> memref<10000x128xf32, #tpu.memory_space<hbm>>
        %dma_start3A_76 = arith.constant 9360 : i32
        %dma_start3A_77 = arith.constant 0 : i32
        %dma_start3A_78 = tpu.memref_slice %dma_start3A_75[%dma_start3A_76, %dma_start3A_77] : memref<10000x128xf32, #tpu.memory_space<hbm>> -> memref<640x128xf32, #tpu.memory_space<hbm>>
        %dma_start3A_79 = arith.constant 9360 : i32
        %dma_start3A_80 = arith.constant 0 : i32
        %dma_start3A_81 = tpu.memref_slice %arg10[%dma_start3A_79, %dma_start3A_80] : memref<10000x128xf32, #tpu.memory_space<vmem_shared>> -> memref<640x128xf32, #tpu.memory_space<vmem_shared>>
        tpu.enqueue_dma source(%dma_start3A_81 : memref<640x128xf32, #tpu.memory_space<vmem_shared>>) target(%dma_start3A_78 : memref<640x128xf32, #tpu.memory_space<hbm>>) target_semaphore(%run_scoped3A : memref<!tpu.dma_semaphore, #tpu.memory_space<semaphore_mem>>)
        %dma_wait3A = arith.constant 0 : i32
        %dma_wait3A_82 = arith.constant 0 : i32
        %dma_wait3A_83 = tpu.memref_slice %arg5[%arg0, %dma_wait3A, %dma_wait3A_82] : memref<2x10000x128xf32, #tpu.memory_space<hbm>> -> memref<1x10000x128xf32, #tpu.memory_space<hbm>>
        %dma_wait3A_84 = tpu.memref_squeeze %dma_wait3A_83 : memref<1x10000x128xf32, #tpu.memory_space<hbm>> -> memref<10000x128xf32, #tpu.memory_space<hbm>>
        %dma_wait3A_85 = arith.constant 9360 : i32
        %dma_wait3A_86 = arith.constant 0 : i32
        %dma_wait3A_87 = tpu.memref_slice %dma_wait3A_84[%dma_wait3A_85, %dma_wait3A_86] : memref<10000x128xf32, #tpu.memory_space<hbm>> -> memref<640x128xf32, #tpu.memory_space<hbm>>
        %dma_wait3A_88 = arith.constant 9360 : i32
        %dma_wait3A_89 = arith.constant 0 : i32
        %dma_wait3A_90 = tpu.memref_slice %arg10[%dma_wait3A_88, %dma_wait3A_89] : memref<10000x128xf32, #tpu.memory_space<vmem_shared>> -> memref<640x128xf32, #tpu.memory_space<vmem_shared>>
        tpu.wait_dma2 semaphore(%run_scoped3A : memref<!tpu.dma_semaphore, #tpu.memory_space<semaphore_mem>>) src(%dma_wait3A_90 : memref<640x128xf32, #tpu.memory_space<vmem_shared>>) dst(%dma_wait3A_87 : memref<640x128xf32, #tpu.memory_space<hbm>>)
        tpu.yield
      }) : () -> ()
    } else {
    }
    return
  }
}

module attributes {stable_mosaic.version = 14 : i64} {
  func.func @body(%arg0: i32, %arg1: memref<1x2000x128xf32, #tpu.memory_space<vmem>>, %arg2: memref<1x2000x128xf32, #tpu.memory_space<vmem>>, %arg3: memref<2000x128xf32, #tpu.memory_space<vmem>>) attributes {dimension_semantics = [#tpu.dimension_semantics<arbitrary>], iteration_bounds = array<i64: 5>, scalar_prefetch = 0 : i64, scratch_operands = 0 : i64, tpu.core_type = #tpu.core_type<tc>, window_params = [{transform_indices = @transform_0, window_bounds = array<i64: 1, 2000, 128>}, {transform_indices = @transform_1, window_bounds = array<i64: 1, 2000, 128>}, {transform_indices = @transform_2, window_bounds = array<i64: 2000, 128>}]} {
    %get3A = arith.constant 0 : index
    %get3A_0 = arith.constant 0 : index
    %get3A_1 = arith.constant 0 : index
    %get3A_2 = vector.load %arg1[%get3A, %get3A_0, %get3A_1] : memref<1x2000x128xf32, #tpu.memory_space<vmem>>, vector<1x2000x128xf32>
    %get3A_3 = vector.shape_cast %get3A_2 : vector<1x2000x128xf32> to vector<2000x128xf32>
    %get3A_4 = arith.constant 0 : index
    %get3A_5 = arith.constant 0 : index
    %get3A_6 = arith.constant 0 : index
    %get3A_7 = vector.load %arg2[%get3A_4, %get3A_5, %get3A_6] : memref<1x2000x128xf32, #tpu.memory_space<vmem>>, vector<1x2000x128xf32>
    %get3A_8 = vector.shape_cast %get3A_7 : vector<1x2000x128xf32> to vector<2000x128xf32>
    %add3A = arith.addf %get3A_3, %get3A_8 : vector<2000x128xf32>
    %swap3A = arith.constant 0 : index
    %swap3A_9 = arith.constant 0 : index
    %swap3A_10 = vector.load %arg3[%swap3A, %swap3A_9] : memref<2000x128xf32, #tpu.memory_space<vmem>>, vector<2000x128xf32>
    tpu.vector_store %arg3[%swap3A, %swap3A_9], %add3A {strides = array<i32>} : memref<2000x128xf32, #tpu.memory_space<vmem>>, vector<2000x128xf32>,
    return
  }
  func.func @transform_0(%arg0: i32) -> (i32, i32, i32) {
    %c0_i32 = arith.constant 0 : i32
    %c0_i32_0 = arith.constant 0 : i32
    %c0_i32_1 = arith.constant 0 : i32
    return %c0_i32, %arg0, %c0_i32_0 : i32, i32, i32
  }
  func.func @transform_1(%arg0: i32) -> (i32, i32, i32) {
    %c1_i32 = arith.constant 1 : i32
    %c0_i32 = arith.constant 0 : i32
    %c0_i32_0 = arith.constant 0 : i32
    return %c1_i32, %arg0, %c0_i32 : i32, i32, i32
  }
  func.func @transform_2(%arg0: i32) -> (i32, i32) {
    %c0_i32 = arith.constant 0 : i32
    %c0_i32_0 = arith.constant 0 : i32
    return %arg0, %c0_i32 : i32, i32
  }
}

</mosaic_0001>

<sc_bundles>
// kernel: kernel.4.cloned.1.call-start
scs
__scs_entry_jumppad:
0x0: {  	(pc) =	sbr.rel $0x88, $3  }
0x1: {  	(tag) =	ssettag $0x0;
	lr =	simm.s32 $0x1  }
0x2: {  	[smem:$0x3F9F] =	sst lr;
	_ =	strace $0xD0000000  }
0x3: {  	_ = 	snop  }
0x4: {  	_ = 	snop  }
0x5: {  	_ = 	snop  }
0x6: {  	_ = 	snop  }
0x7: {  	_ = 	snop  }
__scs_overlays_trampoline_lowered:
0x8: {  	[smem:$0x3FAE] =	sst s0  }
0x9: {  	[smem:$0x3FAF] =	sst s1  }
0xa: {  	[smem:$0x3FB0] =	sst s2  }
0xb: {  	[smem:$0x3FB1] =	sst s3  }
0xc: {  	[smem:$0x3FB2] =	sst s4  }
0xd: {  	[smem:$0x3FB3] =	sst s5  }
0xe: {  	[smem:$0x3FB4] =	sst s6  }
0xf: {  	[smem:$0x3FB5] =	sst s7  }
0x10: {  	[smem:$0x3FB6] =	sst s8  }
0x11: {  	[smem:$0x3FB7] =	sst s9;
	s0 =	simm.s32 @!p0 $0x0  }
0x12: {  	s1 =	sld [smem:$0x3F9D];
	s0 =	simm.s32 @p0 $0x1  }
0x13: {  	[smem:$0x3FB8] =	sst s0;
	s0 =	simm.s32 @!p1 $0x0  }
0x14: {  	s2 =	sld [smem:$0x3F9C];
	s0 =	simm.s32 @p1 $0x1  }
0x15: {  	[smem:$0x3FB9] =	sst s0;
	s0 =	simm.s32 @!p2 $0x0  }
0x16: {  	s3 =	sld [smem:$0x3FDB];
	s0 =	simm.s32 @p2 $0x1  }
0x17: {  	s4 =	simm.s32 $0x1BF5;
	[smem:$0x3FBB] =	sst s0  }
0x18: {  	s0 =	sld [smem:$0x3F9E];
	_ =	swait.ge [sflag:s4], $0x0  }
0x19: {  	s7 =	sld [smem:$0x3F9F]  }
0x1a: {  	s8 =	sadd.s32 $0xFFFFE003, lr  }
0x1b: {  	s9 =	sadd.s32 $0xFFFFFEF7, lr;
	s5 =	simm.s32 $0xFFFFFFFF;
	p2 =	slt.u32 s8, $0xFFFFF086  }
0x1c: {  	p1 =	slt.u32 s9, $0xF7A;
	s5 =	simm.s32 @!p2 $0x0  }
0x1d: {  	s5 =	simm.s32 @p1 $0x1;
	p0 =	seq.s32 s7, s2  }
0x1e: {  	s7 =	smul.u32 @!p0 $0xF7A, s2;
	p2 =	seq.s32 @!p0 s5, $0x0  }
0x1f: {  	s9 =	smul.u32 $0xF7A, s1;
	s8 =	simm.s32 @!p0 $0x1BF5;
	p2 =	por !p2, p0  }
0x20: {  	[sflag:s8] =	ssyncset.s32 @!p0 $0xFFFFF086;
	s6 =	sadd.s32 @!p0 s3, s7;
	s7 =	simm.s32 @!p0 $0x108  }
0x21: {  	s3 =	sadd.s32 s3, s9;
	s6 =	sadd.s32 @!p0 $0x88, s6;
	s7 =	simm.s32 @p2 $0x1082  }
0x22: {  	[simem:s7], [sflag:s8] =	dma.local @!p0 [hbm:s6], $0xF7A  }
0x23: {  	s9 =	sor.u32 $0xD0000000, s2;
	s6 =	simm.s32 $0x108;
	_ =	swait.ge @!p0 [sflag:s8], $0x0  }
0x24: {  	s3 =	sadd.s32 $0x88, s3;
	s6 =	simm.s32 @!p1 $0x1082;
	[sflag:s4] =	ssyncset.s32 $0xFFFFF086  }
0x25: {  	[simem:s6], [sflag:s4] =	dma.local [hbm:s3], $0xF7A  }
0x26: {  	[smem:$0x3F9F] =	sst s1;
	(tag) =	ssettag s2;
	_ =	strace s9  }
0x27: {  	s1 =	sld [smem:$0x3FAF]  }
0x28: {  	s2 =	sld [smem:$0x3FB0]  }
0x29: {  	s4 =	sld [smem:$0x3FB2]  }
0x2a: {  	p0 =	seq.s32 s5, $0x0;
	s5 =	sld [smem:$0x3FB3]  }
0x2b: {  	s6 =	sld [smem:$0x3FB4]  }
0x2c: {  	s7 =	sld [smem:$0x3FB5]  }
0x2d: {  	s3 =	simm.s32 $0x108;
	s8 =	sld [smem:$0x3FB6]  }
0x2e: {  	s3 =	simm.s32 @!p0 $0x1082;
	s9 =	sld [smem:$0x3FB7]  }
0x2f: {  	lr =	sadd.s32 s0, s3;
	s0 =	sld [smem:$0x3FAE]  }
0x30: {  	s3 =	sld [smem:$0x3FB1]  }
0x31: {  	[smem:$0x3FBA] =	sst s10  }
0x32: {  	s10 =	sld [smem:$0x3FB8];
	_ =	sdelay $0x3  }
0x33: {  	p0 =	seq.s32 s10, $0x1;
	s10 =	sld [smem:$0x3FBA];
	_ =	sdelay $0x3  }
0x34: {  	[smem:$0x3FBA] =	sst s10  }
0x35: {  	s10 =	sld [smem:$0x3FB9];
	_ =	sdelay $0x3  }
0x36: {  	p1 =	seq.s32 s10, $0x1;
	s10 =	sld [smem:$0x3FBA];
	_ =	sdelay $0x3  }
0x37: {  	[smem:$0x3FBA] =	sst s10  }
0x38: {  	s10 =	sld [smem:$0x3FBB]  }
0x39: {  	_ = 	snop;
	(pc) =	sbr.ind lr, $3  }
0x3a: {  	_ = 	snop  }
0x3b: {  	_ = 	snop  }
0x3c: {  	p2 =	seq.s32 s10, $0x1;
	s10 =	sld [smem:$0x3FBA]  }
0x3d: {  	_ =	shalt  }
0x3e: {  	_ =	shalt  }
0x3f: {  	_ =	shalt  }
0x40: {  	_ =	shalt  }
0x41: {  	_ =	shalt  }
0x42: {  	_ =	shalt  }
0x43: {  	_ =	shalt  }
0x44: {  	_ =	shalt  }
0x45: {  	_ =	shalt  }
0x46: {  	_ =	shalt  }
0x47: {  	_ =	shalt  }
0x48: {  	_ =	shalt  }
0x49: {  	_ =	shalt  }
0x4a: {  	_ =	shalt  }
0x4b: {  	_ =	shalt  }
0x4c: {  	_ =	shalt  }
0x4d: {  	_ =	shalt  }
0x4e: {  	_ =	shalt  }
0x4f: {  	_ =	shalt  }
0x50: {  	_ =	shalt  }
0x51: {  	_ =	shalt  }
0x52: {  	_ =	shalt  }
0x53: {  	_ =	shalt  }
0x54: {  	_ =	shalt  }
0x55: {  	_ =	shalt  }
0x56: {  	_ =	shalt  }
0x57: {  	_ =	shalt  }
0x58: {  	_ =	shalt  }
0x59: {  	_ =	shalt  }
0x5a: {  	_ =	shalt  }
0x5b: {  	_ =	shalt  }
0x5c: {  	_ =	shalt  }
0x5d: {  	_ =	shalt  }
0x5e: {  	_ =	shalt  }
0x5f: {  	_ =	shalt  }
0x60: {  	_ =	shalt  }
0x61: {  	_ =	shalt  }
0x62: {  	_ =	shalt  }
0x63: {  	_ =	shalt  }
0x64: {  	_ =	shalt  }
0x65: {  	_ =	shalt  }
0x66: {  	_ =	shalt  }
0x67: {  	_ =	shalt  }
0x68: {  	_ =	shalt  }
0x69: {  	_ =	shalt  }
0x6a: {  	_ =	shalt  }
0x6b: {  	_ =	shalt  }
0x6c: {  	_ =	shalt  }
0x6d: {  	_ =	shalt  }
0x6e: {  	_ =	shalt  }
0x6f: {  	_ =	shalt  }
0x70: {  	_ =	shalt  }
0x71: {  	_ =	shalt  }
0x72: {  	_ =	shalt  }
0x73: {  	_ =	shalt  }
0x74: {  	_ =	shalt  }
0x75: {  	_ =	shalt  }
0x76: {  	_ =	shalt  }
0x77: {  	_ =	shalt  }
0x78: {  	_ =	shalt  }
0x79: {  	_ =	shalt  }
0x7a: {  	_ =	shalt  }
0x7b: {  	_ =	shalt  }
0x7c: {  	_ =	shalt  }
0x7d: {  	_ =	shalt  }
0x7e: {  	_ =	shalt  }
0x7f: {  	_ =	shalt  }
0x80: {  	_ =	shalt  }
0x81: {  	_ =	shalt  }
0x82: {  	_ =	shalt  }
0x83: {  	_ =	shalt  }
0x84: {  	_ =	shalt  }
0x85: {  	_ =	shalt  }
0x86: {  	_ =	shalt  }
0x87: {  	_ =	shalt  }
.Lfunc_end0:
.L_simem_size_0:
called_computation_lowered:
.L_overlay_start_0:
0x88: {  	s2 =	sld [smem:$0x3FD9]  }
0x89: {  	s3 =	sld [smem:$0x3FFE];
	_ =	sdelay $0x1  }
0x8a: {  	s1 =	srdreg.scid  }
0x8b: {  	s0 =	sand.u32 $0x1, s1  }
0x8c: {  	s17 =	sshll.u32 s0, $0xA;
	s2 =	sadd.s32 s3, s2  }
0x8d: {  	s2 =	sadd.s32 s2, s17  }
0x8e: {  	[smem:$0x3FC6] =	sst s2  }
0x8f: {  	_ = 	snop  }
0x90: {  	s2 =	sld [smem:$0x3FC9]  }
0x91: {  	s18 =	sld [smem:$0x3FC8]  }
0x92: {  	s4 =	sld [smem:$0x3FD0];
	(tm) =	ssettm $0x1  }
0x93: {  	s5 =	sld [smem:$0x3FFB];
	_ =	sdelay $0x3  }
0x94: {  	_ =	strace s5  }
0x95: {  	s5 =	sld [smem:$0x3FFC];
	_ =	sdelay $0x3  }
0x96: {  	_ =	strace s5  }
0x97: {  	s5 =	sld [smem:$0x3FFD];
	_ =	sdelay $0x3  }
0x98: {  	_ =	strace s5  }
0x99: {  	_ =	strace $0x8FFFFFFF  }
0x9a: {  	s19 =	sld [smem:$0x3FDB];
	_ =	sdelay $0x1  }
0x9b: {  	s6 =	simm.s32 $_scs_section_size  }
0x9c: {  	s7 =	simm.s32 $_size__tile_overlayer_lowered;
	s8 =	simm.s32 $_tile_overlayer_lowered  }
0x9d: {  	s22 =	simm.s32 $0x1BFF;
	s21 =	sshll.u32 s8, $0x1;
	s5 =	sadd.s32 s6, s19  }
0x9e: {  	s9 =	simm.s32 $0x0;
	s20 =	sshll.u32 s7, $0x1;
	s7 =	sadd.s32 s21, s5  }
0x9f: {  	[timem:s9], [sflag:s22] =	dma.local [hbm:s7], s20  }
0xa0: {  	_ =	swait.ge [sflag:s22], s20  }
0xa1: {  	s6 =	ssub.s32 $0x0, s20;
	[sflag:s22] =	ssyncset.done $0x0  }
0xa2: {  	[sflag:s22] =	ssyncadd.s32 s6;
	_ =	sdelay $0x1  }
0xa3: {  	s23 =	simm.s32 $0x1B8B  }
0xa4: {  	_ =	swait.ge [sflag:s23], $0x1  }
0xa5: {  	[sflag:s23] =	ssyncset.done $0x0  }
0xa6: {  	s25 =	simm.s32 $0x1B8E;
	s24 =	sld [smem:$0x3FFE];
	[sflag:s23] =	ssyncadd.s32 $0xFFFFFFFF  }
0xa7: {  	s26 =	simm.s32 $execute0_lowered;
	[smem:$0x3FD2] =	sst s25  }
0xa8: {  	s7 =	sshll.u32 s26, $0x1;
	_ =	strace $0x80000046;
	[dreg:$0x1] =	wrdreg $0xFFFFFFFF  }
0xa9: {  	s28 =	simm.s32 $_size_execute0_lowered;
	s5 =	sadd.s32 s5, s7;
	[dreg:$0x0] =	wrdreg $0x0  }
0xaa: {  	s7 =	sshll.u32 s28, $0x1;
	[dreg:$0x2] =	wrdreg s5  }
0xab: {  	[dreg:$0x3] =	wrdreg s7  }
0xac: {  	[dreg:$0x4] =	wrdreg $0xC0  }
0xad: {  	_ =	task [dreg:s9], $0x5FFFF  }
0xae: {  	[dreg:$0x1] =	wrdreg $0xFFFFFFFF  }
0xaf: {  	[dreg:$0x0] =	wrdreg $0x60  }
0xb0: {  	[dreg:$0x2] =	wrdreg s2  }
0xb1: {  	[dreg:$0x3] =	wrdreg s18  }
0xb2: {  	[dreg:$0x4] =	wrdreg s4  }
0xb3: {  	[dreg:$0x5] =	wrdreg s24  }
0xb4: {  	[dreg:$0x6] =	wrdreg $0x88000  }
0xb5: {  	[dreg:$0x7] =	wrdreg $0x9  }
0xb6: {  	_ =	task.clear_ibuf [dreg:s9], $0x8FFFF;
	_ =	strace $0x90000046  }
0xb7: {  	s29 =	simm.s32 $0x9;
	_ =	strace $0x80000048  }
0xb8: {  	_ =	swait.ge [sflag:s29], $0x1  }
0xb9: {  	[sflag:s29] =	ssyncadd.s32 $0xFFFFFFFF  }
0xba: {  	_ =	strace $0x90000048  }
0xbb: {  	_ =	sfence  }
0xbc: {  	s30 =	sld [smem:$0x0];
	_ =	sdelay $0x2  }
0xbd: {  	s31 =	sshll.u32 s1, $0xD;
	s1 =	sshrl.u32 s1, $0x2  }
0xbe: {  	s3 =	sand.u32 $0x4000, s31;
	s1 =	sadd.s32 s1, s30  }
0xbf: {  	s0 =	sor.u32 s3, s0;
	s1 =	sshll.u32 s1, $0x11  }
0xc0: {  	s0 =	sor.u32 s1, s0  }
0xc1: {  	s0 =	sadd.s32 $0x8F2B, s0  }
0xc2: {  	[sflag:s0] =	ssyncadd.remote.s32 $0x1  }
0xc3: {  	_ =	sfence.sel $0xFFFF  }
0xc4: {  	[dreg:$0x0] =	wrdreg $0xFFFFFFFF;
	(pc) =	sbr.abs _section_cstart, $3  }
0xc5: {  	[dreg:$0x1] =	wrdreg $0xFFFFFFFF  }
0xc6: {  	_ =	task.clear_ibuf [dreg:s9], $0x2FFFF;
	_ =	strace $0x9FFFFFFF  }
0xc7: {  	(tm) =	ssettm $0x7FFFFFFF  }
tec
execute0_lowered:
.L_overlay_start_1:
0x0: {  	(tag) =	ssettag $0x1  }
0x1: {  	s0 =	rddreg [dreg:$0x0]  }
0x2: {  	s1 =	rddreg [dreg:$0x1]  }
0x3: {  	s2 =	rddreg [dreg:$0x3]  }
0x4: {  	s4 =	rddreg [dreg:$0x4];
	s3 =	srdreg.scid  }
0x5: {  	s16 =	stileid.u32;
	s5 =	simm.s32 $0x0;
	s30 =	simm.s32 $0x4000  }
0x6: {  	s3 =	sand.u32 $0x1, s3;
	s6 =	sshll.u32 s16, $0x1;
	s12 =	smul.u32 $0x4E000, s16  }
0x7: {  	[smem:$0x7FF] =	sst s5;
	p0 =	slt.u32 s16, $0xC;
	s17 =	smul.u32 $0x12, s16  }
0x8: {  	s18 =	sadd.s32 $0x124800, s4;
	s20 =	sadd.s32 $0x9C00, s1;
	s23 =	sadd.s32 $0x4E0000, s0  }
0x9: {  	s25 =	sadd.s32 $0x4E0800, s0;
	_ =	strace $0x80000047;
	[dreg:$0xb] =	wrdreg s18  }
0xa: {  	p1 =	seq.s32 s16, $0xF;
	s7 =	smul.u32 $0x27100, s3;
	[dreg:$0xc] =	wrdreg s20  }
0xb: {  	s8 =	sor.u32 s3, s6;
	s26 =	ssub.s32 $0x2, s3;
	[dreg:$0xd] =	wrdreg s23  }
0xc: {  	s3 =	smul.u32 $0x9, s3;
	[dreg:$0xe] =	wrdreg s25;
	s18 =	simm.s32 $0x8780  }
0xd: {  	s20 =	simm.s32 $0x0;
	s9 =	smul.u32 $0x9, s8;
	s10 =	sshrl.u32 s26, $0x1  }
0xe: {  	s11 =	smin.u32 s8, $0x18;
	s15 =	sshrl.u32 s12, $0x2;
	s12 =	simm.s32 $0x8480  }
0xf: {  	s2 =	sadd.s32 s7, s2;
	s31 =	ssub.s32 s26, s10;
	s26 =	sadd.s32 $0x4E1000, s0  }
0x10: {  	s6 =	sadd.s32 s11, s9;
	s9 =	simm.s32 $0xA;
	[dreg:$0xf] =	wrdreg s26  }
0x11: {  	s7 =	smax.u32 s31, $0x1;
	s13 =	sshll.u32 s6, $0xE;
	s14 =	sshll.u32 s6, $0x7  }
0x12: {  	s9 =	simm.s32 @!p0 $0x9;
	[dreg:$0x11] =	wrdreg s7;
	s13 =	sadd.s32 s0, s13  }
0x13: {  	p0 =	sne.s32 s8, $0x1F;
	s10 =	sadd.s32 s1, s14;
	[dreg:$0x6] =	wrdreg s13  }
0x14: {  	s8 =	simm.s32 $0x80;
	s13 =	sadd.s32 $0x800, s13;
	[dreg:$0x8] =	wrdreg s10  }
0x15: {  	s19 =	sadd.s32 s9, s6;
	s10 =	sadd.s32 $0x80, s10;
	[dreg:$0x7] =	wrdreg s13  }
0x16: {  	s7 =	simm.s32 $0x8500;
	s14 =	sshll.u32 s19, $0x3;
	[dreg:$0x9] =	wrdreg s10  }
0x17: {  	s10 =	sadd.s32 s15, s4;
	s13 =	sadd.s32 $0xFFFFFFFE, s9;
	s15 =	sadd.s32 s17, s11  }
0x18: {  	[dreg:$0xa] =	wrdreg s10;
	s21 =	sadd.s32 s3, s15;
	s3 =	sadd.s32 s3, s17  }
0x19: {  	s10 =	simm.s32 $0x4;
	s15 =	simm.s32 $0x8580;
	s17 =	simm.s32 $0x8700  }
0x1a: {  	s24 =	sshll.u32 s21, $0x7;
	s3 =	sadd.s32 s11, s3;
	s11 =	sadd.s32 $0x600, s2  }
0x1b: {  	s2 =	smul.u32 $0x2700, s16;
	s31 =	sshll.u32 s21, $0x3;
	s16 =	simm.s32 $0x8680  }
0x1c: {  	s1 =	sadd.s32 s24, s1;
	s3 =	sshll.u32 s3, $0xE;
	s24 =	sshll.u32 s9, $0xE  }
0x1d: {  	[dreg:$0x10] =	wrdreg s11;
	s9 =	simm.s32 $0x8600;
	s1 =	sadd.s32 $0x100, s1  }
.Ltmp0:
0x1e: {  	s22 =	sadd.s32 s3, s0;
	s0 =	sadd.s32 $0x4E1800, s0;
	(pc) =	sbr.rel .LBB2_1-.Ltmp0, $4  }
0x1f: {  	s3 =	simm.s32 $0x1;
	[dreg:$0x12] =	wrdreg s1;
	s1 =	sadd.s32 $0x9, s31  }
0x20: {  	[dreg:$0x15] =	wrdreg s0;
	s28 =	sadd.s32 $0x4000, s22;
	s29 =	sadd.s32 $0x2000, s22  }
0x21: {  	[dreg:$0x13] =	wrdreg s1;
	s1 =	sadd.s32 @!p1 s2, s11;
	s2 =	simm.s32 $0x3  }
0x22: {  	s11 =	simm.s32 $0x2;
	[dreg:$0x14] =	wrdreg s1;
	s1 =	simm.s32 $0x8400  }
.LBB2_7:
0x23: {  	s0 =	simm.s32 @!p0 $0x0;
	s19 =	simm.s32 @!p0 $0x8000;
	s20 =	rddreg [dreg:$0xc]  }
0x24: {  	[tilespmem:s19], [sflag:$0x5] =	stream.linear.gather @!p0 [hbm4b:s20+s0], $0x200, $0x38;
	[tilespmem:$0x1C080] =	vst v63  }
0x25: {  	s20 =	simm.s32 @!p0 $0x5  }
0x26: {  	_ =	swait.ge @!p0 [sflag:s20], $0x200  }
0x27: {  	[sflag:s20] =	ssyncset.done @!p0 $0x0  }
0x28: {  	s21 =	rddreg [dreg:$0xd];
	[sflag:s20] =	ssyncadd.s32 @!p0 $0xFFFFFE00  }
0x29: {  	[tilespmem:s0], [sflag:$0x5] =	stream.linear.gather @!p0 [hbm4b:s21+s0], $0x4000, $0x38;
	[tilespmem:$0x1C080] =	vst v63  }
0x2a: {  	_ =	swait.ge @!p0 [sflag:s20], $0x4000  }
0x2b: {  	[sflag:s20] =	ssyncset.done @!p0 $0x0  }
0x2c: {  	s21 =	simm.s32 @!p0 $0x80;
	[sflag:s20] =	ssyncadd.s32 @!p0 $0xFFFFC000  }
0x2d: {  	[spmem:s4] =	stream.indirect.scatter.add.f32 @!p0 [tilespmem:s0], [sflag:$0x5], $0x80, s19, s21, $0xb8;
	[tilespmem:$0x1C080] =	vst v63  }
0x2e: {  	_ =	swait.ge @!p0 [sflag:s20], $0x4000  }
0x2f: {  	[sflag:s20] =	ssyncset.done @!p0 $0x0  }
0x30: {  	s19 =	rddreg [dreg:$0xe];
	[sflag:s20] =	ssyncadd.s32 @!p0 $0xFFFFC000  }
0x31: {  	[tilespmem:s0], [sflag:$0x5] =	stream.linear.gather @!p0 [hbm4b:s19+s0], $0x4000, $0x38;
	[tilespmem:$0x1C080] =	vst v63  }
0x32: {  	_ =	swait.ge @!p0 [sflag:s20], $0x4000  }
0x33: {  	[sflag:s20] =	ssyncset.done @!p0 $0x0  }
0x34: {  	s19 =	simm.s32 @!p0 $0x8080;
	[sflag:s20] =	ssyncadd.s32 @!p0 $0xFFFFC000  }
0x35: {  	[spmem:s4] =	stream.indirect.scatter.add.f32 @!p0 [tilespmem:s0], [sflag:$0x5], $0x80, s19, s21, $0xb8;
	[tilespmem:$0x1C080] =	vst v63  }
0x36: {  	_ =	swait.ge @!p0 [sflag:s20], $0x4000  }
0x37: {  	[sflag:s20] =	ssyncset.done @!p0 $0x0  }
0x38: {  	s19 =	rddreg [dreg:$0xf];
	[sflag:s20] =	ssyncadd.s32 @!p0 $0xFFFFC000  }
0x39: {  	[tilespmem:s0], [sflag:$0x5] =	stream.linear.gather @!p0 [hbm4b:s19+s0], $0x4000, $0x38;
	[tilespmem:$0x1C080] =	vst v63  }
0x3a: {  	_ =	swait.ge @!p0 [sflag:s20], $0x4000  }
0x3b: {  	[sflag:s20] =	ssyncset.done @!p0 $0x0  }
0x3c: {  	s19 =	simm.s32 @!p0 $0x8100;
	[sflag:s20] =	ssyncadd.s32 @!p0 $0xFFFFC000  }
0x3d: {  	[spmem:s4] =	stream.indirect.scatter.add.f32 @!p0 [tilespmem:s0], [sflag:$0x5], $0x80, s19, s21, $0xb8;
	[tilespmem:$0x1C080] =	vst v63  }
0x3e: {  	_ =	swait.ge @!p0 [sflag:s20], $0x4000  }
0x3f: {  	[sflag:s20] =	ssyncset.done @!p0 $0x0  }
0x40: {  	s19 =	rddreg [dreg:$0x15];
	[sflag:s20] =	ssyncadd.s32 @!p0 $0xFFFFC000  }
0x41: {  	[tilespmem:s0], [sflag:$0x5] =	stream.linear.gather @!p0 [hbm4b:s19+s0], $0x4000, $0x38;
	[tilespmem:$0x1C080] =	vst v63  }
0x42: {  	_ =	swait.ge @!p0 [sflag:s20], $0x4000  }
0x43: {  	[sflag:s20] =	ssyncset.done @!p0 $0x0  }
0x44: {  	s19 =	simm.s32 @!p0 $0x8180;
	[sflag:s20] =	ssyncadd.s32 @!p0 $0xFFFFC000  }
0x45: {  	[spmem:s4] =	stream.indirect.scatter.add.f32 @!p0 [tilespmem:s0], [sflag:$0x5], $0x80, s19, s21, $0xb8;
	[tilespmem:$0x1C080] =	vst v63  }
0x46: {  	_ =	swait.ge @!p0 [sflag:s20], $0x4000  }
0x47: {  	[sflag:s20] =	ssyncset.done @!p0 $0x0  }
0x48: {  	[sflag:s20] =	ssyncadd.s32 @!p0 $0xFFFFC000  }
0x49: {  	[bflag:$0x0] =	sbarrier.arrive $0xFFFF  }
0x4a: {  	s0 =	rddreg [dreg:$0x10]  }
0x4b: {  	s19 =	simm.s32 @p1 $0x1FC5;
	s20 =	rddreg [dreg:$0x17];
	s0 =	sadd.s32 @p1 $0x24900, s0  }
0x4c: {  	[hbm:s0], [sflag:s19] =	dma.local @p1 [spmem:s20], $0x2800  }
0x4d: {  	s0 =	simm.s32 @p1 $0x5  }
0x4e: {  	_ =	swait.ge @p1 [sflag:s0], $0x2800  }
0x4f: {  	s19 =	rddreg [dreg:$0x18]  }
0x50: {  	[sflag:s0] =	ssyncset.done @p1 $0x0;
	s20 =	rddreg [dreg:$0x19]  }
0x51: {  	[sflag:s0] =	ssyncadd.s32 @p1 $0xFFFFD800;
	s0 =	rddreg [dreg:$0x14]  }
0x52: {  	[hbm:s0], [sflag:s19] =	dma.local @!p1 [spmem:s20], $0x2700  }
0x53: {  	s0 =	simm.s32 @!p1 $0x5  }
0x54: {  	_ =	swait.ge @!p1 [sflag:s0], $0x2700  }
0x55: {  	s26 =	rddreg [dreg:$0x16]  }
0x56: {  	s31 =	rddreg [dreg:$0x11];
	s20 =	sadd.s32 $0x1, s26  }
0x57: {  	p2 =	sne.s32 s20, s31  }
.Ltmp1:
0x58: {  	_ = 	snop;
	(pc) =	sbr.rel @!p2 .LBB2_8-.Ltmp1, $3  }
0x59: {  	_ =	sdelay $0x1  }
0x5a: {  	[sflag:s0] =	ssyncset.done @!p1 $0x0  }
0x5b: {  	[sflag:s0] =	ssyncadd.s32 @!p1 $0xFFFFD900  }
.LBB2_1:
0x5c: {  	[dreg:$0x16] =	wrdreg s20  }
0x5d: {  	s0 =	rddreg [dreg:$0x6]  }
0x5e: {  	s25 =	rddreg [dreg:$0x7]  }
0x5f: {  	s26 =	rddreg [dreg:$0x8]  }
0x60: {  	s31 =	rddreg [dreg:$0x9]  }
0x61: {  	[tilespmem:s5], [sflag:$0x1] =	stream.linear.gather [hbm4b:s0+s5], $0x4000, $0x38;
	[tilespmem:$0x1C080] =	vst v63  }
0x62: {  	s0 =	rddreg [dreg:$0xb]  }
0x63: {  	[tilespmem:s30], [sflag:$0x2] =	stream.linear.gather [hbm4b:s25+s5], $0x4000, $0x38;
	[tilespmem:$0x1C080] =	vst v63  }
0x64: {  	s19 =	simm.s32 $0x8000;
	s20 =	rddreg [dreg:$0x2];
	s21 =	sshrl.u32 @p1 s0, $0x3  }
0x65: {  	[tilespmem:s19], [sflag:$0x3] =	stream.linear.gather [hbm4b:s26+s5], $0x400, $0x38;
	[tilespmem:$0x1C080] =	vst v63  }
0x66: {  	[dreg:$0x17] =	wrdreg s21;
	s19 =	simm.s32 @p1 $0x1FC5  }
0x67: {  	[tilespmem:s1], [sflag:$0x3] =	stream.linear.gather [hbm4b:s31+s5], $0x400, $0x38;
	[tilespmem:$0x1C080] =	vst v63  }
0x68: {  	[spmem:s21], [sflag:s19] =	dma.local @p1 [hbm:s20], $0x2800  }
0x69: {  	s19 =	simm.s32 @p1 $0x5  }
0x6a: {  	s0 =	stileid.u32;
	_ =	swait.ge @p1 [sflag:s19], $0x2800  }
0x6b: {  	s21 =	sshll.u32 @!p1 s0, $0x6;
	[sflag:s19] =	ssyncset.done @p1 $0x0  }
0x6c: {  	s0 =	rddreg [dreg:$0xa];
	[sflag:s19] =	ssyncadd.s32 @p1 $0xFFFFD800;
	s19 =	sor.u32 @!p1 $0x1C05, s21  }
0x6d: {  	s0 =	sshrl.u32 @!p1 s0, $0x3;
	[dreg:$0x18] =	wrdreg s19  }
0x6e: {  	[dreg:$0x19] =	wrdreg s0  }
0x6f: {  	[spmem:s0], [sflag:s19] =	dma.local @!p1 [hbm:s20], $0x2700  }
0x70: {  	s19 =	simm.s32 @!p1 $0x5  }
0x71: {  	_ =	swait.ge @!p1 [sflag:s19], $0x2700  }
.Ltmp2:
0x72: {  	[sflag:s19] =	ssyncset.done @!p1 $0x0;
	(pc) =	sbr.rel .LBB2_2-.Ltmp2, $4  }
0x73: {  	[sflag:s19] =	ssyncadd.s32 @!p1 $0xFFFFD900  }
0x74: {  	[bflag:$0x0] =	sbarrier.arrive $0xFFFF  }
0x75: {  	s21 =	rddreg [dreg:$0x13]  }
0x76: {  	s23 =	simm.s32 $0x0;
	s25 =	simm.s32 $0x0;
	s19 =	rddreg [dreg:$0x12]  }
.LBB2_3:
0x77: {  	s26 =	sadd.s32 s6, s23  }
0x78: {  	s26 =	sshll.u32 s26, $0x3  }
0x79: {  	s26 =	sor.u32 $0x2, s26  }
.LBB2_5:
0x7a: {  	_ =	swait.ge [sflag:s2], $0x400  }
0x7b: {  	[sflag:s2] =	ssyncset.done $0x0  }
0x7c: {  	[sflag:s2] =	ssyncadd.s32 $0xFFFFFC00  }
0x7d: {  	_ =	swait.ge [sflag:s3], $0x4000  }
0x7e: {  	[sflag:s3] =	ssyncset.done $0x0  }
0x7f: {  	[sflag:s3] =	ssyncadd.s32 $0xFFFFC000  }
0x80: {  	[spmem:s4] =	stream.indirect.scatter.add.f32 [tilespmem:s5], [sflag:$0x4], $0x80, s1, s8, $0xb8;
	[tilespmem:$0x1C080] =	vst v63  }
0x81: {  	_ =	swait.ge [sflag:s10], $0x4000  }
0x82: {  	p2 =	sge.u32 s26, s14;
	[sflag:s10] =	ssyncset.done $0x0  }
0x83: {  	s0 =	sshll.u32 @!p2 s26, $0xB;
	[sflag:s10] =	ssyncadd.s32 $0xFFFFC000  }
0x84: {  	s0 =	sand.u32 @!p2 $0x1FFFD000, s0;
	s20 =	rddreg [dreg:$0x0]  }
0x85: {  	s0 =	sadd.s32 @!p2 s20, s0;
	s20 =	simm.s32 @!p2 $0x0  }
0x86: {  	[tilespmem:s20], [sflag:$0x1] =	stream.linear.gather @!p2 [hbm4b:s0+s20], $0x4000, $0x38;
	[tilespmem:$0x1C080] =	vst v63  }
0x87: {  	_ =	swait.ge [sflag:s11], $0x4000  }
0x88: {  	[sflag:s11] =	ssyncset.done $0x0  }
0x89: {  	s20 =	sadd.s32 $0xFFFFFFFA, s21;
	[sflag:s11] =	ssyncadd.s32 $0xFFFFC000  }
0x8a: {  	[spmem:s4] =	stream.indirect.scatter.add.f32 [tilespmem:s30], [sflag:$0x4], $0x80, s12, s8, $0xb8;
	[tilespmem:$0x1C080] =	vst v63  }
0x8b: {  	p2 =	sge.u32 s20, s14;
	_ =	swait.ge [sflag:s10], $0x4000  }
0x8c: {  	s0 =	sadd.s32 @!p2 s25, s22;
	s20 =	simm.s32 @!p2 $0x0;
	[sflag:s10] =	ssyncset.done $0x0  }
0x8d: {  	s26 =	simm.s32 @!p2 $0x4000;
	s0 =	sadd.s32 @!p2 $0x1800, s0;
	[sflag:s10] =	ssyncadd.s32 $0xFFFFC000  }
0x8e: {  	[tilespmem:s26], [sflag:$0x2] =	stream.linear.gather @!p2 [hbm4b:s0+s20], $0x4000, $0x38;
	[tilespmem:$0x1C080] =	vst v63  }
0x8f: {  	_ =	swait.ge [sflag:s3], $0x4000  }
0x90: {  	[sflag:s3] =	ssyncset.done $0x0  }
0x91: {  	[sflag:s3] =	ssyncadd.s32 $0xFFFFC000  }
0x92: {  	[spmem:s4] =	stream.indirect.scatter.add.f32 [tilespmem:s5], [sflag:$0x4], $0x80, s7, s8, $0xb8;
	[tilespmem:$0x1C080] =	vst v63  }
0x93: {  	s26 =	sadd.s32 $0xFFFFFFFB, s21;
	_ =	swait.ge [sflag:s10], $0x4000  }
0x94: {  	p2 =	sge.u32 s26, s14;
	[sflag:s10] =	ssyncset.done $0x0  }
0x95: {  	s0 =	sadd.s32 @!p2 s25, s29;
	s20 =	simm.s32 @!p2 $0x0;
	[sflag:s10] =	ssyncadd.s32 $0xFFFFC000  }
0x96: {  	[tilespmem:s20], [sflag:$0x1] =	stream.linear.gather @!p2 [hbm4b:s0+s20], $0x4000, $0x38;
	[tilespmem:$0x1C080] =	vst v63  }
0x97: {  	_ =	swait.ge [sflag:s11], $0x4000  }
0x98: {  	[sflag:s11] =	ssyncset.done $0x0  }
0x99: {  	s31 =	sadd.s32 $0xFFFFFFFC, s21;
	[sflag:s11] =	ssyncadd.s32 $0xFFFFC000  }
0x9a: {  	[spmem:s4] =	stream.indirect.scatter.add.f32 [tilespmem:s30], [sflag:$0x4], $0x80, s15, s8, $0xb8;
	[tilespmem:$0x1C080] =	vst v63  }
0x9b: {  	p2 =	sge.u32 s31, s14;
	_ =	swait.ge [sflag:s10], $0x4000  }
0x9c: {  	s0 =	sadd.s32 @!p2 s25, s22;
	s20 =	simm.s32 @!p2 $0x0;
	[sflag:s10] =	ssyncset.done $0x0  }
0x9d: {  	s26 =	simm.s32 @!p2 $0x4000;
	s0 =	sadd.s32 @!p2 $0x2800, s0;
	[sflag:s10] =	ssyncadd.s32 $0xFFFFC000  }
0x9e: {  	[tilespmem:s26], [sflag:$0x2] =	stream.linear.gather @!p2 [hbm4b:s0+s20], $0x4000, $0x38;
	[tilespmem:$0x1C080] =	vst v63  }
0x9f: {  	_ =	swait.ge [sflag:s3], $0x4000  }
0xa0: {  	[sflag:s3] =	ssyncset.done $0x0  }
0xa1: {  	s20 =	sadd.s32 $0xFFFFFFFD, s21;
	[sflag:s3] =	ssyncadd.s32 $0xFFFFC000  }
0xa2: {  	[spmem:s4] =	stream.indirect.scatter.add.f32 [tilespmem:s5], [sflag:$0x4], $0x80, s9, s8, $0xb8;
	[tilespmem:$0x1C080] =	vst v63  }
0xa3: {  	p2 =	sge.u32 s20, s14;
	_ =	swait.ge [sflag:s10], $0x4000  }
0xa4: {  	s0 =	sadd.s32 @!p2 s25, s22;
	[sflag:s10] =	ssyncset.done $0x0  }
0xa5: {  	s20 =	simm.s32 @!p2 $0x0;
	s0 =	sadd.s32 @!p2 $0x3000, s0;
	[sflag:s10] =	ssyncadd.s32 $0xFFFFC000  }
0xa6: {  	[tilespmem:s20], [sflag:$0x1] =	stream.linear.gather @!p2 [hbm4b:s0+s20], $0x4000, $0x38;
	[tilespmem:$0x1C080] =	vst v63  }
0xa7: {  	_ =	swait.ge [sflag:s11], $0x4000  }
0xa8: {  	[sflag:s11] =	ssyncset.done $0x0  }
0xa9: {  	s26 =	sadd.s32 $0xFFFFFFFE, s21;
	[sflag:s11] =	ssyncadd.s32 $0xFFFFC000  }
0xaa: {  	[spmem:s4] =	stream.indirect.scatter.add.f32 [tilespmem:s30], [sflag:$0x4], $0x80, s16, s8, $0xb8;
	[tilespmem:$0x1C080] =	vst v63  }
0xab: {  	p2 =	sge.u32 s26, s14;
	_ =	swait.ge [sflag:s10], $0x4000  }
0xac: {  	s0 =	sadd.s32 @!p2 s25, s22;
	s20 =	simm.s32 @!p2 $0x0;
	[sflag:s10] =	ssyncset.done $0x0  }
0xad: {  	s26 =	simm.s32 @!p2 $0x4000;
	s0 =	sadd.s32 @!p2 $0x3800, s0;
	[sflag:s10] =	ssyncadd.s32 $0xFFFFC000  }
0xae: {  	[tilespmem:s26], [sflag:$0x2] =	stream.linear.gather @!p2 [hbm4b:s0+s20], $0x4000, $0x38;
	[tilespmem:$0x1C080] =	vst v63  }
0xaf: {  	_ =	swait.ge [sflag:s3], $0x4000  }
0xb0: {  	[sflag:s3] =	ssyncset.done $0x0  }
0xb1: {  	[sflag:s3] =	ssyncadd.s32 $0xFFFFC000  }
0xb2: {  	[spmem:s4] =	stream.indirect.scatter.add.f32 [tilespmem:s5], [sflag:$0x4], $0x80, s17, s8, $0xb8;
	[tilespmem:$0x1C080] =	vst v63  }
0xb3: {  	s31 =	sadd.s32 $0xFFFFFFFF, s21;
	_ =	swait.ge [sflag:s10], $0x4000  }
0xb4: {  	p2 =	sge.u32 s31, s14;
	[sflag:s10] =	ssyncset.done $0x0  }
0xb5: {  	s0 =	sadd.s32 @!p2 s25, s28;
	s20 =	simm.s32 @!p2 $0x0;
	[sflag:s10] =	ssyncadd.s32 $0xFFFFC000  }
0xb6: {  	[tilespmem:s20], [sflag:$0x1] =	stream.linear.gather @!p2 [hbm4b:s0+s20], $0x4000, $0x38;
	[tilespmem:$0x1C080] =	vst v63  }
0xb7: {  	_ =	swait.ge [sflag:s11], $0x4000  }
0xb8: {  	[sflag:s11] =	ssyncset.done $0x0  }
0xb9: {  	[sflag:s11] =	ssyncadd.s32 $0xFFFFC000  }
0xba: {  	[spmem:s4] =	stream.indirect.scatter.add.f32 [tilespmem:s30], [sflag:$0x4], $0x80, s18, s8, $0xb8;
	[tilespmem:$0x1C080] =	vst v63  }
0xbb: {  	p2 =	sge.u32 s21, s14;
	_ =	swait.ge [sflag:s10], $0x4000  }
0xbc: {  	s0 =	sadd.s32 @!p2 s25, s22;
	s20 =	simm.s32 @!p2 $0x0;
	[sflag:s10] =	ssyncset.done $0x0  }
0xbd: {  	s26 =	simm.s32 @!p2 $0x4000;
	s0 =	sadd.s32 @!p2 $0x4800, s0;
	[sflag:s10] =	ssyncadd.s32 $0xFFFFC000  }
0xbe: {  	[tilespmem:s26], [sflag:$0x2] =	stream.linear.gather @!p2 [hbm4b:s0+s20], $0x4000, $0x38;
	[tilespmem:$0x1C080] =	vst v63  }
0xbf: {  	p2 =	sge.u32 s23, s13  }
0xc0: {  	s0 =	simm.s32 @!p2 $0x0;
	s20 =	simm.s32 @!p2 $0x8400  }
0xc1: {  	[tilespmem:s20], [sflag:$0x3] =	stream.linear.gather @!p2 [hbm4b:s19+s0], $0x400, $0x38;
	[tilespmem:$0x1C080] =	vst v63  }
.LBB2_6:
0xc2: {  	s25 =	sadd.s32 $0x4000, s25  }
0xc3: {  	p2 =	sne.s32 s24, s25  }
.Ltmp3:
0xc4: {  	_ = 	snop;
	(pc) =	sbr.rel @!p2 .LBB2_7-.Ltmp3, $2  }
0xc5: {  	_ =	sdelay $0x2  }
0xc6: {  	s23 =	sadd.s32 $0x1, s23;
	s19 =	sadd.s32 $0x80, s19;
	s21 =	sadd.s32 $0x8, s21  }
.LBB2_2:
0xc7: {  	s26 =	sand.u32 $0x1, s23  }
0xc8: {  	p2 =	seq.s32 s26, $0x0  }
.Ltmp4:
0xc9: {  	_ = 	snop;
	(pc) =	sbr.rel @!p2 .LBB2_3-.Ltmp4, $1  }
0xca: {  	_ =	sdelay $0x3  }
0xcb: {  	_ =	swait.ge [sflag:s2], $0x400  }
0xcc: {  	[sflag:s2] =	ssyncset.done $0x0  }
0xcd: {  	[sflag:s2] =	ssyncadd.s32 $0xFFFFFC00  }
0xce: {  	_ =	swait.ge [sflag:s3], $0x4000  }
0xcf: {  	[sflag:s3] =	ssyncset.done $0x0  }
0xd0: {  	s0 =	simm.s32 $0x8000;
	s26 =	sadd.s32 $0xFFFFFFF9, s21;
	[sflag:s3] =	ssyncadd.s32 $0xFFFFC000  }
0xd1: {  	[spmem:s4] =	stream.indirect.scatter.add.f32 [tilespmem:s5], [sflag:$0x4], $0x80, s0, s8, $0xb8;
	[tilespmem:$0x1C080] =	vst v63  }
0xd2: {  	p3 =	sge.u32 s26, s14;
	_ =	swait.ge [sflag:s10], $0x4000  }
0xd3: {  	s20 =	sadd.s32 @!p3 s25, s22;
	[sflag:s10] =	ssyncset.done $0x0  }
0xd4: {  	s31 =	simm.s32 @!p3 $0x0;
	s20 =	sadd.s32 @!p3 $0x1000, s20;
	[sflag:s10] =	ssyncadd.s32 $0xFFFFC000  }
0xd5: {  	[tilespmem:s31], [sflag:$0x1] =	stream.linear.gather @!p3 [hbm4b:s20+s31], $0x4000, $0x38;
	[tilespmem:$0x1C080] =	vst v63  }
0xd6: {  	_ =	swait.ge [sflag:s11], $0x4000  }
0xd7: {  	[sflag:s11] =	ssyncset.done $0x0  }
0xd8: {  	s0 =	sadd.s32 $0xFFFFFFFA, s21;
	s31 =	simm.s32 $0x8080;
	[sflag:s11] =	ssyncadd.s32 $0xFFFFC000  }
0xd9: {  	[spmem:s4] =	stream.indirect.scatter.add.f32 [tilespmem:s30], [sflag:$0x4], $0x80, s31, s8, $0xb8;
	[tilespmem:$0x1C080] =	vst v63  }
0xda: {  	p3 =	sge.u32 s0, s14;
	_ =	swait.ge [sflag:s10], $0x4000  }
0xdb: {  	s20 =	sadd.s32 @!p3 s25, s22;
	s0 =	simm.s32 @!p3 $0x4000;
	[sflag:s10] =	ssyncset.done $0x0  }
0xdc: {  	s20 =	sadd.s32 @!p3 $0x1800, s20;
	s31 =	simm.s32 @!p3 $0x0;
	[sflag:s10] =	ssyncadd.s32 $0xFFFFC000  }
0xdd: {  	[tilespmem:s0], [sflag:$0x2] =	stream.linear.gather @!p3 [hbm4b:s20+s31], $0x4000, $0x38;
	[tilespmem:$0x1C080] =	vst v63  }
0xde: {  	_ =	swait.ge [sflag:s3], $0x4000  }
0xdf: {  	[sflag:s3] =	ssyncset.done $0x0  }
0xe0: {  	s31 =	simm.s32 $0x8100;
	[sflag:s3] =	ssyncadd.s32 $0xFFFFC000  }
0xe1: {  	[spmem:s4] =	stream.indirect.scatter.add.f32 [tilespmem:s5], [sflag:$0x4], $0x80, s31, s8, $0xb8;
	[tilespmem:$0x1C080] =	vst v63  }
0xe2: {  	s20 =	sadd.s32 $0xFFFFFFFB, s21;
	_ =	swait.ge [sflag:s10], $0x4000  }
0xe3: {  	p3 =	sge.u32 s20, s14;
	[sflag:s10] =	ssyncset.done $0x0  }
0xe4: {  	s0 =	sadd.s32 @!p3 s25, s29;
	s20 =	simm.s32 @!p3 $0x0;
	[sflag:s10] =	ssyncadd.s32 $0xFFFFC000  }
0xe5: {  	[tilespmem:s20], [sflag:$0x1] =	stream.linear.gather @!p3 [hbm4b:s0+s20], $0x4000, $0x38;
	[tilespmem:$0x1C080] =	vst v63  }
0xe6: {  	_ =	swait.ge [sflag:s11], $0x4000  }
0xe7: {  	[sflag:s11] =	ssyncset.done $0x0  }
0xe8: {  	s31 =	simm.s32 $0x8180;
	s20 =	sadd.s32 $0xFFFFFFFC, s21;
	[sflag:s11] =	ssyncadd.s32 $0xFFFFC000  }
0xe9: {  	[spmem:s4] =	stream.indirect.scatter.add.f32 [tilespmem:s30], [sflag:$0x4], $0x80, s31, s8, $0xb8;
	[tilespmem:$0x1C080] =	vst v63  }
0xea: {  	p3 =	sge.u32 s20, s14;
	_ =	swait.ge [sflag:s10], $0x4000  }
0xeb: {  	s0 =	sadd.s32 @!p3 s25, s22;
	s20 =	simm.s32 @!p3 $0x0;
	[sflag:s10] =	ssyncset.done $0x0  }
0xec: {  	s0 =	sadd.s32 @!p3 $0x2800, s0;
	s31 =	simm.s32 @!p3 $0x4000;
	[sflag:s10] =	ssyncadd.s32 $0xFFFFC000  }
0xed: {  	[tilespmem:s31], [sflag:$0x2] =	stream.linear.gather @!p3 [hbm4b:s0+s20], $0x4000, $0x38;
	[tilespmem:$0x1C080] =	vst v63  }
0xee: {  	_ =	swait.ge [sflag:s3], $0x4000  }
0xef: {  	[sflag:s3] =	ssyncset.done $0x0  }
0xf0: {  	s31 =	simm.s32 $0x8200;
	s20 =	sadd.s32 $0xFFFFFFFD, s21;
	[sflag:s3] =	ssyncadd.s32 $0xFFFFC000  }
0xf1: {  	[spmem:s4] =	stream.indirect.scatter.add.f32 [tilespmem:s5], [sflag:$0x4], $0x80, s31, s8, $0xb8;
	[tilespmem:$0x1C080] =	vst v63  }
0xf2: {  	p3 =	sge.u32 s20, s14;
	_ =	swait.ge [sflag:s10], $0x4000  }
0xf3: {  	s0 =	sadd.s32 @!p3 s25, s22;
	[sflag:s10] =	ssyncset.done $0x0  }
0xf4: {  	s20 =	simm.s32 @!p3 $0x0;
	s0 =	sadd.s32 @!p3 $0x3000, s0;
	[sflag:s10] =	ssyncadd.s32 $0xFFFFC000  }
0xf5: {  	[tilespmem:s20], [sflag:$0x1] =	stream.linear.gather @!p3 [hbm4b:s0+s20], $0x4000, $0x38;
	[tilespmem:$0x1C080] =	vst v63  }
0xf6: {  	_ =	swait.ge [sflag:s11], $0x4000  }
0xf7: {  	[sflag:s11] =	ssyncset.done $0x0  }
0xf8: {  	s31 =	simm.s32 $0x8280;
	s20 =	sadd.s32 $0xFFFFFFFE, s21;
	[sflag:s11] =	ssyncadd.s32 $0xFFFFC000  }
0xf9: {  	[spmem:s4] =	stream.indirect.scatter.add.f32 [tilespmem:s30], [sflag:$0x4], $0x80, s31, s8, $0xb8;
	[tilespmem:$0x1C080] =	vst v63  }
0xfa: {  	p3 =	sge.u32 s20, s14;
	_ =	swait.ge [sflag:s10], $0x4000  }
0xfb: {  	s0 =	sadd.s32 @!p3 s25, s22;
	s20 =	simm.s32 @!p3 $0x0;
	[sflag:s10] =	ssyncset.done $0x0  }
0xfc: {  	s0 =	sadd.s32 @!p3 $0x3800, s0;
	s31 =	simm.s32 @!p3 $0x4000;
	[sflag:s10] =	ssyncadd.s32 $0xFFFFC000  }
0xfd: {  	[tilespmem:s31], [sflag:$0x2] =	stream.linear.gather @!p3 [hbm4b:s0+s20], $0x4000, $0x38;
	[tilespmem:$0x1C080] =	vst v63  }
0xfe: {  	_ =	swait.ge [sflag:s3], $0x4000  }
0xff: {  	[sflag:s3] =	ssyncset.done $0x0  }
0x100: {  	s31 =	simm.s32 $0x8300;
	[sflag:s3] =	ssyncadd.s32 $0xFFFFC000  }
0x101: {  	[spmem:s4] =	stream.indirect.scatter.add.f32 [tilespmem:s5], [sflag:$0x4], $0x80, s31, s8, $0xb8;
	[tilespmem:$0x1C080] =	vst v63  }
0x102: {  	s20 =	sadd.s32 $0xFFFFFFFF, s21;
	_ =	swait.ge [sflag:s10], $0x4000  }
0x103: {  	p3 =	sge.u32 s20, s14;
	[sflag:s10] =	ssyncset.done $0x0  }
0x104: {  	s0 =	sadd.s32 @!p3 s25, s28;
	s20 =	simm.s32 @!p3 $0x0;
	[sflag:s10] =	ssyncadd.s32 $0xFFFFC000  }
0x105: {  	[tilespmem:s20], [sflag:$0x1] =	stream.linear.gather @!p3 [hbm4b:s0+s20], $0x4000, $0x38;
	[tilespmem:$0x1C080] =	vst v63  }
0x106: {  	_ =	swait.ge [sflag:s11], $0x4000  }
0x107: {  	[sflag:s11] =	ssyncset.done $0x0  }
0x108: {  	s31 =	simm.s32 $0x8380;
	[sflag:s11] =	ssyncadd.s32 $0xFFFFC000  }
0x109: {  	[spmem:s4] =	stream.indirect.scatter.add.f32 [tilespmem:s30], [sflag:$0x4], $0x80, s31, s8, $0xb8;
	[tilespmem:$0x1C080] =	vst v63  }
0x10a: {  	p3 =	sge.u32 s21, s14;
	_ =	swait.ge [sflag:s10], $0x4000  }
0x10b: {  	s0 =	sadd.s32 @!p3 s25, s22;
	s20 =	simm.s32 @!p3 $0x0;
	[sflag:s10] =	ssyncset.done $0x0  }
0x10c: {  	s0 =	sadd.s32 @!p3 $0x4800, s0;
	s31 =	simm.s32 @!p3 $0x4000;
	[sflag:s10] =	ssyncadd.s32 $0xFFFFC000  }
0x10d: {  	[tilespmem:s31], [sflag:$0x2] =	stream.linear.gather @!p3 [hbm4b:s0+s20], $0x4000, $0x38;
	[tilespmem:$0x1C080] =	vst v63  }
.Ltmp5:
0x10e: {  	_ = 	snop;
	(pc) =	sbr.rel @p2 .LBB2_6-.Ltmp5, $4  }
.Ltmp6:
0x10f: {  	_ = 	snop;
	(pc) =	sbr.rel @!p2 .LBB2_5-.Ltmp6, $4  }
0x110: {  	p3 =	sge.u32 s23, s13  }
0x111: {  	s0 =	simm.s32 @!p3 $0x0;
	s20 =	simm.s32 @!p3 $0x8000  }
0x112: {  	[tilespmem:s20], [sflag:$0x3] =	stream.linear.gather @!p3 [hbm4b:s19+s0], $0x400, $0x38;
	[tilespmem:$0x1C080] =	vst v63  }
0x113: {  	_ = 	snop  }
.LBB2_8:
0x114: {  	_ =	sfence.sel $0x180000  }
0x115: {  	[bflag:$0x0] =	sbarrier.arrive $0xFFFF  }
0x116: {  	_ =	strace $0x90000047  }
0x117: {  	s0 =	stileid.u32;
	[bflag:$0x2] =	sbarrier.arrive $0xFFFF  }
0x118: {  	p0 =	sne.s32 s0, $0x0;
	s0 =	rddreg [dreg:$0x5]  }
0x119: {  	s0 =	sadd.s32 @!p0 $0x100000, s0  }
0x11a: {  	[sflag:s0] =	ssyncadd.tile.s32 @!p0 $0x1;
	_ =	shalt  }
.Lfunc_end2:
_tile_overlayer_lowered:
.L_overlay_start_2:
0x11b: {  	(tag) =	ssettag $0x2  }
0x11c: {  	s0 =	rddreg [dreg:$0x0];
	s2 =	stileid.u32  }
0x11d: {  	s1 =	rddreg [dreg:$0x1];
	p0 =	sne.s32 s2, $0x0  }
0x11e: {  	s3 =	rddreg [dreg:$0x2];
	[bflag:$0x3] =	sbarrier.arrive $0xFFFF;
	s2 =	simm.s32 @!p0 $0x1C05  }
0x11f: {  	[timem:s3], [sflag:s2] =	dma.local @!p0 [hbm:s0], s1  }
0x120: {  	s0 =	simm.s32 @!p0 $0x5  }
0x121: {  	_ =	swait.ge @!p0 [sflag:s0], s1  }
0x122: {  	s1 =	ssub.s32 @!p0 $0x0, s1;
	[sflag:s0] =	ssyncset.done @!p0 $0x0  }
0x123: {  	[sflag:s0] =	ssyncadd.s32 @!p0 s1  }
0x124: {  	[bflag:$0x3] =	sbarrier.arrive $0xFFFF  }
0x125: {  	_ =	shalt  }

</sc_bundles>
